<compile_context>
chip_gen: v7x
topology: tpu7x:2x2x1
jax: 0.10.2.dev20260603
libtpu: 0.0.44.dev20260713+nightly
codegen_flags: <defaults>
</compile_context>

<pallas_src>
import functools

import jax
import jax.numpy as jnp
from jax import lax
from jax.experimental import pallas as pl
from jax.experimental.pallas import tpu as pltpu
from jax.experimental.pallas import tpu_sc as plsc

NC = 2
NS = 16
NW = NC * NS
B_IDX = 128


def _make_deg_kernel(n_pad, g_per_tile, rpt):

  @functools.partial(
      pl.kernel,
      out_type=jax.ShapeDtypeStruct((NC, n_pad, 16), jnp.float32),
      mesh=plsc.VectorSubcoreMesh(core_axis_name="c", subcore_axis_name="s"),
      scratch_types=[
          pltpu.VMEM((g_per_tile, B_IDX), jnp.int32),
          pltpu.VMEM((B_IDX, 16), jnp.float32),
          pltpu.VMEM_SHARED((n_pad, 16), jnp.float32),
      ],
      compiler_params=pltpu.CompilerParams(use_tc_tiling_on_sc=False),
  )
  def deg_kernel(dstg_hbm, zeros_hbm, ones_hbm, out_hbm, idx_v, ones_v, acc_sh):
    cid = lax.axis_index("c")
    sid = lax.axis_index("s")
    wid = cid * NS + sid
    pltpu.sync_copy(ones_hbm, ones_v)
    pltpu.sync_copy(dstg_hbm.at[pl.ds(wid * g_per_tile, g_per_tile)], idx_v)
    pltpu.sync_copy(zeros_hbm, acc_sh.at[pl.ds(sid * rpt, rpt)])
    plsc.subcore_barrier()

    def body(g, carry):
      pltpu.sync_copy(ones_v, acc_sh.at[idx_v.at[g]], add=True)
      return carry

    lax.fori_loop(0, g_per_tile, body, 0)
    plsc.subcore_barrier()
    pltpu.sync_copy(
        acc_sh.at[pl.ds(sid * rpt, rpt)],
        out_hbm.at[cid].at[pl.ds(sid * rpt, rpt)],
    )

  return deg_kernel


def _make_agg_kernel(n_pad, d, g0, g1, rpt, b_idx):

  ch = 8
  assert g0 % ch == 0 and g1 % ch == 0

  @functools.partial(
      pl.kernel,
      out_type=jax.ShapeDtypeStruct((NC, n_pad, d), jnp.float32),
      mesh=plsc.VectorSubcoreMesh(core_axis_name="c", subcore_axis_name="s"),
      scratch_types=[
          pltpu.VMEM((2, ch, b_idx), jnp.int32),
          pltpu.VMEM((2, ch, b_idx), jnp.int32),
          pltpu.VMEM((2, b_idx, d), jnp.float32),
          pltpu.VMEM_SHARED((n_pad, d), jnp.float32),
          pltpu.SemaphoreType.DMA,
          pltpu.SemaphoreType.DMA,
          pltpu.SemaphoreType.DMA,
      ],
      compiler_params=pltpu.CompilerParams(use_tc_tiling_on_sc=False),
  )
  def agg_kernel(
      table_hbm, srcg_hbm, dstg_hbm, out_hbm, si_v, di_v, rows_v, acc_sh, sem,
      isem, ssem
  ):
    cid = lax.axis_index("c")
    sid = lax.axis_index("s")
    base = jnp.where(cid == 0, sid * g0, NS * g0 + sid * g1)
    ng = jnp.where(cid == 0, g0, g1)

    def zrow(r, carry):
      for cc in range(d // 16):
        rows_v[0, r, pl.ds(cc * 16, 16)] = jnp.zeros((16,), jnp.float32)
      return carry

    lax.fori_loop(0, b_idx, zrow, 0)
    for t in range(rpt // b_idx):
      pltpu.sync_copy(
          rows_v.at[0], acc_sh.at[pl.ds(sid * rpt + t * b_idx, b_idx)]
      )
    plsc.subcore_barrier()

    pltpu.sync_copy(srcg_hbm.at[pl.ds(base, ch)], si_v.at[0])
    pltpu.sync_copy(dstg_hbm.at[pl.ds(base, ch)], di_v.at[0])
    pltpu.async_copy(table_hbm.at[si_v.at[0].at[0]], rows_v.at[0], sem)

    def body(g, carry):
      b = lax.rem(g, 2)
      j = lax.rem(g, ch)
      slot = lax.rem(lax.div(g, ch), 2)
      nslot = lax.rem(slot + 1, 2)
      nx = base + g + ch

      @pl.when(jnp.logical_and(j == 0, g + ch < ng))
      def _():
        pltpu.async_copy(srcg_hbm.at[pl.ds(nx, ch)], si_v.at[nslot], isem)
        pltpu.async_copy(dstg_hbm.at[pl.ds(nx, ch)], di_v.at[nslot], isem)

      pltpu.make_async_copy(
          table_hbm.at[si_v.at[slot].at[j]], rows_v.at[b], sem
      ).wait()

      @pl.when(jnp.logical_and(j == ch - 1, g + 1 < ng))
      def _():
        nx2 = base + g + 1
        pltpu.make_async_copy(
            srcg_hbm.at[pl.ds(nx2, ch)], si_v.at[nslot], isem
        ).wait()
        pltpu.make_async_copy(
            dstg_hbm.at[pl.ds(nx2, ch)], di_v.at[nslot], isem
        ).wait()

      @pl.when(g >= 1)
      def _():
        jp = lax.rem(g - 1, ch)
        slotp = lax.rem(lax.div(g - 1, ch), 2)
        pltpu.make_async_copy(
            rows_v.at[lax.rem(g + 1, 2)],
            acc_sh.at[di_v.at[slotp].at[jp]], ssem
        ).wait()

      @pl.when(g + 1 < ng)
      def _():
        j1 = lax.rem(g + 1, ch)
        slot1 = lax.rem(lax.div(g + 1, ch), 2)
        pltpu.async_copy(
            table_hbm.at[si_v.at[slot1].at[j1]], rows_v.at[lax.rem(g + 1, 2)],
            sem
        )

      pltpu.async_copy(
          rows_v.at[b], acc_sh.at[di_v.at[slot].at[j]], ssem, add=True
      )
      return carry

    lax.fori_loop(0, ng, body, 0)
    jl = lax.rem(ng - 1, ch)
    slotl = lax.rem(lax.div(ng - 1, ch), 2)
    pltpu.make_async_copy(
        rows_v.at[lax.rem(ng - 1, 2)], acc_sh.at[di_v.at[slotl].at[jl]], ssem
    ).wait()
    plsc.subcore_barrier()
    pltpu.sync_copy(
        acc_sh.at[pl.ds(sid * rpt, rpt)],
        out_hbm.at[cid].at[pl.ds(sid * rpt, rpt)],
    )

  return agg_kernel


def _dinv(d0, d1):
  deg = d0[:, 0] + d1[:, 0] + 1.0
  return lax.rsqrt(deg)


def _tc1_body(x_ref, w1_ref, d0_ref, d1_ref, h_ref, hp_ref):
  dinv = _dinv(d0_ref[...], d1_ref[...])
  h = jnp.dot(x_ref[...], w1_ref[...], preferred_element_type=jnp.float32)
  h_ref[...] = h
  hp_ref[...] = h * dinv[:, None]


def _tc2_body(d0_ref, d1_ref, a0_ref, a1_ref, h_ref, b1_ref, w2_ref,
              g_ref, gp_ref):
  dinv = _dinv(d0_ref[...], d1_ref[...])
  out1 = (
      dinv[:, None] * (a0_ref[...] + a1_ref[...])
      + (dinv * dinv)[:, None] * h_ref[...]
      + b1_ref[...]
  )
  g = jnp.dot(out1, w2_ref[...], preferred_element_type=jnp.float32)
  g_ref[...] = g
  gp_ref[...] = g * dinv[:, None]


def _tc3_body(d0_ref, d1_ref, q0_ref, q1_ref, g_ref, b2_ref, out_ref):
  dinv = _dinv(d0_ref[...], d1_ref[...])
  out_ref[...] = (
      dinv[:, None] * (q0_ref[...] + q1_ref[...])
      + (dinv * dinv)[:, None] * g_ref[...]
      + b2_ref[...]
  )


def kernel(x, edge_index, W1, b1, W2, b2):
  n, d_in = x.shape
  d_hid = W1.shape[1]
  n_cls = W2.shape[1]
  e = edge_index.shape[1]

  n_pad = ((n + 1 + 1023) // 1024) * 1024
  rpt = n_pad // NS
  e_grp = NW * B_IDX * 8
  e_pad = ((e + e_grp - 1) // e_grp) * e_grp
  g_per_tile = e_pad // (NW * B_IDX)
  d2 = ((n_cls + 15) // 16) * 16

  src = edge_index[0].astype(jnp.int32)
  dst = edge_index[1].astype(jnp.int32)
  pad = jnp.full((e_pad - e,), n, dtype=jnp.int32)
  src_flat = jnp.concatenate([src, pad])
  dst_flat = jnp.concatenate([dst, pad])
  srcg = src_flat.reshape(e_pad // B_IDX, B_IDX)
  dstg = dst_flat.reshape(e_pad // B_IDX, B_IDX)
  b1x = 64
  srcg1 = src_flat.reshape(e_pad // b1x, b1x)
  dstg1 = dst_flat.reshape(e_pad // b1x, b1x)

  x_pad = jnp.zeros((n_pad, d_in), x.dtype).at[:n].set(x)
  w2_pad = jnp.zeros((d_hid, d2), W2.dtype).at[:, :n_cls].set(W2)
  b1_2d = b1.reshape(1, d_hid)
  b2_2d = jnp.zeros((1, d2), b2.dtype).at[0, :n_cls].set(b2)

  zeros16 = jnp.zeros((rpt, 16), jnp.float32)
  ones16 = jnp.ones((B_IDX, 16), jnp.float32)

  degp = _make_deg_kernel(n_pad, g_per_tile, rpt)(dstg, zeros16, ones16)

  blk = 2048
  grid = (n_pad // blk,)
  row_spec = lambda w: pl.BlockSpec((blk, w), lambda i: (i, 0))
  full_spec = lambda a, b: pl.BlockSpec((a, b), lambda i: (0, 0))
  h, hp = pl.pallas_call(
      _tc1_body,
      grid=grid,
      in_specs=[
          row_spec(d_in),
          full_spec(d_in, d_hid),
          row_spec(16),
          row_spec(16),
      ],
      out_specs=[row_spec(d_hid), row_spec(d_hid)],
      out_shape=[
          jax.ShapeDtypeStruct((n_pad, d_hid), jnp.float32),
          jax.ShapeDtypeStruct((n_pad, d_hid), jnp.float32),
      ],
  )(x_pad, W1, degp[0], degp[1])

  tg1 = e_pad // (NS * b1x)
  g1a = 272
  aggp = _make_agg_kernel(n_pad, d_hid, g1a, tg1 - g1a, rpt, b1x)(
      hp, srcg1, dstg1)

  g, gp = pl.pallas_call(
      _tc2_body,
      grid=grid,
      in_specs=[
          row_spec(16),
          row_spec(16),
          row_spec(d_hid),
          row_spec(d_hid),
          row_spec(d_hid),
          full_spec(1, d_hid),
          full_spec(d_hid, d2),
      ],
      out_specs=[row_spec(d2), row_spec(d2)],
      out_shape=[
          jax.ShapeDtypeStruct((n_pad, d2), jnp.float32),
          jax.ShapeDtypeStruct((n_pad, d2), jnp.float32),
      ],
  )(degp[0], degp[1], aggp[0], aggp[1], h, b1_2d, w2_pad)

  tg2 = e_pad // (NS * B_IDX)
  g2a = 128
  qp = _make_agg_kernel(n_pad, d2, g2a, tg2 - g2a, rpt, B_IDX)(gp, srcg, dstg)

  out = pl.pallas_call(
      _tc3_body,
      grid=grid,
      in_specs=[
          row_spec(16),
          row_spec(16),
          row_spec(d2),
          row_spec(d2),
          row_spec(d2),
          full_spec(1, d2),
      ],
      out_specs=row_spec(d2),
      out_shape=jax.ShapeDtypeStruct((n_pad, d2), jnp.float32),
  )(degp[0], degp[1], qp[0], qp[1], g, b2_2d)

  return out[:n, :n_cls]

# --- scband reference (transcript-rebuilt; emitter-appended) ---
"""Pipeline reference for scband-simple-gnn-74517682586571 (READ-ONLY COPY).

The authoritative reference and input builder live on the scoring server;
editing this copy changes nothing except your own understanding.
"""

import jax, jax.numpy as jnp
import numpy as np

N_NODES = 10000
N_EDGES = 320000
D_IN = 128
D_HID = 128
N_CLASSES = 40


def setup_inputs(seed: int = 0) -> dict:
    key = jax.random.key(seed)
    k1, k2, k3, k4, k5, k6 = jax.random.split(key, 6)
    x = jax.random.normal(k1, (N_NODES, D_IN), dtype=jnp.float32)
    edge_index = jax.random.randint(k2, (2, N_EDGES), 0, N_NODES, dtype=jnp.int64)
    # GCNConv weights (glorot-ish) and biases
    W1 = jax.random.normal(k3, (D_IN, D_HID), dtype=jnp.float32) * (1.0 / np.sqrt(D_IN))
    b1 = jnp.zeros((D_HID,), dtype=jnp.float32)
    W2 = jax.random.normal(k4, (D_HID, N_CLASSES), dtype=jnp.float32) * (1.0 / np.sqrt(D_HID))
    b2 = jnp.zeros((N_CLASSES,), dtype=jnp.float32)
    return {"x": x, "edge_index": edge_index, "W1": W1, "b1": b1, "W2": W2, "b2": b2}


def _gcn_conv(x, src, dst, W, b, num_nodes):
    # x' = D^{-1/2} (A + I) D^{-1/2} X W + b   (PyG GCNConv default)
    h = x @ W
    deg = jnp.zeros((num_nodes,), dtype=x.dtype).at[dst].add(1.0)
    dinv = jnp.where(deg > 0, deg ** -0.5, 0.0)
    norm = dinv[src] * dinv[dst]
    msg = h[src] * norm[:, None]
    out = jnp.zeros((num_nodes, W.shape[1]), dtype=x.dtype).at[dst].add(msg)
    return out + b


def reference(x, edge_index, W1, b1, W2, b2):
    num_nodes = x.shape[0]
    loop = jnp.arange(num_nodes, dtype=edge_index.dtype)
    src = jnp.concatenate([edge_index[0], loop])
    dst = jnp.concatenate([edge_index[1], loop])
    h = _gcn_conv(x, src, dst, W1, b1, num_nodes)
    out = _gcn_conv(h, src, dst, W2, b2, num_nodes)
    return out

if __name__ == "__main__":
    import jax
    _d = setup_inputs()
    print(jax.jit(kernel)(*tuple(_d.values())))

</pallas_src>

<mosaic_0001>
#map = affine_map<(d0, d1) -> (0, 0)>
#map1 = affine_map<(d0, d1) -> (0, 0, 0)>
module attributes {stable_mosaic.version = 14 : i64} {
  func.func @agg_kernel(%arg0: i32, %arg1: i32, %arg2: memref<10240x128xf32, #tpu.memory_space<hbm>>, %arg3: memref<5120x64xi32, #tpu.memory_space<hbm>>, %arg4: memref<5120x64xi32, #tpu.memory_space<hbm>>, %arg5: memref<2x10240x128xf32, #tpu.memory_space<hbm>>, %arg6: memref<2x8x64xi32, #tpu.memory_space<vmem>>, %arg7: memref<2x8x64xi32, #tpu.memory_space<vmem>>, %arg8: memref<2x64x128xf32, #tpu.memory_space<vmem>>, %arg9: memref<10240x128xf32, #tpu.memory_space<vmem_shared>>, %arg10: memref<!tpu.dma_semaphore, #tpu.memory_space<semaphore_mem>>, %arg11: memref<!tpu.dma_semaphore, #tpu.memory_space<semaphore_mem>>, %arg12: memref<!tpu.dma_semaphore, #tpu.memory_space<semaphore_mem>>) attributes {dimension_semantics = [#tpu.dimension_semantics<core_parallel>, #tpu.dimension_semantics<subcore_parallel>], iteration_bounds = array<i64: 2, 16>, scalar_prefetch = 0 : i64, scratch_operands = 7 : i64, tpu.core_type = #tpu.core_type<sc_vector_subcore>, window_params = [{transform_indices = #map}, {transform_indices = #map}, {transform_indices = #map}, {transform_indices = #map1}]} {
    %eq3A = arith.constant 0 : i32
    %eq3A_0 = arith.cmpi eq, %arg0, %eq3A : i32
    %mul3A = arith.constant 272 : i32
    %mul3A_1 = arith.muli %arg1, %mul3A : i32
    %mul3A_2 = arith.constant 48 : i32
    %mul3A_3 = arith.muli %arg1, %mul3A_2 : i32
    %add3A = arith.constant 4352 : i32
    %add3A_4 = arith.addi %add3A, %mul3A_3 : i32
    %select_n3A = arith.select %eq3A_0, %mul3A_1, %add3A_4 : i32
    %eq3A_5 = arith.constant 0 : i32
    %eq3A_6 = arith.cmpi eq, %arg0, %eq3A_5 : i32
    %jit3A = arith.constant 272 : i32
    %jit3A_7 = arith.constant 48 : i32
    %select_n3A_8 = arith.select %eq3A_6, %jit3A, %jit3A_7 : i32
    %scan3A = arith.constant 0 : i32
    %scan3A_9 = arith.constant 0 : i32
    %scan3A_10 = arith.constant 64 : i32
    %scan3A_11 = arith.addi %scan3A_9, %scan3A_10 : i32
    %scan3A_12 = arith.constant 1 : i32
    scf.for %scan3A_119 = %scan3A_9 to %scan3A_11 step %scan3A_12  : i32 {
      %broadcast_in_dim3A = arith.constant 0.000000e+00 : f32
      %broadcast_in_dim3A_120 = vector.broadcast %broadcast_in_dim3A : f32 to vector<16xf32>
      %swap3A = arith.constant 0 : i32
      %swap3A_121 = arith.index_cast %swap3A : i32 to index
      %swap3A_122 = arith.index_cast %scan3A_119 : i32 to index
      %swap3A_123 = arith.constant 0 : index
      %swap3A_124 = tpu.vector_load %arg8[%swap3A_121, %swap3A_122, %swap3A_123] {strides = array<i32>} : memref<2x64x128xf32, #tpu.memory_space<vmem>>, vector<1x1x16xf32>,
      %swap3A_125 = vector.shape_cast %swap3A_124 : vector<1x1x16xf32> to vector<16xf32>
      %swap3A_126 = vector.shape_cast %broadcast_in_dim3A_120 : vector<16xf32> to vector<1x1x16xf32>
      tpu.vector_store %arg8[%swap3A_121, %swap3A_122, %swap3A_123], %swap3A_126 {strides = array<i32>} : memref<2x64x128xf32, #tpu.memory_space<vmem>>, vector<1x1x16xf32>,
      %broadcast_in_dim3A_127 = arith.constant 0.000000e+00 : f32
      %broadcast_in_dim3A_128 = vector.broadcast %broadcast_in_dim3A_127 : f32 to vector<16xf32>
      %swap3A_129 = arith.constant 0 : i32
      %swap3A_130 = arith.index_cast %swap3A_129 : i32 to index
      %swap3A_131 = arith.index_cast %scan3A_119 : i32 to index
      %swap3A_132 = arith.constant 16 : index
      %swap3A_133 = tpu.vector_load %arg8[%swap3A_130, %swap3A_131, %swap3A_132] {strides = array<i32>} : memref<2x64x128xf32, #tpu.memory_space<vmem>>, vector<1x1x16xf32>,
      %swap3A_134 = vector.shape_cast %swap3A_133 : vector<1x1x16xf32> to vector<16xf32>
      %swap3A_135 = vector.shape_cast %broadcast_in_dim3A_128 : vector<16xf32> to vector<1x1x16xf32>
      tpu.vector_store %arg8[%swap3A_130, %swap3A_131, %swap3A_132], %swap3A_135 {strides = array<i32>} : memref<2x64x128xf32, #tpu.memory_space<vmem>>, vector<1x1x16xf32>,
      %broadcast_in_dim3A_136 = arith.constant 0.000000e+00 : f32
      %broadcast_in_dim3A_137 = vector.broadcast %broadcast_in_dim3A_136 : f32 to vector<16xf32>
      %swap3A_138 = arith.constant 0 : i32
      %swap3A_139 = arith.index_cast %swap3A_138 : i32 to index
      %swap3A_140 = arith.index_cast %scan3A_119 : i32 to index
      %swap3A_141 = arith.constant 32 : index
      %swap3A_142 = tpu.vector_load %arg8[%swap3A_139, %swap3A_140, %swap3A_141] {strides = array<i32>} : memref<2x64x128xf32, #tpu.memory_space<vmem>>, vector<1x1x16xf32>,
      %swap3A_143 = vector.shape_cast %swap3A_142 : vector<1x1x16xf32> to vector<16xf32>
      %swap3A_144 = vector.shape_cast %broadcast_in_dim3A_137 : vector<16xf32> to vector<1x1x16xf32>
      tpu.vector_store %arg8[%swap3A_139, %swap3A_140, %swap3A_141], %swap3A_144 {strides = array<i32>} : memref<2x64x128xf32, #tpu.memory_space<vmem>>, vector<1x1x16xf32>,
      %broadcast_in_dim3A_145 = arith.constant 0.000000e+00 : f32
      %broadcast_in_dim3A_146 = vector.broadcast %broadcast_in_dim3A_145 : f32 to vector<16xf32>
      %swap3A_147 = arith.constant 0 : i32
      %swap3A_148 = arith.index_cast %swap3A_147 : i32 to index
      %swap3A_149 = arith.index_cast %scan3A_119 : i32 to index
      %swap3A_150 = arith.constant 48 : index
      %swap3A_151 = tpu.vector_load %arg8[%swap3A_148, %swap3A_149, %swap3A_150] {strides = array<i32>} : memref<2x64x128xf32, #tpu.memory_space<vmem>>, vector<1x1x16xf32>,
      %swap3A_152 = vector.shape_cast %swap3A_151 : vector<1x1x16xf32> to vector<16xf32>
      %swap3A_153 = vector.shape_cast %broadcast_in_dim3A_146 : vector<16xf32> to vector<1x1x16xf32>
      tpu.vector_store %arg8[%swap3A_148, %swap3A_149, %swap3A_150], %swap3A_153 {strides = array<i32>} : memref<2x64x128xf32, #tpu.memory_space<vmem>>, vector<1x1x16xf32>,
      %broadcast_in_dim3A_154 = arith.constant 0.000000e+00 : f32
      %broadcast_in_dim3A_155 = vector.broadcast %broadcast_in_dim3A_154 : f32 to vector<16xf32>
      %swap3A_156 = arith.constant 0 : i32
      %swap3A_157 = arith.index_cast %swap3A_156 : i32 to index
      %swap3A_158 = arith.index_cast %scan3A_119 : i32 to index
      %swap3A_159 = arith.constant 64 : index
      %swap3A_160 = tpu.vector_load %arg8[%swap3A_157, %swap3A_158, %swap3A_159] {strides = array<i32>} : memref<2x64x128xf32, #tpu.memory_space<vmem>>, vector<1x1x16xf32>,
      %swap3A_161 = vector.shape_cast %swap3A_160 : vector<1x1x16xf32> to vector<16xf32>
      %swap3A_162 = vector.shape_cast %broadcast_in_dim3A_155 : vector<16xf32> to vector<1x1x16xf32>
      tpu.vector_store %arg8[%swap3A_157, %swap3A_158, %swap3A_159], %swap3A_162 {strides = array<i32>} : memref<2x64x128xf32, #tpu.memory_space<vmem>>, vector<1x1x16xf32>,
      %broadcast_in_dim3A_163 = arith.constant 0.000000e+00 : f32
      %broadcast_in_dim3A_164 = vector.broadcast %broadcast_in_dim3A_163 : f32 to vector<16xf32>
      %swap3A_165 = arith.constant 0 : i32
      %swap3A_166 = arith.index_cast %swap3A_165 : i32 to index
      %swap3A_167 = arith.index_cast %scan3A_119 : i32 to index
      %swap3A_168 = arith.constant 80 : index
      %swap3A_169 = tpu.vector_load %arg8[%swap3A_166, %swap3A_167, %swap3A_168] {strides = array<i32>} : memref<2x64x128xf32, #tpu.memory_space<vmem>>, vector<1x1x16xf32>,
      %swap3A_170 = vector.shape_cast %swap3A_169 : vector<1x1x16xf32> to vector<16xf32>
      %swap3A_171 = vector.shape_cast %broadcast_in_dim3A_164 : vector<16xf32> to vector<1x1x16xf32>
      tpu.vector_store %arg8[%swap3A_166, %swap3A_167, %swap3A_168], %swap3A_171 {strides = array<i32>} : memref<2x64x128xf32, #tpu.memory_space<vmem>>, vector<1x1x16xf32>,
      %broadcast_in_dim3A_172 = arith.constant 0.000000e+00 : f32
      %broadcast_in_dim3A_173 = vector.broadcast %broadcast_in_dim3A_172 : f32 to vector<16xf32>
      %swap3A_174 = arith.constant 0 : i32
      %swap3A_175 = arith.index_cast %swap3A_174 : i32 to index
      %swap3A_176 = arith.index_cast %scan3A_119 : i32 to index
      %swap3A_177 = arith.constant 96 : index
      %swap3A_178 = tpu.vector_load %arg8[%swap3A_175, %swap3A_176, %swap3A_177] {strides = array<i32>} : memref<2x64x128xf32, #tpu.memory_space<vmem>>, vector<1x1x16xf32>,
      %swap3A_179 = vector.shape_cast %swap3A_178 : vector<1x1x16xf32> to vector<16xf32>
      %swap3A_180 = vector.shape_cast %broadcast_in_dim3A_173 : vector<16xf32> to vector<1x1x16xf32>
      tpu.vector_store %arg8[%swap3A_175, %swap3A_176, %swap3A_177], %swap3A_180 {strides = array<i32>} : memref<2x64x128xf32, #tpu.memory_space<vmem>>, vector<1x1x16xf32>,
      %broadcast_in_dim3A_181 = arith.constant 0.000000e+00 : f32
      %broadcast_in_dim3A_182 = vector.broadcast %broadcast_in_dim3A_181 : f32 to vector<16xf32>
      %swap3A_183 = arith.constant 0 : i32
      %swap3A_184 = arith.index_cast %swap3A_183 : i32 to index
      %swap3A_185 = arith.index_cast %scan3A_119 : i32 to index
      %swap3A_186 = arith.constant 112 : index
      %swap3A_187 = tpu.vector_load %arg8[%swap3A_184, %swap3A_185, %swap3A_186] {strides = array<i32>} : memref<2x64x128xf32, #tpu.memory_space<vmem>>, vector<1x1x16xf32>,
      %swap3A_188 = vector.shape_cast %swap3A_187 : vector<1x1x16xf32> to vector<16xf32>
      %swap3A_189 = vector.shape_cast %broadcast_in_dim3A_182 : vector<16xf32> to vector<1x1x16xf32>
      tpu.vector_store %arg8[%swap3A_184, %swap3A_185, %swap3A_186], %swap3A_189 {strides = array<i32>} : memref<2x64x128xf32, #tpu.memory_space<vmem>>, vector<1x1x16xf32>,
    }
    %scan3A_13 = arith.constant 64 : i32
    %mul3A_14 = arith.constant 640 : i32
    %mul3A_15 = arith.muli %arg1, %mul3A_14 : i32
    %add3A_16 = arith.constant 0 : i32
    %add3A_17 = arith.addi %mul3A_15, %add3A_16 : i32
    %run_scoped3A = arith.constant 0 : i32
    "tpu.region"() ({
      %run_scoped3A_119 = tpu.sem_alloc : memref<!tpu.dma_semaphore, #tpu.memory_space<semaphore_mem>>
      %dma_start3A_120 = arith.constant 0 : i32
      %dma_start3A_121 = arith.constant 0 : i32
      %dma_start3A_122 = tpu.memref_slice %arg8[%run_scoped3A, %dma_start3A_120, %dma_start3A_121] : memref<2x64x128xf32, #tpu.memory_space<vmem>> -> memref<1x64x128xf32, #tpu.memory_space<vmem>>
      %dma_start3A_123 = tpu.memref_squeeze %dma_start3A_122 : memref<1x64x128xf32, #tpu.memory_space<vmem>> -> memref<64x128xf32, #tpu.memory_space<vmem>>
      %dma_start3A_124 = arith.constant 0 : i32
      %dma_start3A_125 = tpu.memref_slice %arg9[%add3A_17, %dma_start3A_124] : memref<10240x128xf32, #tpu.memory_space<vmem_shared>> -> memref<64x128xf32, #tpu.memory_space<vmem_shared>>
      %dma_start3A_126 = arith.constant 0 : i32
      %dma_start3A_127 = tpu.memref_slice %arg9[%add3A_17, %dma_start3A_126] : memref<10240x128xf32, #tpu.memory_space<vmem_shared>> -> memref<64x128xf32, #tpu.memory_space<vmem_shared>>
      %dma_start3A_128 = arith.constant 0 : i32
      %dma_start3A_129 = arith.constant 0 : i32
      %dma_start3A_130 = tpu.memref_slice %arg8[%run_scoped3A, %dma_start3A_128, %dma_start3A_129] : memref<2x64x128xf32, #tpu.memory_space<vmem>> -> memref<1x64x128xf32, #tpu.memory_space<vmem>>
      %dma_start3A_131 = tpu.memref_squeeze %dma_start3A_130 : memref<1x64x128xf32, #tpu.memory_space<vmem>> -> memref<64x128xf32, #tpu.memory_space<vmem>>
      tpu.enqueue_dma source(%dma_start3A_131 : memref<64x128xf32, #tpu.memory_space<vmem>>) target(%dma_start3A_127 : memref<64x128xf32, #tpu.memory_space<vmem_shared>>) target_semaphore(%run_scoped3A_119 : memref<!tpu.dma_semaphore, #tpu.memory_space<semaphore_mem>>)
      %dma_wait3A_132 = arith.constant 0 : i32
      %dma_wait3A_133 = arith.constant 0 : i32
      %dma_wait3A_134 = tpu.memref_slice %arg8[%run_scoped3A, %dma_wait3A_132, %dma_wait3A_133] : memref<2x64x128xf32, #tpu.memory_space<vmem>> -> memref<1x64x128xf32, #tpu.memory_space<vmem>>
      %dma_wait3A_135 = tpu.memref_squeeze %dma_wait3A_134 : memref<1x64x128xf32, #tpu.memory_space<vmem>> -> memref<64x128xf32, #tpu.memory_space<vmem>>
      %dma_wait3A_136 = arith.constant 0 : i32
      %dma_wait3A_137 = tpu.memref_slice %arg9[%add3A_17, %dma_wait3A_136] : memref<10240x128xf32, #tpu.memory_space<vmem_shared>> -> memref<64x128xf32, #tpu.memory_space<vmem_shared>>
      %dma_wait3A_138 = arith.constant 0 : i32
      %dma_wait3A_139 = tpu.memref_slice %arg9[%add3A_17, %dma_wait3A_138] : memref<10240x128xf32, #tpu.memory_space<vmem_shared>> -> memref<64x128xf32, #tpu.memory_space<vmem_shared>>
      %dma_wait3A_140 = arith.constant 0 : i32
      %dma_wait3A_141 = arith.constant 0 : i32
      %dma_wait3A_142 = tpu.memref_slice %arg8[%run_scoped3A, %dma_wait3A_140, %dma_wait3A_141] : memref<2x64x128xf32, #tpu.memory_space<vmem>> -> memref<1x64x128xf32, #tpu.memory_space<vmem>>
      %dma_wait3A_143 = tpu.memref_squeeze %dma_wait3A_142 : memref<1x64x128xf32, #tpu.memory_space<vmem>> -> memref<64x128xf32, #tpu.memory_space<vmem>>
      tpu.wait_dma2 semaphore(%run_scoped3A_119 : memref<!tpu.dma_semaphore, #tpu.memory_space<semaphore_mem>>) src(%dma_wait3A_143 : memref<64x128xf32, #tpu.memory_space<vmem>>) dst(%dma_wait3A_139 : memref<64x128xf32, #tpu.memory_space<vmem_shared>>)
      tpu.yield
    }) : () -> ()
    %mul3A_18 = arith.constant 640 : i32
    %mul3A_19 = arith.muli %arg1, %mul3A_18 : i32
    %add3A_20 = arith.constant 64 : i32
    %add3A_21 = arith.addi %mul3A_19, %add3A_20 : i32
    %run_scoped3A_22 = arith.constant 0 : i32
    "tpu.region"() ({
      %run_scoped3A_119 = tpu.sem_alloc : memref<!tpu.dma_semaphore, #tpu.memory_space<semaphore_mem>>
      %dma_start3A_120 = arith.constant 0 : i32
      %dma_start3A_121 = arith.constant 0 : i32
      %dma_start3A_122 = tpu.memref_slice %arg8[%run_scoped3A_22, %dma_start3A_120, %dma_start3A_121] : memref<2x64x128xf32, #tpu.memory_space<vmem>> -> memref<1x64x128xf32, #tpu.memory_space<vmem>>
      %dma_start3A_123 = tpu.memref_squeeze %dma_start3A_122 : memref<1x64x128xf32, #tpu.memory_space<vmem>> -> memref<64x128xf32, #tpu.memory_space<vmem>>
      %dma_start3A_124 = arith.constant 0 : i32
      %dma_start3A_125 = tpu.memref_slice %arg9[%add3A_21, %dma_start3A_124] : memref<10240x128xf32, #tpu.memory_space<vmem_shared>> -> memref<64x128xf32, #tpu.memory_space<vmem_shared>>
      %dma_start3A_126 = arith.constant 0 : i32
      %dma_start3A_127 = tpu.memref_slice %arg9[%add3A_21, %dma_start3A_126] : memref<10240x128xf32, #tpu.memory_space<vmem_shared>> -> memref<64x128xf32, #tpu.memory_space<vmem_shared>>
      %dma_start3A_128 = arith.constant 0 : i32
      %dma_start3A_129 = arith.constant 0 : i32
      %dma_start3A_130 = tpu.memref_slice %arg8[%run_scoped3A_22, %dma_start3A_128, %dma_start3A_129] : memref<2x64x128xf32, #tpu.memory_space<vmem>> -> memref<1x64x128xf32, #tpu.memory_space<vmem>>
      %dma_start3A_131 = tpu.memref_squeeze %dma_start3A_130 : memref<1x64x128xf32, #tpu.memory_space<vmem>> -> memref<64x128xf32, #tpu.memory_space<vmem>>
      tpu.enqueue_dma source(%dma_start3A_131 : memref<64x128xf32, #tpu.memory_space<vmem>>) target(%dma_start3A_127 : memref<64x128xf32, #tpu.memory_space<vmem_shared>>) target_semaphore(%run_scoped3A_119 : memref<!tpu.dma_semaphore, #tpu.memory_space<semaphore_mem>>)
      %dma_wait3A_132 = arith.constant 0 : i32
      %dma_wait3A_133 = arith.constant 0 : i32
      %dma_wait3A_134 = tpu.memref_slice %arg8[%run_scoped3A_22, %dma_wait3A_132, %dma_wait3A_133] : memref<2x64x128xf32, #tpu.memory_space<vmem>> -> memref<1x64x128xf32, #tpu.memory_space<vmem>>
      %dma_wait3A_135 = tpu.memref_squeeze %dma_wait3A_134 : memref<1x64x128xf32, #tpu.memory_space<vmem>> -> memref<64x128xf32, #tpu.memory_space<vmem>>
      %dma_wait3A_136 = arith.constant 0 : i32
      %dma_wait3A_137 = tpu.memref_slice %arg9[%add3A_21, %dma_wait3A_136] : memref<10240x128xf32, #tpu.memory_space<vmem_shared>> -> memref<64x128xf32, #tpu.memory_space<vmem_shared>>
      %dma_wait3A_138 = arith.constant 0 : i32
      %dma_wait3A_139 = tpu.memref_slice %arg9[%add3A_21, %dma_wait3A_138] : memref<10240x128xf32, #tpu.memory_space<vmem_shared>> -> memref<64x128xf32, #tpu.memory_space<vmem_shared>>
      %dma_wait3A_140 = arith.constant 0 : i32
      %dma_wait3A_141 = arith.constant 0 : i32
      %dma_wait3A_142 = tpu.memref_slice %arg8[%run_scoped3A_22, %dma_wait3A_140, %dma_wait3A_141] : memref<2x64x128xf32, #tpu.memory_space<vmem>> -> memref<1x64x128xf32, #tpu.memory_space<vmem>>
      %dma_wait3A_143 = tpu.memref_squeeze %dma_wait3A_142 : memref<1x64x128xf32, #tpu.memory_space<vmem>> -> memref<64x128xf32, #tpu.memory_space<vmem>>
      tpu.wait_dma2 semaphore(%run_scoped3A_119 : memref<!tpu.dma_semaphore, #tpu.memory_space<semaphore_mem>>) src(%dma_wait3A_143 : memref<64x128xf32, #tpu.memory_space<vmem>>) dst(%dma_wait3A_139 : memref<64x128xf32, #tpu.memory_space<vmem_shared>>)
      tpu.yield
    }) : () -> ()
    %mul3A_23 = arith.constant 640 : i32
    %mul3A_24 = arith.muli %arg1, %mul3A_23 : i32
    %add3A_25 = arith.constant 128 : i32
    %add3A_26 = arith.addi %mul3A_24, %add3A_25 : i32
    %run_scoped3A_27 = arith.constant 0 : i32
    "tpu.region"() ({
      %run_scoped3A_119 = tpu.sem_alloc : memref<!tpu.dma_semaphore, #tpu.memory_space<semaphore_mem>>
      %dma_start3A_120 = arith.constant 0 : i32
      %dma_start3A_121 = arith.constant 0 : i32
      %dma_start3A_122 = tpu.memref_slice %arg8[%run_scoped3A_27, %dma_start3A_120, %dma_start3A_121] : memref<2x64x128xf32, #tpu.memory_space<vmem>> -> memref<1x64x128xf32, #tpu.memory_space<vmem>>
      %dma_start3A_123 = tpu.memref_squeeze %dma_start3A_122 : memref<1x64x128xf32, #tpu.memory_space<vmem>> -> memref<64x128xf32, #tpu.memory_space<vmem>>
      %dma_start3A_124 = arith.constant 0 : i32
      %dma_start3A_125 = tpu.memref_slice %arg9[%add3A_26, %dma_start3A_124] : memref<10240x128xf32, #tpu.memory_space<vmem_shared>> -> memref<64x128xf32, #tpu.memory_space<vmem_shared>>
      %dma_start3A_126 = arith.constant 0 : i32
      %dma_start3A_127 = tpu.memref_slice %arg9[%add3A_26, %dma_start3A_126] : memref<10240x128xf32, #tpu.memory_space<vmem_shared>> -> memref<64x128xf32, #tpu.memory_space<vmem_shared>>
      %dma_start3A_128 = arith.constant 0 : i32
      %dma_start3A_129 = arith.constant 0 : i32
      %dma_start3A_130 = tpu.memref_slice %arg8[%run_scoped3A_27, %dma_start3A_128, %dma_start3A_129] : memref<2x64x128xf32, #tpu.memory_space<vmem>> -> memref<1x64x128xf32, #tpu.memory_space<vmem>>
      %dma_start3A_131 = tpu.memref_squeeze %dma_start3A_130 : memref<1x64x128xf32, #tpu.memory_space<vmem>> -> memref<64x128xf32, #tpu.memory_space<vmem>>
      tpu.enqueue_dma source(%dma_start3A_131 : memref<64x128xf32, #tpu.memory_space<vmem>>) target(%dma_start3A_127 : memref<64x128xf32, #tpu.memory_space<vmem_shared>>) target_semaphore(%run_scoped3A_119 : memref<!tpu.dma_semaphore, #tpu.memory_space<semaphore_mem>>)
      %dma_wait3A_132 = arith.constant 0 : i32
      %dma_wait3A_133 = arith.constant 0 : i32
      %dma_wait3A_134 = tpu.memref_slice %arg8[%run_scoped3A_27, %dma_wait3A_132, %dma_wait3A_133] : memref<2x64x128xf32, #tpu.memory_space<vmem>> -> memref<1x64x128xf32, #tpu.memory_space<vmem>>
      %dma_wait3A_135 = tpu.memref_squeeze %dma_wait3A_134 : memref<1x64x128xf32, #tpu.memory_space<vmem>> -> memref<64x128xf32, #tpu.memory_space<vmem>>
      %dma_wait3A_136 = arith.constant 0 : i32
      %dma_wait3A_137 = tpu.memref_slice %arg9[%add3A_26, %dma_wait3A_136] : memref<10240x128xf32, #tpu.memory_space<vmem_shared>> -> memref<64x128xf32, #tpu.memory_space<vmem_shared>>
      %dma_wait3A_138 = arith.constant 0 : i32
      %dma_wait3A_139 = tpu.memref_slice %arg9[%add3A_26, %dma_wait3A_138] : memref<10240x128xf32, #tpu.memory_space<vmem_shared>> -> memref<64x128xf32, #tpu.memory_space<vmem_shared>>
      %dma_wait3A_140 = arith.constant 0 : i32
      %dma_wait3A_141 = arith.constant 0 : i32
      %dma_wait3A_142 = tpu.memref_slice %arg8[%run_scoped3A_27, %dma_wait3A_140, %dma_wait3A_141] : memref<2x64x128xf32, #tpu.memory_space<vmem>> -> memref<1x64x128xf32, #tpu.memory_space<vmem>>
      %dma_wait3A_143 = tpu.memref_squeeze %dma_wait3A_142 : memref<1x64x128xf32, #tpu.memory_space<vmem>> -> memref<64x128xf32, #tpu.memory_space<vmem>>
      tpu.wait_dma2 semaphore(%run_scoped3A_119 : memref<!tpu.dma_semaphore, #tpu.memory_space<semaphore_mem>>) src(%dma_wait3A_143 : memref<64x128xf32, #tpu.memory_space<vmem>>) dst(%dma_wait3A_139 : memref<64x128xf32, #tpu.memory_space<vmem_shared>>)
      tpu.yield
    }) : () -> ()
    %mul3A_28 = arith.constant 640 : i32
    %mul3A_29 = arith.muli %arg1, %mul3A_28 : i32
    %add3A_30 = arith.constant 192 : i32
    %add3A_31 = arith.addi %mul3A_29, %add3A_30 : i32
    %run_scoped3A_32 = arith.constant 0 : i32
    "tpu.region"() ({
      %run_scoped3A_119 = tpu.sem_alloc : memref<!tpu.dma_semaphore, #tpu.memory_space<semaphore_mem>>
      %dma_start3A_120 = arith.constant 0 : i32
      %dma_start3A_121 = arith.constant 0 : i32
      %dma_start3A_122 = tpu.memref_slice %arg8[%run_scoped3A_32, %dma_start3A_120, %dma_start3A_121] : memref<2x64x128xf32, #tpu.memory_space<vmem>> -> memref<1x64x128xf32, #tpu.memory_space<vmem>>
      %dma_start3A_123 = tpu.memref_squeeze %dma_start3A_122 : memref<1x64x128xf32, #tpu.memory_space<vmem>> -> memref<64x128xf32, #tpu.memory_space<vmem>>
      %dma_start3A_124 = arith.constant 0 : i32
      %dma_start3A_125 = tpu.memref_slice %arg9[%add3A_31, %dma_start3A_124] : memref<10240x128xf32, #tpu.memory_space<vmem_shared>> -> memref<64x128xf32, #tpu.memory_space<vmem_shared>>
      %dma_start3A_126 = arith.constant 0 : i32
      %dma_start3A_127 = tpu.memref_slice %arg9[%add3A_31, %dma_start3A_126] : memref<10240x128xf32, #tpu.memory_space<vmem_shared>> -> memref<64x128xf32, #tpu.memory_space<vmem_shared>>
      %dma_start3A_128 = arith.constant 0 : i32
      %dma_start3A_129 = arith.constant 0 : i32
      %dma_start3A_130 = tpu.memref_slice %arg8[%run_scoped3A_32, %dma_start3A_128, %dma_start3A_129] : memref<2x64x128xf32, #tpu.memory_space<vmem>> -> memref<1x64x128xf32, #tpu.memory_space<vmem>>
      %dma_start3A_131 = tpu.memref_squeeze %dma_start3A_130 : memref<1x64x128xf32, #tpu.memory_space<vmem>> -> memref<64x128xf32, #tpu.memory_space<vmem>>
      tpu.enqueue_dma source(%dma_start3A_131 : memref<64x128xf32, #tpu.memory_space<vmem>>) target(%dma_start3A_127 : memref<64x128xf32, #tpu.memory_space<vmem_shared>>) target_semaphore(%run_scoped3A_119 : memref<!tpu.dma_semaphore, #tpu.memory_space<semaphore_mem>>)
      %dma_wait3A_132 = arith.constant 0 : i32
      %dma_wait3A_133 = arith.constant 0 : i32
      %dma_wait3A_134 = tpu.memref_slice %arg8[%run_scoped3A_32, %dma_wait3A_132, %dma_wait3A_133] : memref<2x64x128xf32, #tpu.memory_space<vmem>> -> memref<1x64x128xf32, #tpu.memory_space<vmem>>
      %dma_wait3A_135 = tpu.memref_squeeze %dma_wait3A_134 : memref<1x64x128xf32, #tpu.memory_space<vmem>> -> memref<64x128xf32, #tpu.memory_space<vmem>>
      %dma_wait3A_136 = arith.constant 0 : i32
      %dma_wait3A_137 = tpu.memref_slice %arg9[%add3A_31, %dma_wait3A_136] : memref<10240x128xf32, #tpu.memory_space<vmem_shared>> -> memref<64x128xf32, #tpu.memory_space<vmem_shared>>
      %dma_wait3A_138 = arith.constant 0 : i32
      %dma_wait3A_139 = tpu.memref_slice %arg9[%add3A_31, %dma_wait3A_138] : memref<10240x128xf32, #tpu.memory_space<vmem_shared>> -> memref<64x128xf32, #tpu.memory_space<vmem_shared>>
      %dma_wait3A_140 = arith.constant 0 : i32
      %dma_wait3A_141 = arith.constant 0 : i32
      %dma_wait3A_142 = tpu.memref_slice %arg8[%run_scoped3A_32, %dma_wait3A_140, %dma_wait3A_141] : memref<2x64x128xf32, #tpu.memory_space<vmem>> -> memref<1x64x128xf32, #tpu.memory_space<vmem>>
      %dma_wait3A_143 = tpu.memref_squeeze %dma_wait3A_142 : memref<1x64x128xf32, #tpu.memory_space<vmem>> -> memref<64x128xf32, #tpu.memory_space<vmem>>
      tpu.wait_dma2 semaphore(%run_scoped3A_119 : memref<!tpu.dma_semaphore, #tpu.memory_space<semaphore_mem>>) src(%dma_wait3A_143 : memref<64x128xf32, #tpu.memory_space<vmem>>) dst(%dma_wait3A_139 : memref<64x128xf32, #tpu.memory_space<vmem_shared>>)
      tpu.yield
    }) : () -> ()
    %mul3A_33 = arith.constant 640 : i32
    %mul3A_34 = arith.muli %arg1, %mul3A_33 : i32
    %add3A_35 = arith.constant 256 : i32
    %add3A_36 = arith.addi %mul3A_34, %add3A_35 : i32
    %run_scoped3A_37 = arith.constant 0 : i32
    "tpu.region"() ({
      %run_scoped3A_119 = tpu.sem_alloc : memref<!tpu.dma_semaphore, #tpu.memory_space<semaphore_mem>>
      %dma_start3A_120 = arith.constant 0 : i32
      %dma_start3A_121 = arith.constant 0 : i32
      %dma_start3A_122 = tpu.memref_slice %arg8[%run_scoped3A_37, %dma_start3A_120, %dma_start3A_121] : memref<2x64x128xf32, #tpu.memory_space<vmem>> -> memref<1x64x128xf32, #tpu.memory_space<vmem>>
      %dma_start3A_123 = tpu.memref_squeeze %dma_start3A_122 : memref<1x64x128xf32, #tpu.memory_space<vmem>> -> memref<64x128xf32, #tpu.memory_space<vmem>>
      %dma_start3A_124 = arith.constant 0 : i32
      %dma_start3A_125 = tpu.memref_slice %arg9[%add3A_36, %dma_start3A_124] : memref<10240x128xf32, #tpu.memory_space<vmem_shared>> -> memref<64x128xf32, #tpu.memory_space<vmem_shared>>
      %dma_start3A_126 = arith.constant 0 : i32
      %dma_start3A_127 = tpu.memref_slice %arg9[%add3A_36, %dma_start3A_126] : memref<10240x128xf32, #tpu.memory_space<vmem_shared>> -> memref<64x128xf32, #tpu.memory_space<vmem_shared>>
      %dma_start3A_128 = arith.constant 0 : i32
      %dma_start3A_129 = arith.constant 0 : i32
      %dma_start3A_130 = tpu.memref_slice %arg8[%run_scoped3A_37, %dma_start3A_128, %dma_start3A_129] : memref<2x64x128xf32, #tpu.memory_space<vmem>> -> memref<1x64x128xf32, #tpu.memory_space<vmem>>
      %dma_start3A_131 = tpu.memref_squeeze %dma_start3A_130 : memref<1x64x128xf32, #tpu.memory_space<vmem>> -> memref<64x128xf32, #tpu.memory_space<vmem>>
      tpu.enqueue_dma source(%dma_start3A_131 : memref<64x128xf32, #tpu.memory_space<vmem>>) target(%dma_start3A_127 : memref<64x128xf32, #tpu.memory_space<vmem_shared>>) target_semaphore(%run_scoped3A_119 : memref<!tpu.dma_semaphore, #tpu.memory_space<semaphore_mem>>)
      %dma_wait3A_132 = arith.constant 0 : i32
      %dma_wait3A_133 = arith.constant 0 : i32
      %dma_wait3A_134 = tpu.memref_slice %arg8[%run_scoped3A_37, %dma_wait3A_132, %dma_wait3A_133] : memref<2x64x128xf32, #tpu.memory_space<vmem>> -> memref<1x64x128xf32, #tpu.memory_space<vmem>>
      %dma_wait3A_135 = tpu.memref_squeeze %dma_wait3A_134 : memref<1x64x128xf32, #tpu.memory_space<vmem>> -> memref<64x128xf32, #tpu.memory_space<vmem>>
      %dma_wait3A_136 = arith.constant 0 : i32
      %dma_wait3A_137 = tpu.memref_slice %arg9[%add3A_36, %dma_wait3A_136] : memref<10240x128xf32, #tpu.memory_space<vmem_shared>> -> memref<64x128xf32, #tpu.memory_space<vmem_shared>>
      %dma_wait3A_138 = arith.constant 0 : i32
      %dma_wait3A_139 = tpu.memref_slice %arg9[%add3A_36, %dma_wait3A_138] : memref<10240x128xf32, #tpu.memory_space<vmem_shared>> -> memref<64x128xf32, #tpu.memory_space<vmem_shared>>
      %dma_wait3A_140 = arith.constant 0 : i32
      %dma_wait3A_141 = arith.constant 0 : i32
      %dma_wait3A_142 = tpu.memref_slice %arg8[%run_scoped3A_37, %dma_wait3A_140, %dma_wait3A_141] : memref<2x64x128xf32, #tpu.memory_space<vmem>> -> memref<1x64x128xf32, #tpu.memory_space<vmem>>
      %dma_wait3A_143 = tpu.memref_squeeze %dma_wait3A_142 : memref<1x64x128xf32, #tpu.memory_space<vmem>> -> memref<64x128xf32, #tpu.memory_space<vmem>>
      tpu.wait_dma2 semaphore(%run_scoped3A_119 : memref<!tpu.dma_semaphore, #tpu.memory_space<semaphore_mem>>) src(%dma_wait3A_143 : memref<64x128xf32, #tpu.memory_space<vmem>>) dst(%dma_wait3A_139 : memref<64x128xf32, #tpu.memory_space<vmem_shared>>)
      tpu.yield
    }) : () -> ()
    %mul3A_38 = arith.constant 640 : i32
    %mul3A_39 = arith.muli %arg1, %mul3A_38 : i32
    %add3A_40 = arith.constant 320 : i32
    %add3A_41 = arith.addi %mul3A_39, %add3A_40 : i32
    %run_scoped3A_42 = arith.constant 0 : i32
    "tpu.region"() ({
      %run_scoped3A_119 = tpu.sem_alloc : memref<!tpu.dma_semaphore, #tpu.memory_space<semaphore_mem>>
      %dma_start3A_120 = arith.constant 0 : i32
      %dma_start3A_121 = arith.constant 0 : i32
      %dma_start3A_122 = tpu.memref_slice %arg8[%run_scoped3A_42, %dma_start3A_120, %dma_start3A_121] : memref<2x64x128xf32, #tpu.memory_space<vmem>> -> memref<1x64x128xf32, #tpu.memory_space<vmem>>
      %dma_start3A_123 = tpu.memref_squeeze %dma_start3A_122 : memref<1x64x128xf32, #tpu.memory_space<vmem>> -> memref<64x128xf32, #tpu.memory_space<vmem>>
      %dma_start3A_124 = arith.constant 0 : i32
      %dma_start3A_125 = tpu.memref_slice %arg9[%add3A_41, %dma_start3A_124] : memref<10240x128xf32, #tpu.memory_space<vmem_shared>> -> memref<64x128xf32, #tpu.memory_space<vmem_shared>>
      %dma_start3A_126 = arith.constant 0 : i32
      %dma_start3A_127 = tpu.memref_slice %arg9[%add3A_41, %dma_start3A_126] : memref<10240x128xf32, #tpu.memory_space<vmem_shared>> -> memref<64x128xf32, #tpu.memory_space<vmem_shared>>
      %dma_start3A_128 = arith.constant 0 : i32
      %dma_start3A_129 = arith.constant 0 : i32
      %dma_start3A_130 = tpu.memref_slice %arg8[%run_scoped3A_42, %dma_start3A_128, %dma_start3A_129] : memref<2x64x128xf32, #tpu.memory_space<vmem>> -> memref<1x64x128xf32, #tpu.memory_space<vmem>>
      %dma_start3A_131 = tpu.memref_squeeze %dma_start3A_130 : memref<1x64x128xf32, #tpu.memory_space<vmem>> -> memref<64x128xf32, #tpu.memory_space<vmem>>
      tpu.enqueue_dma source(%dma_start3A_131 : memref<64x128xf32, #tpu.memory_space<vmem>>) target(%dma_start3A_127 : memref<64x128xf32, #tpu.memory_space<vmem_shared>>) target_semaphore(%run_scoped3A_119 : memref<!tpu.dma_semaphore, #tpu.memory_space<semaphore_mem>>)
      %dma_wait3A_132 = arith.constant 0 : i32
      %dma_wait3A_133 = arith.constant 0 : i32
      %dma_wait3A_134 = tpu.memref_slice %arg8[%run_scoped3A_42, %dma_wait3A_132, %dma_wait3A_133] : memref<2x64x128xf32, #tpu.memory_space<vmem>> -> memref<1x64x128xf32, #tpu.memory_space<vmem>>
      %dma_wait3A_135 = tpu.memref_squeeze %dma_wait3A_134 : memref<1x64x128xf32, #tpu.memory_space<vmem>> -> memref<64x128xf32, #tpu.memory_space<vmem>>
      %dma_wait3A_136 = arith.constant 0 : i32
      %dma_wait3A_137 = tpu.memref_slice %arg9[%add3A_41, %dma_wait3A_136] : memref<10240x128xf32, #tpu.memory_space<vmem_shared>> -> memref<64x128xf32, #tpu.memory_space<vmem_shared>>
      %dma_wait3A_138 = arith.constant 0 : i32
      %dma_wait3A_139 = tpu.memref_slice %arg9[%add3A_41, %dma_wait3A_138] : memref<10240x128xf32, #tpu.memory_space<vmem_shared>> -> memref<64x128xf32, #tpu.memory_space<vmem_shared>>
      %dma_wait3A_140 = arith.constant 0 : i32
      %dma_wait3A_141 = arith.constant 0 : i32
      %dma_wait3A_142 = tpu.memref_slice %arg8[%run_scoped3A_42, %dma_wait3A_140, %dma_wait3A_141] : memref<2x64x128xf32, #tpu.memory_space<vmem>> -> memref<1x64x128xf32, #tpu.memory_space<vmem>>
      %dma_wait3A_143 = tpu.memref_squeeze %dma_wait3A_142 : memref<1x64x128xf32, #tpu.memory_space<vmem>> -> memref<64x128xf32, #tpu.memory_space<vmem>>
      tpu.wait_dma2 semaphore(%run_scoped3A_119 : memref<!tpu.dma_semaphore, #tpu.memory_space<semaphore_mem>>) src(%dma_wait3A_143 : memref<64x128xf32, #tpu.memory_space<vmem>>) dst(%dma_wait3A_139 : memref<64x128xf32, #tpu.memory_space<vmem_shared>>)
      tpu.yield
    }) : () -> ()
    %mul3A_43 = arith.constant 640 : i32
    %mul3A_44 = arith.muli %arg1, %mul3A_43 : i32
    %add3A_45 = arith.constant 384 : i32
    %add3A_46 = arith.addi %mul3A_44, %add3A_45 : i32
    %run_scoped3A_47 = arith.constant 0 : i32
    "tpu.region"() ({
      %run_scoped3A_119 = tpu.sem_alloc : memref<!tpu.dma_semaphore, #tpu.memory_space<semaphore_mem>>
      %dma_start3A_120 = arith.constant 0 : i32
      %dma_start3A_121 = arith.constant 0 : i32
      %dma_start3A_122 = tpu.memref_slice %arg8[%run_scoped3A_47, %dma_start3A_120, %dma_start3A_121] : memref<2x64x128xf32, #tpu.memory_space<vmem>> -> memref<1x64x128xf32, #tpu.memory_space<vmem>>
      %dma_start3A_123 = tpu.memref_squeeze %dma_start3A_122 : memref<1x64x128xf32, #tpu.memory_space<vmem>> -> memref<64x128xf32, #tpu.memory_space<vmem>>
      %dma_start3A_124 = arith.constant 0 : i32
      %dma_start3A_125 = tpu.memref_slice %arg9[%add3A_46, %dma_start3A_124] : memref<10240x128xf32, #tpu.memory_space<vmem_shared>> -> memref<64x128xf32, #tpu.memory_space<vmem_shared>>
      %dma_start3A_126 = arith.constant 0 : i32
      %dma_start3A_127 = tpu.memref_slice %arg9[%add3A_46, %dma_start3A_126] : memref<10240x128xf32, #tpu.memory_space<vmem_shared>> -> memref<64x128xf32, #tpu.memory_space<vmem_shared>>
      %dma_start3A_128 = arith.constant 0 : i32
      %dma_start3A_129 = arith.constant 0 : i32
      %dma_start3A_130 = tpu.memref_slice %arg8[%run_scoped3A_47, %dma_start3A_128, %dma_start3A_129] : memref<2x64x128xf32, #tpu.memory_space<vmem>> -> memref<1x64x128xf32, #tpu.memory_space<vmem>>
      %dma_start3A_131 = tpu.memref_squeeze %dma_start3A_130 : memref<1x64x128xf32, #tpu.memory_space<vmem>> -> memref<64x128xf32, #tpu.memory_space<vmem>>
      tpu.enqueue_dma source(%dma_start3A_131 : memref<64x128xf32, #tpu.memory_space<vmem>>) target(%dma_start3A_127 : memref<64x128xf32, #tpu.memory_space<vmem_shared>>) target_semaphore(%run_scoped3A_119 : memref<!tpu.dma_semaphore, #tpu.memory_space<semaphore_mem>>)
      %dma_wait3A_132 = arith.constant 0 : i32
      %dma_wait3A_133 = arith.constant 0 : i32
      %dma_wait3A_134 = tpu.memref_slice %arg8[%run_scoped3A_47, %dma_wait3A_132, %dma_wait3A_133] : memref<2x64x128xf32, #tpu.memory_space<vmem>> -> memref<1x64x128xf32, #tpu.memory_space<vmem>>
      %dma_wait3A_135 = tpu.memref_squeeze %dma_wait3A_134 : memref<1x64x128xf32, #tpu.memory_space<vmem>> -> memref<64x128xf32, #tpu.memory_space<vmem>>
      %dma_wait3A_136 = arith.constant 0 : i32
      %dma_wait3A_137 = tpu.memref_slice %arg9[%add3A_46, %dma_wait3A_136] : memref<10240x128xf32, #tpu.memory_space<vmem_shared>> -> memref<64x128xf32, #tpu.memory_space<vmem_shared>>
      %dma_wait3A_138 = arith.constant 0 : i32
      %dma_wait3A_139 = tpu.memref_slice %arg9[%add3A_46, %dma_wait3A_138] : memref<10240x128xf32, #tpu.memory_space<vmem_shared>> -> memref<64x128xf32, #tpu.memory_space<vmem_shared>>
      %dma_wait3A_140 = arith.constant 0 : i32
      %dma_wait3A_141 = arith.constant 0 : i32
      %dma_wait3A_142 = tpu.memref_slice %arg8[%run_scoped3A_47, %dma_wait3A_140, %dma_wait3A_141] : memref<2x64x128xf32, #tpu.memory_space<vmem>> -> memref<1x64x128xf32, #tpu.memory_space<vmem>>
      %dma_wait3A_143 = tpu.memref_squeeze %dma_wait3A_142 : memref<1x64x128xf32, #tpu.memory_space<vmem>> -> memref<64x128xf32, #tpu.memory_space<vmem>>
      tpu.wait_dma2 semaphore(%run_scoped3A_119 : memref<!tpu.dma_semaphore, #tpu.memory_space<semaphore_mem>>) src(%dma_wait3A_143 : memref<64x128xf32, #tpu.memory_space<vmem>>) dst(%dma_wait3A_139 : memref<64x128xf32, #tpu.memory_space<vmem_shared>>)
      tpu.yield
    }) : () -> ()
    %mul3A_48 = arith.constant 640 : i32
    %mul3A_49 = arith.muli %arg1, %mul3A_48 : i32
    %add3A_50 = arith.constant 448 : i32
    %add3A_51 = arith.addi %mul3A_49, %add3A_50 : i32
    %run_scoped3A_52 = arith.constant 0 : i32
    "tpu.region"() ({
      %run_scoped3A_119 = tpu.sem_alloc : memref<!tpu.dma_semaphore, #tpu.memory_space<semaphore_mem>>
      %dma_start3A_120 = arith.constant 0 : i32
      %dma_start3A_121 = arith.constant 0 : i32
      %dma_start3A_122 = tpu.memref_slice %arg8[%run_scoped3A_52, %dma_start3A_120, %dma_start3A_121] : memref<2x64x128xf32, #tpu.memory_space<vmem>> -> memref<1x64x128xf32, #tpu.memory_space<vmem>>
      %dma_start3A_123 = tpu.memref_squeeze %dma_start3A_122 : memref<1x64x128xf32, #tpu.memory_space<vmem>> -> memref<64x128xf32, #tpu.memory_space<vmem>>
      %dma_start3A_124 = arith.constant 0 : i32
      %dma_start3A_125 = tpu.memref_slice %arg9[%add3A_51, %dma_start3A_124] : memref<10240x128xf32, #tpu.memory_space<vmem_shared>> -> memref<64x128xf32, #tpu.memory_space<vmem_shared>>
      %dma_start3A_126 = arith.constant 0 : i32
      %dma_start3A_127 = tpu.memref_slice %arg9[%add3A_51, %dma_start3A_126] : memref<10240x128xf32, #tpu.memory_space<vmem_shared>> -> memref<64x128xf32, #tpu.memory_space<vmem_shared>>
      %dma_start3A_128 = arith.constant 0 : i32
      %dma_start3A_129 = arith.constant 0 : i32
      %dma_start3A_130 = tpu.memref_slice %arg8[%run_scoped3A_52, %dma_start3A_128, %dma_start3A_129] : memref<2x64x128xf32, #tpu.memory_space<vmem>> -> memref<1x64x128xf32, #tpu.memory_space<vmem>>
      %dma_start3A_131 = tpu.memref_squeeze %dma_start3A_130 : memref<1x64x128xf32, #tpu.memory_space<vmem>> -> memref<64x128xf32, #tpu.memory_space<vmem>>
      tpu.enqueue_dma source(%dma_start3A_131 : memref<64x128xf32, #tpu.memory_space<vmem>>) target(%dma_start3A_127 : memref<64x128xf32, #tpu.memory_space<vmem_shared>>) target_semaphore(%run_scoped3A_119 : memref<!tpu.dma_semaphore, #tpu.memory_space<semaphore_mem>>)
      %dma_wait3A_132 = arith.constant 0 : i32
      %dma_wait3A_133 = arith.constant 0 : i32
      %dma_wait3A_134 = tpu.memref_slice %arg8[%run_scoped3A_52, %dma_wait3A_132, %dma_wait3A_133] : memref<2x64x128xf32, #tpu.memory_space<vmem>> -> memref<1x64x128xf32, #tpu.memory_space<vmem>>
      %dma_wait3A_135 = tpu.memref_squeeze %dma_wait3A_134 : memref<1x64x128xf32, #tpu.memory_space<vmem>> -> memref<64x128xf32, #tpu.memory_space<vmem>>
      %dma_wait3A_136 = arith.constant 0 : i32
      %dma_wait3A_137 = tpu.memref_slice %arg9[%add3A_51, %dma_wait3A_136] : memref<10240x128xf32, #tpu.memory_space<vmem_shared>> -> memref<64x128xf32, #tpu.memory_space<vmem_shared>>
      %dma_wait3A_138 = arith.constant 0 : i32
      %dma_wait3A_139 = tpu.memref_slice %arg9[%add3A_51, %dma_wait3A_138] : memref<10240x128xf32, #tpu.memory_space<vmem_shared>> -> memref<64x128xf32, #tpu.memory_space<vmem_shared>>
      %dma_wait3A_140 = arith.constant 0 : i32
      %dma_wait3A_141 = arith.constant 0 : i32
      %dma_wait3A_142 = tpu.memref_slice %arg8[%run_scoped3A_52, %dma_wait3A_140, %dma_wait3A_141] : memref<2x64x128xf32, #tpu.memory_space<vmem>> -> memref<1x64x128xf32, #tpu.memory_space<vmem>>
      %dma_wait3A_143 = tpu.memref_squeeze %dma_wait3A_142 : memref<1x64x128xf32, #tpu.memory_space<vmem>> -> memref<64x128xf32, #tpu.memory_space<vmem>>
      tpu.wait_dma2 semaphore(%run_scoped3A_119 : memref<!tpu.dma_semaphore, #tpu.memory_space<semaphore_mem>>) src(%dma_wait3A_143 : memref<64x128xf32, #tpu.memory_space<vmem>>) dst(%dma_wait3A_139 : memref<64x128xf32, #tpu.memory_space<vmem_shared>>)
      tpu.yield
    }) : () -> ()
    %mul3A_53 = arith.constant 640 : i32
    %mul3A_54 = arith.muli %arg1, %mul3A_53 : i32
    %add3A_55 = arith.constant 512 : i32
    %add3A_56 = arith.addi %mul3A_54, %add3A_55 : i32
    %run_scoped3A_57 = arith.constant 0 : i32
    "tpu.region"() ({
      %run_scoped3A_119 = tpu.sem_alloc : memref<!tpu.dma_semaphore, #tpu.memory_space<semaphore_mem>>
      %dma_start3A_120 = arith.constant 0 : i32
      %dma_start3A_121 = arith.constant 0 : i32
      %dma_start3A_122 = tpu.memref_slice %arg8[%run_scoped3A_57, %dma_start3A_120, %dma_start3A_121] : memref<2x64x128xf32, #tpu.memory_space<vmem>> -> memref<1x64x128xf32, #tpu.memory_space<vmem>>
      %dma_start3A_123 = tpu.memref_squeeze %dma_start3A_122 : memref<1x64x128xf32, #tpu.memory_space<vmem>> -> memref<64x128xf32, #tpu.memory_space<vmem>>
      %dma_start3A_124 = arith.constant 0 : i32
      %dma_start3A_125 = tpu.memref_slice %arg9[%add3A_56, %dma_start3A_124] : memref<10240x128xf32, #tpu.memory_space<vmem_shared>> -> memref<64x128xf32, #tpu.memory_space<vmem_shared>>
      %dma_start3A_126 = arith.constant 0 : i32
      %dma_start3A_127 = tpu.memref_slice %arg9[%add3A_56, %dma_start3A_126] : memref<10240x128xf32, #tpu.memory_space<vmem_shared>> -> memref<64x128xf32, #tpu.memory_space<vmem_shared>>
      %dma_start3A_128 = arith.constant 0 : i32
      %dma_start3A_129 = arith.constant 0 : i32
      %dma_start3A_130 = tpu.memref_slice %arg8[%run_scoped3A_57, %dma_start3A_128, %dma_start3A_129] : memref<2x64x128xf32, #tpu.memory_space<vmem>> -> memref<1x64x128xf32, #tpu.memory_space<vmem>>
      %dma_start3A_131 = tpu.memref_squeeze %dma_start3A_130 : memref<1x64x128xf32, #tpu.memory_space<vmem>> -> memref<64x128xf32, #tpu.memory_space<vmem>>
      tpu.enqueue_dma source(%dma_start3A_131 : memref<64x128xf32, #tpu.memory_space<vmem>>) target(%dma_start3A_127 : memref<64x128xf32, #tpu.memory_space<vmem_shared>>) target_semaphore(%run_scoped3A_119 : memref<!tpu.dma_semaphore, #tpu.memory_space<semaphore_mem>>)
      %dma_wait3A_132 = arith.constant 0 : i32
      %dma_wait3A_133 = arith.constant 0 : i32
      %dma_wait3A_134 = tpu.memref_slice %arg8[%run_scoped3A_57, %dma_wait3A_132, %dma_wait3A_133] : memref<2x64x128xf32, #tpu.memory_space<vmem>> -> memref<1x64x128xf32, #tpu.memory_space<vmem>>
      %dma_wait3A_135 = tpu.memref_squeeze %dma_wait3A_134 : memref<1x64x128xf32, #tpu.memory_space<vmem>> -> memref<64x128xf32, #tpu.memory_space<vmem>>
      %dma_wait3A_136 = arith.constant 0 : i32
      %dma_wait3A_137 = tpu.memref_slice %arg9[%add3A_56, %dma_wait3A_136] : memref<10240x128xf32, #tpu.memory_space<vmem_shared>> -> memref<64x128xf32, #tpu.memory_space<vmem_shared>>
      %dma_wait3A_138 = arith.constant 0 : i32
      %dma_wait3A_139 = tpu.memref_slice %arg9[%add3A_56, %dma_wait3A_138] : memref<10240x128xf32, #tpu.memory_space<vmem_shared>> -> memref<64x128xf32, #tpu.memory_space<vmem_shared>>
      %dma_wait3A_140 = arith.constant 0 : i32
      %dma_wait3A_141 = arith.constant 0 : i32
      %dma_wait3A_142 = tpu.memref_slice %arg8[%run_scoped3A_57, %dma_wait3A_140, %dma_wait3A_141] : memref<2x64x128xf32, #tpu.memory_space<vmem>> -> memref<1x64x128xf32, #tpu.memory_space<vmem>>
      %dma_wait3A_143 = tpu.memref_squeeze %dma_wait3A_142 : memref<1x64x128xf32, #tpu.memory_space<vmem>> -> memref<64x128xf32, #tpu.memory_space<vmem>>
      tpu.wait_dma2 semaphore(%run_scoped3A_119 : memref<!tpu.dma_semaphore, #tpu.memory_space<semaphore_mem>>) src(%dma_wait3A_143 : memref<64x128xf32, #tpu.memory_space<vmem>>) dst(%dma_wait3A_139 : memref<64x128xf32, #tpu.memory_space<vmem_shared>>)
      tpu.yield
    }) : () -> ()
    %mul3A_58 = arith.constant 640 : i32
    %mul3A_59 = arith.muli %arg1, %mul3A_58 : i32
    %add3A_60 = arith.constant 576 : i32
    %add3A_61 = arith.addi %mul3A_59, %add3A_60 : i32
    %run_scoped3A_62 = arith.constant 0 : i32
    "tpu.region"() ({
      %run_scoped3A_119 = tpu.sem_alloc : memref<!tpu.dma_semaphore, #tpu.memory_space<semaphore_mem>>
      %dma_start3A_120 = arith.constant 0 : i32
      %dma_start3A_121 = arith.constant 0 : i32
      %dma_start3A_122 = tpu.memref_slice %arg8[%run_scoped3A_62, %dma_start3A_120, %dma_start3A_121] : memref<2x64x128xf32, #tpu.memory_space<vmem>> -> memref<1x64x128xf32, #tpu.memory_space<vmem>>
      %dma_start3A_123 = tpu.memref_squeeze %dma_start3A_122 : memref<1x64x128xf32, #tpu.memory_space<vmem>> -> memref<64x128xf32, #tpu.memory_space<vmem>>
      %dma_start3A_124 = arith.constant 0 : i32
      %dma_start3A_125 = tpu.memref_slice %arg9[%add3A_61, %dma_start3A_124] : memref<10240x128xf32, #tpu.memory_space<vmem_shared>> -> memref<64x128xf32, #tpu.memory_space<vmem_shared>>
      %dma_start3A_126 = arith.constant 0 : i32
      %dma_start3A_127 = tpu.memref_slice %arg9[%add3A_61, %dma_start3A_126] : memref<10240x128xf32, #tpu.memory_space<vmem_shared>> -> memref<64x128xf32, #tpu.memory_space<vmem_shared>>
      %dma_start3A_128 = arith.constant 0 : i32
      %dma_start3A_129 = arith.constant 0 : i32
      %dma_start3A_130 = tpu.memref_slice %arg8[%run_scoped3A_62, %dma_start3A_128, %dma_start3A_129] : memref<2x64x128xf32, #tpu.memory_space<vmem>> -> memref<1x64x128xf32, #tpu.memory_space<vmem>>
      %dma_start3A_131 = tpu.memref_squeeze %dma_start3A_130 : memref<1x64x128xf32, #tpu.memory_space<vmem>> -> memref<64x128xf32, #tpu.memory_space<vmem>>
      tpu.enqueue_dma source(%dma_start3A_131 : memref<64x128xf32, #tpu.memory_space<vmem>>) target(%dma_start3A_127 : memref<64x128xf32, #tpu.memory_space<vmem_shared>>) target_semaphore(%run_scoped3A_119 : memref<!tpu.dma_semaphore, #tpu.memory_space<semaphore_mem>>)
      %dma_wait3A_132 = arith.constant 0 : i32
      %dma_wait3A_133 = arith.constant 0 : i32
      %dma_wait3A_134 = tpu.memref_slice %arg8[%run_scoped3A_62, %dma_wait3A_132, %dma_wait3A_133] : memref<2x64x128xf32, #tpu.memory_space<vmem>> -> memref<1x64x128xf32, #tpu.memory_space<vmem>>
      %dma_wait3A_135 = tpu.memref_squeeze %dma_wait3A_134 : memref<1x64x128xf32, #tpu.memory_space<vmem>> -> memref<64x128xf32, #tpu.memory_space<vmem>>
      %dma_wait3A_136 = arith.constant 0 : i32
      %dma_wait3A_137 = tpu.memref_slice %arg9[%add3A_61, %dma_wait3A_136] : memref<10240x128xf32, #tpu.memory_space<vmem_shared>> -> memref<64x128xf32, #tpu.memory_space<vmem_shared>>
      %dma_wait3A_138 = arith.constant 0 : i32
      %dma_wait3A_139 = tpu.memref_slice %arg9[%add3A_61, %dma_wait3A_138] : memref<10240x128xf32, #tpu.memory_space<vmem_shared>> -> memref<64x128xf32, #tpu.memory_space<vmem_shared>>
      %dma_wait3A_140 = arith.constant 0 : i32
      %dma_wait3A_141 = arith.constant 0 : i32
      %dma_wait3A_142 = tpu.memref_slice %arg8[%run_scoped3A_62, %dma_wait3A_140, %dma_wait3A_141] : memref<2x64x128xf32, #tpu.memory_space<vmem>> -> memref<1x64x128xf32, #tpu.memory_space<vmem>>
      %dma_wait3A_143 = tpu.memref_squeeze %dma_wait3A_142 : memref<1x64x128xf32, #tpu.memory_space<vmem>> -> memref<64x128xf32, #tpu.memory_space<vmem>>
      tpu.wait_dma2 semaphore(%run_scoped3A_119 : memref<!tpu.dma_semaphore, #tpu.memory_space<semaphore_mem>>) src(%dma_wait3A_143 : memref<64x128xf32, #tpu.memory_space<vmem>>) dst(%dma_wait3A_139 : memref<64x128xf32, #tpu.memory_space<vmem_shared>>)
      tpu.yield
    }) : () -> ()
    %barrier3A = arith.constant 0 : index
    tpu.barrier barrier_id(%barrier3A)
    %run_scoped3A_63 = arith.constant 0 : i32
    "tpu.region"() ({
      %run_scoped3A_119 = tpu.sem_alloc : memref<!tpu.dma_semaphore, #tpu.memory_space<semaphore_mem>>
      %dma_start3A_120 = arith.constant 0 : i32
      %dma_start3A_121 = arith.constant 0 : i32
      %dma_start3A_122 = tpu.memref_slice %arg6[%run_scoped3A_63, %dma_start3A_120, %dma_start3A_121] : memref<2x8x64xi32, #tpu.memory_space<vmem>> -> memref<1x8x64xi32, #tpu.memory_space<vmem>>
      %dma_start3A_123 = tpu.memref_squeeze %dma_start3A_122 : memref<1x8x64xi32, #tpu.memory_space<vmem>> -> memref<8x64xi32, #tpu.memory_space<vmem>>
      %dma_start3A_124 = arith.constant 0 : i32
      %dma_start3A_125 = tpu.memref_slice %arg3[%select_n3A, %dma_start3A_124] : memref<5120x64xi32, #tpu.memory_space<hbm>> -> memref<8x64xi32, #tpu.memory_space<hbm>>
      %dma_start3A_126 = arith.constant 0 : i32
      %dma_start3A_127 = arith.constant 0 : i32
      %dma_start3A_128 = tpu.memref_slice %arg6[%run_scoped3A_63, %dma_start3A_126, %dma_start3A_127] : memref<2x8x64xi32, #tpu.memory_space<vmem>> -> memref<1x8x64xi32, #tpu.memory_space<vmem>>
      %dma_start3A_129 = tpu.memref_squeeze %dma_start3A_128 : memref<1x8x64xi32, #tpu.memory_space<vmem>> -> memref<8x64xi32, #tpu.memory_space<vmem>>
      %dma_start3A_130 = arith.constant 0 : i32
      %dma_start3A_131 = tpu.memref_slice %arg3[%select_n3A, %dma_start3A_130] : memref<5120x64xi32, #tpu.memory_space<hbm>> -> memref<8x64xi32, #tpu.memory_space<hbm>>
      tpu.enqueue_dma source(%dma_start3A_131 : memref<8x64xi32, #tpu.memory_space<hbm>>) target(%dma_start3A_129 : memref<8x64xi32, #tpu.memory_space<vmem>>) target_semaphore(%run_scoped3A_119 : memref<!tpu.dma_semaphore, #tpu.memory_space<semaphore_mem>>)
      %dma_wait3A_132 = arith.constant 0 : i32
      %dma_wait3A_133 = arith.constant 0 : i32
      %dma_wait3A_134 = tpu.memref_slice %arg6[%run_scoped3A_63, %dma_wait3A_132, %dma_wait3A_133] : memref<2x8x64xi32, #tpu.memory_space<vmem>> -> memref<1x8x64xi32, #tpu.memory_space<vmem>>
      %dma_wait3A_135 = tpu.memref_squeeze %dma_wait3A_134 : memref<1x8x64xi32, #tpu.memory_space<vmem>> -> memref<8x64xi32, #tpu.memory_space<vmem>>
      %dma_wait3A_136 = arith.constant 0 : i32
      %dma_wait3A_137 = tpu.memref_slice %arg3[%select_n3A, %dma_wait3A_136] : memref<5120x64xi32, #tpu.memory_space<hbm>> -> memref<8x64xi32, #tpu.memory_space<hbm>>
      %dma_wait3A_138 = arith.constant 0 : i32
      %dma_wait3A_139 = arith.constant 0 : i32
      %dma_wait3A_140 = tpu.memref_slice %arg6[%run_scoped3A_63, %dma_wait3A_138, %dma_wait3A_139] : memref<2x8x64xi32, #tpu.memory_space<vmem>> -> memref<1x8x64xi32, #tpu.memory_space<vmem>>
      %dma_wait3A_141 = tpu.memref_squeeze %dma_wait3A_140 : memref<1x8x64xi32, #tpu.memory_space<vmem>> -> memref<8x64xi32, #tpu.memory_space<vmem>>
      %dma_wait3A_142 = arith.constant 0 : i32
      %dma_wait3A_143 = tpu.memref_slice %arg3[%select_n3A, %dma_wait3A_142] : memref<5120x64xi32, #tpu.memory_space<hbm>> -> memref<8x64xi32, #tpu.memory_space<hbm>>
      tpu.wait_dma2 semaphore(%run_scoped3A_119 : memref<!tpu.dma_semaphore, #tpu.memory_space<semaphore_mem>>) src(%dma_wait3A_143 : memref<8x64xi32, #tpu.memory_space<hbm>>) dst(%dma_wait3A_141 : memref<8x64xi32, #tpu.memory_space<vmem>>)
      tpu.yield
    }) : () -> ()
    %run_scoped3A_64 = arith.constant 0 : i32
    "tpu.region"() ({
      %run_scoped3A_119 = tpu.sem_alloc : memref<!tpu.dma_semaphore, #tpu.memory_space<semaphore_mem>>
      %dma_start3A_120 = arith.constant 0 : i32
      %dma_start3A_121 = arith.constant 0 : i32
      %dma_start3A_122 = tpu.memref_slice %arg7[%run_scoped3A_64, %dma_start3A_120, %dma_start3A_121] : memref<2x8x64xi32, #tpu.memory_space<vmem>> -> memref<1x8x64xi32, #tpu.memory_space<vmem>>
      %dma_start3A_123 = tpu.memref_squeeze %dma_start3A_122 : memref<1x8x64xi32, #tpu.memory_space<vmem>> -> memref<8x64xi32, #tpu.memory_space<vmem>>
      %dma_start3A_124 = arith.constant 0 : i32
      %dma_start3A_125 = tpu.memref_slice %arg4[%select_n3A, %dma_start3A_124] : memref<5120x64xi32, #tpu.memory_space<hbm>> -> memref<8x64xi32, #tpu.memory_space<hbm>>
      %dma_start3A_126 = arith.constant 0 : i32
      %dma_start3A_127 = arith.constant 0 : i32
      %dma_start3A_128 = tpu.memref_slice %arg7[%run_scoped3A_64, %dma_start3A_126, %dma_start3A_127] : memref<2x8x64xi32, #tpu.memory_space<vmem>> -> memref<1x8x64xi32, #tpu.memory_space<vmem>>
      %dma_start3A_129 = tpu.memref_squeeze %dma_start3A_128 : memref<1x8x64xi32, #tpu.memory_space<vmem>> -> memref<8x64xi32, #tpu.memory_space<vmem>>
      %dma_start3A_130 = arith.constant 0 : i32
      %dma_start3A_131 = tpu.memref_slice %arg4[%select_n3A, %dma_start3A_130] : memref<5120x64xi32, #tpu.memory_space<hbm>> -> memref<8x64xi32, #tpu.memory_space<hbm>>
      tpu.enqueue_dma source(%dma_start3A_131 : memref<8x64xi32, #tpu.memory_space<hbm>>) target(%dma_start3A_129 : memref<8x64xi32, #tpu.memory_space<vmem>>) target_semaphore(%run_scoped3A_119 : memref<!tpu.dma_semaphore, #tpu.memory_space<semaphore_mem>>)
      %dma_wait3A_132 = arith.constant 0 : i32
      %dma_wait3A_133 = arith.constant 0 : i32
      %dma_wait3A_134 = tpu.memref_slice %arg7[%run_scoped3A_64, %dma_wait3A_132, %dma_wait3A_133] : memref<2x8x64xi32, #tpu.memory_space<vmem>> -> memref<1x8x64xi32, #tpu.memory_space<vmem>>
      %dma_wait3A_135 = tpu.memref_squeeze %dma_wait3A_134 : memref<1x8x64xi32, #tpu.memory_space<vmem>> -> memref<8x64xi32, #tpu.memory_space<vmem>>
      %dma_wait3A_136 = arith.constant 0 : i32
      %dma_wait3A_137 = tpu.memref_slice %arg4[%select_n3A, %dma_wait3A_136] : memref<5120x64xi32, #tpu.memory_space<hbm>> -> memref<8x64xi32, #tpu.memory_space<hbm>>
      %dma_wait3A_138 = arith.constant 0 : i32
      %dma_wait3A_139 = arith.constant 0 : i32
      %dma_wait3A_140 = tpu.memref_slice %arg7[%run_scoped3A_64, %dma_wait3A_138, %dma_wait3A_139] : memref<2x8x64xi32, #tpu.memory_space<vmem>> -> memref<1x8x64xi32, #tpu.memory_space<vmem>>
      %dma_wait3A_141 = tpu.memref_squeeze %dma_wait3A_140 : memref<1x8x64xi32, #tpu.memory_space<vmem>> -> memref<8x64xi32, #tpu.memory_space<vmem>>
      %dma_wait3A_142 = arith.constant 0 : i32
      %dma_wait3A_143 = tpu.memref_slice %arg4[%select_n3A, %dma_wait3A_142] : memref<5120x64xi32, #tpu.memory_space<hbm>> -> memref<8x64xi32, #tpu.memory_space<hbm>>
      tpu.wait_dma2 semaphore(%run_scoped3A_119 : memref<!tpu.dma_semaphore, #tpu.memory_space<semaphore_mem>>) src(%dma_wait3A_143 : memref<8x64xi32, #tpu.memory_space<hbm>>) dst(%dma_wait3A_141 : memref<8x64xi32, #tpu.memory_space<vmem>>)
      tpu.yield
    }) : () -> ()
    %dma_start3A = arith.constant 0 : i32
    %dma_start3A_65 = arith.constant 0 : i32
    %dma_start3A_66 = arith.constant 0 : i32
    %dma_start3A_67 = arith.constant 0 : i32
    %dma_start3A_68 = arith.constant 0 : i32
    %dma_start3A_69 = tpu.memref_slice %arg8[%dma_start3A_66, %dma_start3A_67, %dma_start3A_68] : memref<2x64x128xf32, #tpu.memory_space<vmem>> -> memref<1x64x128xf32, #tpu.memory_space<vmem>>
    %dma_start3A_70 = tpu.memref_squeeze %dma_start3A_69 : memref<1x64x128xf32, #tpu.memory_space<vmem>> -> memref<64x128xf32, #tpu.memory_space<vmem>>
    %dma_start3A_71 = arith.constant 0 : i32
    %dma_start3A_72 = arith.constant 0 : i32
    %dma_start3A_73 = tpu.memref_slice %arg6[%dma_start3A, %dma_start3A_71, %dma_start3A_72] : memref<2x8x64xi32, #tpu.memory_space<vmem>> -> memref<1x8x64xi32, #tpu.memory_space<vmem>>
    %dma_start3A_74 = tpu.memref_squeeze %dma_start3A_73 : memref<1x8x64xi32, #tpu.memory_space<vmem>> -> memref<8x64xi32, #tpu.memory_space<vmem>>
    %dma_start3A_75 = arith.constant 0 : i32
    %dma_start3A_76 = tpu.memref_slice %dma_start3A_74[%dma_start3A_65, %dma_start3A_75] : memref<8x64xi32, #tpu.memory_space<vmem>> -> memref<1x64xi32, #tpu.memory_space<vmem>>
    %dma_start3A_77 = tpu.memref_squeeze %dma_start3A_76 : memref<1x64xi32, #tpu.memory_space<vmem>> -> memref<64xi32, #tpu.memory_space<vmem>>
    %dma_start3A_78 = arith.constant 0 : i32
    %dma_start3A_79 = arith.constant 0 : i32
    %dma_start3A_80 = tpu.memref_slice %arg2[%dma_start3A_78, %dma_start3A_79] : memref<10240x128xf32, #tpu.memory_space<hbm>> -> memref<10240x128xf32, #tpu.memory_space<hbm>>
    tpu.enqueue_indirect_dma source(%dma_start3A_80 : memref<10240x128xf32, #tpu.memory_space<hbm>>) target(%dma_start3A_70 : memref<64x128xf32, #tpu.memory_space<vmem>>) offsets(%dma_start3A_77 : memref<64xi32, #tpu.memory_space<vmem>>) semaphore(%arg10 : memref<!tpu.dma_semaphore, #tpu.memory_space<semaphore_mem>>)
    %while3A = arith.constant 0 : i32
    %while3A_81 = arith.constant 0 : i32
    %while3A_82 = arith.subi %select_n3A_8, %while3A_81 : i32
    %while3A_83 = arith.addi %while3A_81, %while3A_82 : i32
    %while3A_84 = arith.constant 1 : i32
    %while3A_85 = arith.divsi %while3A_82, %while3A_84 : i32
    %while3A_86 = arith.muli %while3A_85, %while3A_84 : i32
    %while3A_87 = arith.addi %while3A_81, %while3A_86 : i32
    %while3A_88 = arith.constant 1 : i32
    scf.for %while3A_119 = %while3A_81 to %while3A_87 step %while3A_88  : i32 {
      %rem3A_120 = arith.constant 2 : i32
      %rem3A_121 = arith.remsi %while3A_119, %rem3A_120 : i32
      %rem3A_122 = arith.constant 8 : i32
      %rem3A_123 = arith.remsi %while3A_119, %rem3A_122 : i32
      %div3A_124 = arith.constant 8 : i32
      %div3A_125 = arith.divsi %while3A_119, %div3A_124 : i32
      %rem3A_126 = arith.constant 2 : i32
      %rem3A_127 = arith.remsi %div3A_125, %rem3A_126 : i32
      %add3A_128 = arith.constant 1 : i32
      %add3A_129 = arith.addi %rem3A_127, %add3A_128 : i32
      %rem3A_130 = arith.constant 2 : i32
      %rem3A_131 = arith.remsi %add3A_129, %rem3A_130 : i32
      %add3A_132 = arith.addi %select_n3A, %while3A_119 : i32
      %add3A_133 = arith.constant 8 : i32
      %add3A_134 = arith.addi %add3A_132, %add3A_133 : i32
      %eq3A_135 = arith.constant 0 : i32
      %eq3A_136 = arith.cmpi eq, %rem3A_123, %eq3A_135 : i32
      %add3A_137 = arith.constant 8 : i32
      %add3A_138 = arith.addi %while3A_119, %add3A_137 : i32
      %lt3A = arith.cmpi slt, %add3A_138, %select_n3A_8 : i32
      %and3A = arith.andi %eq3A_136, %lt3A : i1
      %convert_element_type3A = arith.extui %and3A : i1 to i32
      %cond3A = arith.constant 0 : i32
      %cond3A_139 = arith.cmpi ne, %convert_element_type3A, %cond3A : i32
      scf.if %cond3A_139 {
        %dma_start3A_187 = arith.constant 0 : i32
        %dma_start3A_188 = arith.constant 0 : i32
        %dma_start3A_189 = tpu.memref_slice %arg6[%rem3A_131, %dma_start3A_187, %dma_start3A_188] : memref<2x8x64xi32, #tpu.memory_space<vmem>> -> memref<1x8x64xi32, #tpu.memory_space<vmem>>
        %dma_start3A_190 = tpu.memref_squeeze %dma_start3A_189 : memref<1x8x64xi32, #tpu.memory_space<vmem>> -> memref<8x64xi32, #tpu.memory_space<vmem>>
        %dma_start3A_191 = arith.constant 0 : i32
        %dma_start3A_192 = tpu.memref_slice %arg3[%add3A_134, %dma_start3A_191] : memref<5120x64xi32, #tpu.memory_space<hbm>> -> memref<8x64xi32, #tpu.memory_space<hbm>>
        %dma_start3A_193 = arith.constant 0 : i32
        %dma_start3A_194 = arith.constant 0 : i32
        %dma_start3A_195 = tpu.memref_slice %arg6[%rem3A_131, %dma_start3A_193, %dma_start3A_194] : memref<2x8x64xi32, #tpu.memory_space<vmem>> -> memref<1x8x64xi32, #tpu.memory_space<vmem>>
        %dma_start3A_196 = tpu.memref_squeeze %dma_start3A_195 : memref<1x8x64xi32, #tpu.memory_space<vmem>> -> memref<8x64xi32, #tpu.memory_space<vmem>>
        %dma_start3A_197 = arith.constant 0 : i32
        %dma_start3A_198 = tpu.memref_slice %arg3[%add3A_134, %dma_start3A_197] : memref<5120x64xi32, #tpu.memory_space<hbm>> -> memref<8x64xi32, #tpu.memory_space<hbm>>
        tpu.enqueue_dma source(%dma_start3A_198 : memref<8x64xi32, #tpu.memory_space<hbm>>) target(%dma_start3A_196 : memref<8x64xi32, #tpu.memory_space<vmem>>) target_semaphore(%arg11 : memref<!tpu.dma_semaphore, #tpu.memory_space<semaphore_mem>>)
        %dma_start3A_199 = arith.constant 0 : i32
        %dma_start3A_200 = arith.constant 0 : i32
        %dma_start3A_201 = tpu.memref_slice %arg7[%rem3A_131, %dma_start3A_199, %dma_start3A_200] : memref<2x8x64xi32, #tpu.memory_space<vmem>> -> memref<1x8x64xi32, #tpu.memory_space<vmem>>
        %dma_start3A_202 = tpu.memref_squeeze %dma_start3A_201 : memref<1x8x64xi32, #tpu.memory_space<vmem>> -> memref<8x64xi32, #tpu.memory_space<vmem>>
        %dma_start3A_203 = arith.constant 0 : i32
        %dma_start3A_204 = tpu.memref_slice %arg4[%add3A_134, %dma_start3A_203] : memref<5120x64xi32, #tpu.memory_space<hbm>> -> memref<8x64xi32, #tpu.memory_space<hbm>>
        %dma_start3A_205 = arith.constant 0 : i32
        %dma_start3A_206 = arith.constant 0 : i32
        %dma_start3A_207 = tpu.memref_slice %arg7[%rem3A_131, %dma_start3A_205, %dma_start3A_206] : memref<2x8x64xi32, #tpu.memory_space<vmem>> -> memref<1x8x64xi32, #tpu.memory_space<vmem>>
        %dma_start3A_208 = tpu.memref_squeeze %dma_start3A_207 : memref<1x8x64xi32, #tpu.memory_space<vmem>> -> memref<8x64xi32, #tpu.memory_space<vmem>>
        %dma_start3A_209 = arith.constant 0 : i32
        %dma_start3A_210 = tpu.memref_slice %arg4[%add3A_134, %dma_start3A_209] : memref<5120x64xi32, #tpu.memory_space<hbm>> -> memref<8x64xi32, #tpu.memory_space<hbm>>
        tpu.enqueue_dma source(%dma_start3A_210 : memref<8x64xi32, #tpu.memory_space<hbm>>) target(%dma_start3A_208 : memref<8x64xi32, #tpu.memory_space<vmem>>) target_semaphore(%arg11 : memref<!tpu.dma_semaphore, #tpu.memory_space<semaphore_mem>>)
      } else {
      }
      %dma_wait3A_140 = arith.constant 0 : i32
      %dma_wait3A_141 = arith.constant 0 : i32
      %dma_wait3A_142 = tpu.memref_slice %arg8[%rem3A_121, %dma_wait3A_140, %dma_wait3A_141] : memref<2x64x128xf32, #tpu.memory_space<vmem>> -> memref<1x64x128xf32, #tpu.memory_space<vmem>>
      %dma_wait3A_143 = tpu.memref_squeeze %dma_wait3A_142 : memref<1x64x128xf32, #tpu.memory_space<vmem>> -> memref<64x128xf32, #tpu.memory_space<vmem>>
      %dma_wait3A_144 = arith.constant 0 : i32
      %dma_wait3A_145 = arith.constant 0 : i32
      %dma_wait3A_146 = tpu.memref_slice %arg6[%rem3A_127, %dma_wait3A_144, %dma_wait3A_145] : memref<2x8x64xi32, #tpu.memory_space<vmem>> -> memref<1x8x64xi32, #tpu.memory_space<vmem>>
      %dma_wait3A_147 = tpu.memref_squeeze %dma_wait3A_146 : memref<1x8x64xi32, #tpu.memory_space<vmem>> -> memref<8x64xi32, #tpu.memory_space<vmem>>
      %dma_wait3A_148 = arith.constant 0 : i32
      %dma_wait3A_149 = tpu.memref_slice %dma_wait3A_147[%rem3A_123, %dma_wait3A_148] : memref<8x64xi32, #tpu.memory_space<vmem>> -> memref<1x64xi32, #tpu.memory_space<vmem>>
      %dma_wait3A_150 = tpu.memref_squeeze %dma_wait3A_149 : memref<1x64xi32, #tpu.memory_space<vmem>> -> memref<64xi32, #tpu.memory_space<vmem>>
      %dma_wait3A_151 = arith.constant 0 : i32
      %dma_wait3A_152 = arith.constant 0 : i32
      %dma_wait3A_153 = tpu.memref_slice %arg2[%dma_wait3A_151, %dma_wait3A_152] : memref<10240x128xf32, #tpu.memory_space<hbm>> -> memref<10240x128xf32, #tpu.memory_space<hbm>>
      tpu.wait_indirect_dma semaphore(%arg10 : memref<!tpu.dma_semaphore, #tpu.memory_space<semaphore_mem>>) src(%dma_wait3A_153 : memref<10240x128xf32, #tpu.memory_space<hbm>>) dst(%dma_wait3A_143 : memref<64x128xf32, #tpu.memory_space<vmem>>)
      %eq3A_154 = arith.constant 7 : i32
      %eq3A_155 = arith.cmpi eq, %rem3A_123, %eq3A_154 : i32
      %add3A_156 = arith.constant 1 : i32
      %add3A_157 = arith.addi %while3A_119, %add3A_156 : i32
      %lt3A_158 = arith.cmpi slt, %add3A_157, %select_n3A_8 : i32
      %and3A_159 = arith.andi %eq3A_155, %lt3A_158 : i1
      %convert_element_type3A_160 = arith.extui %and3A_159 : i1 to i32
      %cond3A_161 = arith.constant 0 : i32
      %cond3A_162 = arith.cmpi ne, %convert_element_type3A_160, %cond3A_161 : i32
      scf.if %cond3A_162 {
        %add3A_187 = arith.addi %select_n3A, %while3A_119 : i32
        %add3A_188 = arith.constant 1 : i32
        %add3A_189 = arith.addi %add3A_187, %add3A_188 : i32
        %dma_wait3A_190 = arith.constant 0 : i32
        %dma_wait3A_191 = arith.constant 0 : i32
        %dma_wait3A_192 = tpu.memref_slice %arg6[%rem3A_131, %dma_wait3A_190, %dma_wait3A_191] : memref<2x8x64xi32, #tpu.memory_space<vmem>> -> memref<1x8x64xi32, #tpu.memory_space<vmem>>
        %dma_wait3A_193 = tpu.memref_squeeze %dma_wait3A_192 : memref<1x8x64xi32, #tpu.memory_space<vmem>> -> memref<8x64xi32, #tpu.memory_space<vmem>>
        %dma_wait3A_194 = arith.constant 0 : i32
        %dma_wait3A_195 = tpu.memref_slice %arg3[%add3A_189, %dma_wait3A_194] : memref<5120x64xi32, #tpu.memory_space<hbm>> -> memref<8x64xi32, #tpu.memory_space<hbm>>
        %dma_wait3A_196 = arith.constant 0 : i32
        %dma_wait3A_197 = arith.constant 0 : i32
        %dma_wait3A_198 = tpu.memref_slice %arg6[%rem3A_131, %dma_wait3A_196, %dma_wait3A_197] : memref<2x8x64xi32, #tpu.memory_space<vmem>> -> memref<1x8x64xi32, #tpu.memory_space<vmem>>
        %dma_wait3A_199 = tpu.memref_squeeze %dma_wait3A_198 : memref<1x8x64xi32, #tpu.memory_space<vmem>> -> memref<8x64xi32, #tpu.memory_space<vmem>>
        %dma_wait3A_200 = arith.constant 0 : i32
        %dma_wait3A_201 = tpu.memref_slice %arg3[%add3A_189, %dma_wait3A_200] : memref<5120x64xi32, #tpu.memory_space<hbm>> -> memref<8x64xi32, #tpu.memory_space<hbm>>
        tpu.wait_dma2 semaphore(%arg11 : memref<!tpu.dma_semaphore, #tpu.memory_space<semaphore_mem>>) src(%dma_wait3A_201 : memref<8x64xi32, #tpu.memory_space<hbm>>) dst(%dma_wait3A_199 : memref<8x64xi32, #tpu.memory_space<vmem>>)
        %dma_wait3A_202 = arith.constant 0 : i32
        %dma_wait3A_203 = arith.constant 0 : i32
        %dma_wait3A_204 = tpu.memref_slice %arg7[%rem3A_131, %dma_wait3A_202, %dma_wait3A_203] : memref<2x8x64xi32, #tpu.memory_space<vmem>> -> memref<1x8x64xi32, #tpu.memory_space<vmem>>
        %dma_wait3A_205 = tpu.memref_squeeze %dma_wait3A_204 : memref<1x8x64xi32, #tpu.memory_space<vmem>> -> memref<8x64xi32, #tpu.memory_space<vmem>>
        %dma_wait3A_206 = arith.constant 0 : i32
        %dma_wait3A_207 = tpu.memref_slice %arg4[%add3A_189, %dma_wait3A_206] : memref<5120x64xi32, #tpu.memory_space<hbm>> -> memref<8x64xi32, #tpu.memory_space<hbm>>
        %dma_wait3A_208 = arith.constant 0 : i32
        %dma_wait3A_209 = arith.constant 0 : i32
        %dma_wait3A_210 = tpu.memref_slice %arg7[%rem3A_131, %dma_wait3A_208, %dma_wait3A_209] : memref<2x8x64xi32, #tpu.memory_space<vmem>> -> memref<1x8x64xi32, #tpu.memory_space<vmem>>
        %dma_wait3A_211 = tpu.memref_squeeze %dma_wait3A_210 : memref<1x8x64xi32, #tpu.memory_space<vmem>> -> memref<8x64xi32, #tpu.memory_space<vmem>>
        %dma_wait3A_212 = arith.constant 0 : i32
        %dma_wait3A_213 = tpu.memref_slice %arg4[%add3A_189, %dma_wait3A_212] : memref<5120x64xi32, #tpu.memory_space<hbm>> -> memref<8x64xi32, #tpu.memory_space<hbm>>
        tpu.wait_dma2 semaphore(%arg11 : memref<!tpu.dma_semaphore, #tpu.memory_space<semaphore_mem>>) src(%dma_wait3A_213 : memref<8x64xi32, #tpu.memory_space<hbm>>) dst(%dma_wait3A_211 : memref<8x64xi32, #tpu.memory_space<vmem>>)
      } else {
      }
      %ge3A = arith.constant 1 : i32
      %ge3A_163 = arith.cmpi sge, %while3A_119, %ge3A : i32
      %convert_element_type3A_164 = arith.extui %ge3A_163 : i1 to i32
      %cond3A_165 = arith.constant 0 : i32
      %cond3A_166 = arith.cmpi ne, %convert_element_type3A_164, %cond3A_165 : i32
      scf.if %cond3A_166 {
        %sub3A_187 = arith.constant 1 : i32
        %sub3A_188 = arith.subi %while3A_119, %sub3A_187 : i32
        %rem3A_189 = arith.constant 8 : i32
        %rem3A_190 = arith.remsi %sub3A_188, %rem3A_189 : i32
        %sub3A_191 = arith.constant 1 : i32
        %sub3A_192 = arith.subi %while3A_119, %sub3A_191 : i32
        %div3A_193 = arith.constant 8 : i32
        %div3A_194 = arith.divsi %sub3A_192, %div3A_193 : i32
        %rem3A_195 = arith.constant 2 : i32
        %rem3A_196 = arith.remsi %div3A_194, %rem3A_195 : i32
        %add3A_197 = arith.constant 1 : i32
        %add3A_198 = arith.addi %while3A_119, %add3A_197 : i32
        %rem3A_199 = arith.constant 2 : i32
        %rem3A_200 = arith.remsi %add3A_198, %rem3A_199 : i32
        %dma_wait3A_201 = arith.constant 0 : i32
        %dma_wait3A_202 = arith.constant 0 : i32
        %dma_wait3A_203 = tpu.memref_slice %arg8[%rem3A_200, %dma_wait3A_201, %dma_wait3A_202] : memref<2x64x128xf32, #tpu.memory_space<vmem>> -> memref<1x64x128xf32, #tpu.memory_space<vmem>>
        %dma_wait3A_204 = tpu.memref_squeeze %dma_wait3A_203 : memref<1x64x128xf32, #tpu.memory_space<vmem>> -> memref<64x128xf32, #tpu.memory_space<vmem>>
        %dma_wait3A_205 = arith.constant 0 : i32
        %dma_wait3A_206 = arith.constant 0 : i32
        %dma_wait3A_207 = tpu.memref_slice %arg7[%rem3A_196, %dma_wait3A_205, %dma_wait3A_206] : memref<2x8x64xi32, #tpu.memory_space<vmem>> -> memref<1x8x64xi32, #tpu.memory_space<vmem>>
        %dma_wait3A_208 = tpu.memref_squeeze %dma_wait3A_207 : memref<1x8x64xi32, #tpu.memory_space<vmem>> -> memref<8x64xi32, #tpu.memory_space<vmem>>
        %dma_wait3A_209 = arith.constant 0 : i32
        %dma_wait3A_210 = tpu.memref_slice %dma_wait3A_208[%rem3A_190, %dma_wait3A_209] : memref<8x64xi32, #tpu.memory_space<vmem>> -> memref<1x64xi32, #tpu.memory_space<vmem>>
        %dma_wait3A_211 = tpu.memref_squeeze %dma_wait3A_210 : memref<1x64xi32, #tpu.memory_space<vmem>> -> memref<64xi32, #tpu.memory_space<vmem>>
        %dma_wait3A_212 = arith.constant 0 : i32
        %dma_wait3A_213 = arith.constant 0 : i32
        %dma_wait3A_214 = tpu.memref_slice %arg9[%dma_wait3A_212, %dma_wait3A_213] : memref<10240x128xf32, #tpu.memory_space<vmem_shared>> -> memref<10240x128xf32, #tpu.memory_space<vmem_shared>>
        tpu.wait_indirect_dma semaphore(%arg12 : memref<!tpu.dma_semaphore, #tpu.memory_space<semaphore_mem>>) src(%dma_wait3A_204 : memref<64x128xf32, #tpu.memory_space<vmem>>) dst(%dma_wait3A_214 : memref<10240x128xf32, #tpu.memory_space<vmem_shared>>)
      } else {
      }
      %add3A_167 = arith.constant 1 : i32
      %add3A_168 = arith.addi %while3A_119, %add3A_167 : i32
      %lt3A_169 = arith.cmpi slt, %add3A_168, %select_n3A_8 : i32
      %convert_element_type3A_170 = arith.extui %lt3A_169 : i1 to i32
      %cond3A_171 = arith.constant 0 : i32
      %cond3A_172 = arith.cmpi ne, %convert_element_type3A_170, %cond3A_171 : i32
      scf.if %cond3A_172 {
        %add3A_187 = arith.constant 1 : i32
        %add3A_188 = arith.addi %while3A_119, %add3A_187 : i32
        %rem3A_189 = arith.constant 8 : i32
        %rem3A_190 = arith.remsi %add3A_188, %rem3A_189 : i32
        %add3A_191 = arith.constant 1 : i32
        %add3A_192 = arith.addi %while3A_119, %add3A_191 : i32
        %div3A_193 = arith.constant 8 : i32
        %div3A_194 = arith.divsi %add3A_192, %div3A_193 : i32
        %rem3A_195 = arith.constant 2 : i32
        %rem3A_196 = arith.remsi %div3A_194, %rem3A_195 : i32
        %add3A_197 = arith.constant 1 : i32
        %add3A_198 = arith.addi %while3A_119, %add3A_197 : i32
        %rem3A_199 = arith.constant 2 : i32
        %rem3A_200 = arith.remsi %add3A_198, %rem3A_199 : i32
        %dma_start3A_201 = arith.constant 0 : i32
        %dma_start3A_202 = arith.constant 0 : i32
        %dma_start3A_203 = tpu.memref_slice %arg8[%rem3A_200, %dma_start3A_201, %dma_start3A_202] : memref<2x64x128xf32, #tpu.memory_space<vmem>> -> memref<1x64x128xf32, #tpu.memory_space<vmem>>
        %dma_start3A_204 = tpu.memref_squeeze %dma_start3A_203 : memref<1x64x128xf32, #tpu.memory_space<vmem>> -> memref<64x128xf32, #tpu.memory_space<vmem>>
        %dma_start3A_205 = arith.constant 0 : i32
        %dma_start3A_206 = arith.constant 0 : i32
        %dma_start3A_207 = tpu.memref_slice %arg6[%rem3A_196, %dma_start3A_205, %dma_start3A_206] : memref<2x8x64xi32, #tpu.memory_space<vmem>> -> memref<1x8x64xi32, #tpu.memory_space<vmem>>
        %dma_start3A_208 = tpu.memref_squeeze %dma_start3A_207 : memref<1x8x64xi32, #tpu.memory_space<vmem>> -> memref<8x64xi32, #tpu.memory_space<vmem>>
        %dma_start3A_209 = arith.constant 0 : i32
        %dma_start3A_210 = tpu.memref_slice %dma_start3A_208[%rem3A_190, %dma_start3A_209] : memref<8x64xi32, #tpu.memory_space<vmem>> -> memref<1x64xi32, #tpu.memory_space<vmem>>
        %dma_start3A_211 = tpu.memref_squeeze %dma_start3A_210 : memref<1x64xi32, #tpu.memory_space<vmem>> -> memref<64xi32, #tpu.memory_space<vmem>>
        %dma_start3A_212 = arith.constant 0 : i32
        %dma_start3A_213 = arith.constant 0 : i32
        %dma_start3A_214 = tpu.memref_slice %arg2[%dma_start3A_212, %dma_start3A_213] : memref<10240x128xf32, #tpu.memory_space<hbm>> -> memref<10240x128xf32, #tpu.memory_space<hbm>>
        tpu.enqueue_indirect_dma source(%dma_start3A_214 : memref<10240x128xf32, #tpu.memory_space<hbm>>) target(%dma_start3A_204 : memref<64x128xf32, #tpu.memory_space<vmem>>) offsets(%dma_start3A_211 : memref<64xi32, #tpu.memory_space<vmem>>) semaphore(%arg10 : memref<!tpu.dma_semaphore, #tpu.memory_space<semaphore_mem>>)
      } else {
      }
      %dma_start3A_173 = arith.constant 0 : i32
      %dma_start3A_174 = arith.constant 0 : i32
      %dma_start3A_175 = tpu.memref_slice %arg8[%rem3A_121, %dma_start3A_173, %dma_start3A_174] : memref<2x64x128xf32, #tpu.memory_space<vmem>> -> memref<1x64x128xf32, #tpu.memory_space<vmem>>
      %dma_start3A_176 = tpu.memref_squeeze %dma_start3A_175 : memref<1x64x128xf32, #tpu.memory_space<vmem>> -> memref<64x128xf32, #tpu.memory_space<vmem>>
      %dma_start3A_177 = arith.constant 0 : i32
      %dma_start3A_178 = arith.constant 0 : i32
      %dma_start3A_179 = tpu.memref_slice %arg7[%rem3A_127, %dma_start3A_177, %dma_start3A_178] : memref<2x8x64xi32, #tpu.memory_space<vmem>> -> memref<1x8x64xi32, #tpu.memory_space<vmem>>
      %dma_start3A_180 = tpu.memref_squeeze %dma_start3A_179 : memref<1x8x64xi32, #tpu.memory_space<vmem>> -> memref<8x64xi32, #tpu.memory_space<vmem>>
      %dma_start3A_181 = arith.constant 0 : i32
      %dma_start3A_182 = tpu.memref_slice %dma_start3A_180[%rem3A_123, %dma_start3A_181] : memref<8x64xi32, #tpu.memory_space<vmem>> -> memref<1x64xi32, #tpu.memory_space<vmem>>
      %dma_start3A_183 = tpu.memref_squeeze %dma_start3A_182 : memref<1x64xi32, #tpu.memory_space<vmem>> -> memref<64xi32, #tpu.memory_space<vmem>>
      %dma_start3A_184 = arith.constant 0 : i32
      %dma_start3A_185 = arith.constant 0 : i32
      %dma_start3A_186 = tpu.memref_slice %arg9[%dma_start3A_184, %dma_start3A_185] : memref<10240x128xf32, #tpu.memory_space<vmem_shared>> -> memref<10240x128xf32, #tpu.memory_space<vmem_shared>>
      tpu.enqueue_indirect_dma source(%dma_start3A_176 : memref<64x128xf32, #tpu.memory_space<vmem>>) target(%dma_start3A_186 : memref<10240x128xf32, #tpu.memory_space<vmem_shared>>) offsets(%dma_start3A_183 : memref<64xi32, #tpu.memory_space<vmem>>) semaphore(%arg12 : memref<!tpu.dma_semaphore, #tpu.memory_space<semaphore_mem>>) {add = true}
    }
    %while3A_89 = arith.constant 1 : i32
    scf.for %while3A_119 = %while3A_87 to %while3A_83 step %while3A_89  : i32 {
      %rem3A_120 = arith.constant 2 : i32
      %rem3A_121 = arith.remsi %while3A_119, %rem3A_120 : i32
      %rem3A_122 = arith.constant 8 : i32
      %rem3A_123 = arith.remsi %while3A_119, %rem3A_122 : i32
      %div3A_124 = arith.constant 8 : i32
      %div3A_125 = arith.divsi %while3A_119, %div3A_124 : i32
      %rem3A_126 = arith.constant 2 : i32
      %rem3A_127 = arith.remsi %div3A_125, %rem3A_126 : i32
      %add3A_128 = arith.constant 1 : i32
      %add3A_129 = arith.addi %rem3A_127, %add3A_128 : i32
      %rem3A_130 = arith.constant 2 : i32
      %rem3A_131 = arith.remsi %add3A_129, %rem3A_130 : i32
      %add3A_132 = arith.addi %select_n3A, %while3A_119 : i32
      %add3A_133 = arith.constant 8 : i32
      %add3A_134 = arith.addi %add3A_132, %add3A_133 : i32
      %eq3A_135 = arith.constant 0 : i32
      %eq3A_136 = arith.cmpi eq, %rem3A_123, %eq3A_135 : i32
      %add3A_137 = arith.constant 8 : i32
      %add3A_138 = arith.addi %while3A_119, %add3A_137 : i32
      %lt3A = arith.cmpi slt, %add3A_138, %select_n3A_8 : i32
      %and3A = arith.andi %eq3A_136, %lt3A : i1
      %convert_element_type3A = arith.extui %and3A : i1 to i32
      %cond3A = arith.constant 0 : i32
      %cond3A_139 = arith.cmpi ne, %convert_element_type3A, %cond3A : i32
      scf.if %cond3A_139 {
        %dma_start3A_187 = arith.constant 0 : i32
        %dma_start3A_188 = arith.constant 0 : i32
        %dma_start3A_189 = tpu.memref_slice %arg6[%rem3A_131, %dma_start3A_187, %dma_start3A_188] : memref<2x8x64xi32, #tpu.memory_space<vmem>> -> memref<1x8x64xi32, #tpu.memory_space<vmem>>
        %dma_start3A_190 = tpu.memref_squeeze %dma_start3A_189 : memref<1x8x64xi32, #tpu.memory_space<vmem>> -> memref<8x64xi32, #tpu.memory_space<vmem>>
        %dma_start3A_191 = arith.constant 0 : i32
        %dma_start3A_192 = tpu.memref_slice %arg3[%add3A_134, %dma_start3A_191] : memref<5120x64xi32, #tpu.memory_space<hbm>> -> memref<8x64xi32, #tpu.memory_space<hbm>>
        %dma_start3A_193 = arith.constant 0 : i32
        %dma_start3A_194 = arith.constant 0 : i32
        %dma_start3A_195 = tpu.memref_slice %arg6[%rem3A_131, %dma_start3A_193, %dma_start3A_194] : memref<2x8x64xi32, #tpu.memory_space<vmem>> -> memref<1x8x64xi32, #tpu.memory_space<vmem>>
        %dma_start3A_196 = tpu.memref_squeeze %dma_start3A_195 : memref<1x8x64xi32, #tpu.memory_space<vmem>> -> memref<8x64xi32, #tpu.memory_space<vmem>>
        %dma_start3A_197 = arith.constant 0 : i32
        %dma_start3A_198 = tpu.memref_slice %arg3[%add3A_134, %dma_start3A_197] : memref<5120x64xi32, #tpu.memory_space<hbm>> -> memref<8x64xi32, #tpu.memory_space<hbm>>
        tpu.enqueue_dma source(%dma_start3A_198 : memref<8x64xi32, #tpu.memory_space<hbm>>) target(%dma_start3A_196 : memref<8x64xi32, #tpu.memory_space<vmem>>) target_semaphore(%arg11 : memref<!tpu.dma_semaphore, #tpu.memory_space<semaphore_mem>>)
        %dma_start3A_199 = arith.constant 0 : i32
        %dma_start3A_200 = arith.constant 0 : i32
        %dma_start3A_201 = tpu.memref_slice %arg7[%rem3A_131, %dma_start3A_199, %dma_start3A_200] : memref<2x8x64xi32, #tpu.memory_space<vmem>> -> memref<1x8x64xi32, #tpu.memory_space<vmem>>
        %dma_start3A_202 = tpu.memref_squeeze %dma_start3A_201 : memref<1x8x64xi32, #tpu.memory_space<vmem>> -> memref<8x64xi32, #tpu.memory_space<vmem>>
        %dma_start3A_203 = arith.constant 0 : i32
        %dma_start3A_204 = tpu.memref_slice %arg4[%add3A_134, %dma_start3A_203] : memref<5120x64xi32, #tpu.memory_space<hbm>> -> memref<8x64xi32, #tpu.memory_space<hbm>>
        %dma_start3A_205 = arith.constant 0 : i32
        %dma_start3A_206 = arith.constant 0 : i32
        %dma_start3A_207 = tpu.memref_slice %arg7[%rem3A_131, %dma_start3A_205, %dma_start3A_206] : memref<2x8x64xi32, #tpu.memory_space<vmem>> -> memref<1x8x64xi32, #tpu.memory_space<vmem>>
        %dma_start3A_208 = tpu.memref_squeeze %dma_start3A_207 : memref<1x8x64xi32, #tpu.memory_space<vmem>> -> memref<8x64xi32, #tpu.memory_space<vmem>>
        %dma_start3A_209 = arith.constant 0 : i32
        %dma_start3A_210 = tpu.memref_slice %arg4[%add3A_134, %dma_start3A_209] : memref<5120x64xi32, #tpu.memory_space<hbm>> -> memref<8x64xi32, #tpu.memory_space<hbm>>
        tpu.enqueue_dma source(%dma_start3A_210 : memref<8x64xi32, #tpu.memory_space<hbm>>) target(%dma_start3A_208 : memref<8x64xi32, #tpu.memory_space<vmem>>) target_semaphore(%arg11 : memref<!tpu.dma_semaphore, #tpu.memory_space<semaphore_mem>>)
      } else {
      }
      %dma_wait3A_140 = arith.constant 0 : i32
      %dma_wait3A_141 = arith.constant 0 : i32
      %dma_wait3A_142 = tpu.memref_slice %arg8[%rem3A_121, %dma_wait3A_140, %dma_wait3A_141] : memref<2x64x128xf32, #tpu.memory_space<vmem>> -> memref<1x64x128xf32, #tpu.memory_space<vmem>>
      %dma_wait3A_143 = tpu.memref_squeeze %dma_wait3A_142 : memref<1x64x128xf32, #tpu.memory_space<vmem>> -> memref<64x128xf32, #tpu.memory_space<vmem>>
      %dma_wait3A_144 = arith.constant 0 : i32
      %dma_wait3A_145 = arith.constant 0 : i32
      %dma_wait3A_146 = tpu.memref_slice %arg6[%rem3A_127, %dma_wait3A_144, %dma_wait3A_145] : memref<2x8x64xi32, #tpu.memory_space<vmem>> -> memref<1x8x64xi32, #tpu.memory_space<vmem>>
      %dma_wait3A_147 = tpu.memref_squeeze %dma_wait3A_146 : memref<1x8x64xi32, #tpu.memory_space<vmem>> -> memref<8x64xi32, #tpu.memory_space<vmem>>
      %dma_wait3A_148 = arith.constant 0 : i32
      %dma_wait3A_149 = tpu.memref_slice %dma_wait3A_147[%rem3A_123, %dma_wait3A_148] : memref<8x64xi32, #tpu.memory_space<vmem>> -> memref<1x64xi32, #tpu.memory_space<vmem>>
      %dma_wait3A_150 = tpu.memref_squeeze %dma_wait3A_149 : memref<1x64xi32, #tpu.memory_space<vmem>> -> memref<64xi32, #tpu.memory_space<vmem>>
      %dma_wait3A_151 = arith.constant 0 : i32
      %dma_wait3A_152 = arith.constant 0 : i32
      %dma_wait3A_153 = tpu.memref_slice %arg2[%dma_wait3A_151, %dma_wait3A_152] : memref<10240x128xf32, #tpu.memory_space<hbm>> -> memref<10240x128xf32, #tpu.memory_space<hbm>>
      tpu.wait_indirect_dma semaphore(%arg10 : memref<!tpu.dma_semaphore, #tpu.memory_space<semaphore_mem>>) src(%dma_wait3A_153 : memref<10240x128xf32, #tpu.memory_space<hbm>>) dst(%dma_wait3A_143 : memref<64x128xf32, #tpu.memory_space<vmem>>)
      %eq3A_154 = arith.constant 7 : i32
      %eq3A_155 = arith.cmpi eq, %rem3A_123, %eq3A_154 : i32
      %add3A_156 = arith.constant 1 : i32
      %add3A_157 = arith.addi %while3A_119, %add3A_156 : i32
      %lt3A_158 = arith.cmpi slt, %add3A_157, %select_n3A_8 : i32
      %and3A_159 = arith.andi %eq3A_155, %lt3A_158 : i1
      %convert_element_type3A_160 = arith.extui %and3A_159 : i1 to i32
      %cond3A_161 = arith.constant 0 : i32
      %cond3A_162 = arith.cmpi ne, %convert_element_type3A_160, %cond3A_161 : i32
      scf.if %cond3A_162 {
        %add3A_187 = arith.addi %select_n3A, %while3A_119 : i32
        %add3A_188 = arith.constant 1 : i32
        %add3A_189 = arith.addi %add3A_187, %add3A_188 : i32
        %dma_wait3A_190 = arith.constant 0 : i32
        %dma_wait3A_191 = arith.constant 0 : i32
        %dma_wait3A_192 = tpu.memref_slice %arg6[%rem3A_131, %dma_wait3A_190, %dma_wait3A_191] : memref<2x8x64xi32, #tpu.memory_space<vmem>> -> memref<1x8x64xi32, #tpu.memory_space<vmem>>
        %dma_wait3A_193 = tpu.memref_squeeze %dma_wait3A_192 : memref<1x8x64xi32, #tpu.memory_space<vmem>> -> memref<8x64xi32, #tpu.memory_space<vmem>>
        %dma_wait3A_194 = arith.constant 0 : i32
        %dma_wait3A_195 = tpu.memref_slice %arg3[%add3A_189, %dma_wait3A_194] : memref<5120x64xi32, #tpu.memory_space<hbm>> -> memref<8x64xi32, #tpu.memory_space<hbm>>
        %dma_wait3A_196 = arith.constant 0 : i32
        %dma_wait3A_197 = arith.constant 0 : i32
        %dma_wait3A_198 = tpu.memref_slice %arg6[%rem3A_131, %dma_wait3A_196, %dma_wait3A_197] : memref<2x8x64xi32, #tpu.memory_space<vmem>> -> memref<1x8x64xi32, #tpu.memory_space<vmem>>
        %dma_wait3A_199 = tpu.memref_squeeze %dma_wait3A_198 : memref<1x8x64xi32, #tpu.memory_space<vmem>> -> memref<8x64xi32, #tpu.memory_space<vmem>>
        %dma_wait3A_200 = arith.constant 0 : i32
        %dma_wait3A_201 = tpu.memref_slice %arg3[%add3A_189, %dma_wait3A_200] : memref<5120x64xi32, #tpu.memory_space<hbm>> -> memref<8x64xi32, #tpu.memory_space<hbm>>
        tpu.wait_dma2 semaphore(%arg11 : memref<!tpu.dma_semaphore, #tpu.memory_space<semaphore_mem>>) src(%dma_wait3A_201 : memref<8x64xi32, #tpu.memory_space<hbm>>) dst(%dma_wait3A_199 : memref<8x64xi32, #tpu.memory_space<vmem>>)
        %dma_wait3A_202 = arith.constant 0 : i32
        %dma_wait3A_203 = arith.constant 0 : i32
        %dma_wait3A_204 = tpu.memref_slice %arg7[%rem3A_131, %dma_wait3A_202, %dma_wait3A_203] : memref<2x8x64xi32, #tpu.memory_space<vmem>> -> memref<1x8x64xi32, #tpu.memory_space<vmem>>
        %dma_wait3A_205 = tpu.memref_squeeze %dma_wait3A_204 : memref<1x8x64xi32, #tpu.memory_space<vmem>> -> memref<8x64xi32, #tpu.memory_space<vmem>>
        %dma_wait3A_206 = arith.constant 0 : i32
        %dma_wait3A_207 = tpu.memref_slice %arg4[%add3A_189, %dma_wait3A_206] : memref<5120x64xi32, #tpu.memory_space<hbm>> -> memref<8x64xi32, #tpu.memory_space<hbm>>
        %dma_wait3A_208 = arith.constant 0 : i32
        %dma_wait3A_209 = arith.constant 0 : i32
        %dma_wait3A_210 = tpu.memref_slice %arg7[%rem3A_131, %dma_wait3A_208, %dma_wait3A_209] : memref<2x8x64xi32, #tpu.memory_space<vmem>> -> memref<1x8x64xi32, #tpu.memory_space<vmem>>
        %dma_wait3A_211 = tpu.memref_squeeze %dma_wait3A_210 : memref<1x8x64xi32, #tpu.memory_space<vmem>> -> memref<8x64xi32, #tpu.memory_space<vmem>>
        %dma_wait3A_212 = arith.constant 0 : i32
        %dma_wait3A_213 = tpu.memref_slice %arg4[%add3A_189, %dma_wait3A_212] : memref<5120x64xi32, #tpu.memory_space<hbm>> -> memref<8x64xi32, #tpu.memory_space<hbm>>
        tpu.wait_dma2 semaphore(%arg11 : memref<!tpu.dma_semaphore, #tpu.memory_space<semaphore_mem>>) src(%dma_wait3A_213 : memref<8x64xi32, #tpu.memory_space<hbm>>) dst(%dma_wait3A_211 : memref<8x64xi32, #tpu.memory_space<vmem>>)
      } else {
      }
      %ge3A = arith.constant 1 : i32
      %ge3A_163 = arith.cmpi sge, %while3A_119, %ge3A : i32
      %convert_element_type3A_164 = arith.extui %ge3A_163 : i1 to i32
      %cond3A_165 = arith.constant 0 : i32
      %cond3A_166 = arith.cmpi ne, %convert_element_type3A_164, %cond3A_165 : i32
      scf.if %cond3A_166 {
        %sub3A_187 = arith.constant 1 : i32
        %sub3A_188 = arith.subi %while3A_119, %sub3A_187 : i32
        %rem3A_189 = arith.constant 8 : i32
        %rem3A_190 = arith.remsi %sub3A_188, %rem3A_189 : i32
        %sub3A_191 = arith.constant 1 : i32
        %sub3A_192 = arith.subi %while3A_119, %sub3A_191 : i32
        %div3A_193 = arith.constant 8 : i32
        %div3A_194 = arith.divsi %sub3A_192, %div3A_193 : i32
        %rem3A_195 = arith.constant 2 : i32
        %rem3A_196 = arith.remsi %div3A_194, %rem3A_195 : i32
        %add3A_197 = arith.constant 1 : i32
        %add3A_198 = arith.addi %while3A_119, %add3A_197 : i32
        %rem3A_199 = arith.constant 2 : i32
        %rem3A_200 = arith.remsi %add3A_198, %rem3A_199 : i32
        %dma_wait3A_201 = arith.constant 0 : i32
        %dma_wait3A_202 = arith.constant 0 : i32
        %dma_wait3A_203 = tpu.memref_slice %arg8[%rem3A_200, %dma_wait3A_201, %dma_wait3A_202] : memref<2x64x128xf32, #tpu.memory_space<vmem>> -> memref<1x64x128xf32, #tpu.memory_space<vmem>>
        %dma_wait3A_204 = tpu.memref_squeeze %dma_wait3A_203 : memref<1x64x128xf32, #tpu.memory_space<vmem>> -> memref<64x128xf32, #tpu.memory_space<vmem>>
        %dma_wait3A_205 = arith.constant 0 : i32
        %dma_wait3A_206 = arith.constant 0 : i32
        %dma_wait3A_207 = tpu.memref_slice %arg7[%rem3A_196, %dma_wait3A_205, %dma_wait3A_206] : memref<2x8x64xi32, #tpu.memory_space<vmem>> -> memref<1x8x64xi32, #tpu.memory_space<vmem>>
        %dma_wait3A_208 = tpu.memref_squeeze %dma_wait3A_207 : memref<1x8x64xi32, #tpu.memory_space<vmem>> -> memref<8x64xi32, #tpu.memory_space<vmem>>
        %dma_wait3A_209 = arith.constant 0 : i32
        %dma_wait3A_210 = tpu.memref_slice %dma_wait3A_208[%rem3A_190, %dma_wait3A_209] : memref<8x64xi32, #tpu.memory_space<vmem>> -> memref<1x64xi32, #tpu.memory_space<vmem>>
        %dma_wait3A_211 = tpu.memref_squeeze %dma_wait3A_210 : memref<1x64xi32, #tpu.memory_space<vmem>> -> memref<64xi32, #tpu.memory_space<vmem>>
        %dma_wait3A_212 = arith.constant 0 : i32
        %dma_wait3A_213 = arith.constant 0 : i32
        %dma_wait3A_214 = tpu.memref_slice %arg9[%dma_wait3A_212, %dma_wait3A_213] : memref<10240x128xf32, #tpu.memory_space<vmem_shared>> -> memref<10240x128xf32, #tpu.memory_space<vmem_shared>>
        tpu.wait_indirect_dma semaphore(%arg12 : memref<!tpu.dma_semaphore, #tpu.memory_space<semaphore_mem>>) src(%dma_wait3A_204 : memref<64x128xf32, #tpu.memory_space<vmem>>) dst(%dma_wait3A_214 : memref<10240x128xf32, #tpu.memory_space<vmem_shared>>)
      } else {
      }
      %add3A_167 = arith.constant 1 : i32
      %add3A_168 = arith.addi %while3A_119, %add3A_167 : i32
      %lt3A_169 = arith.cmpi slt, %add3A_168, %select_n3A_8 : i32
      %convert_element_type3A_170 = arith.extui %lt3A_169 : i1 to i32
      %cond3A_171 = arith.constant 0 : i32
      %cond3A_172 = arith.cmpi ne, %convert_element_type3A_170, %cond3A_171 : i32
      scf.if %cond3A_172 {
        %add3A_187 = arith.constant 1 : i32
        %add3A_188 = arith.addi %while3A_119, %add3A_187 : i32
        %rem3A_189 = arith.constant 8 : i32
        %rem3A_190 = arith.remsi %add3A_188, %rem3A_189 : i32
        %add3A_191 = arith.constant 1 : i32
        %add3A_192 = arith.addi %while3A_119, %add3A_191 : i32
        %div3A_193 = arith.constant 8 : i32
        %div3A_194 = arith.divsi %add3A_192, %div3A_193 : i32
        %rem3A_195 = arith.constant 2 : i32
        %rem3A_196 = arith.remsi %div3A_194, %rem3A_195 : i32
        %add3A_197 = arith.constant 1 : i32
        %add3A_198 = arith.addi %while3A_119, %add3A_197 : i32
        %rem3A_199 = arith.constant 2 : i32
        %rem3A_200 = arith.remsi %add3A_198, %rem3A_199 : i32
        %dma_start3A_201 = arith.constant 0 : i32
        %dma_start3A_202 = arith.constant 0 : i32
        %dma_start3A_203 = tpu.memref_slice %arg8[%rem3A_200, %dma_start3A_201, %dma_start3A_202] : memref<2x64x128xf32, #tpu.memory_space<vmem>> -> memref<1x64x128xf32, #tpu.memory_space<vmem>>
        %dma_start3A_204 = tpu.memref_squeeze %dma_start3A_203 : memref<1x64x128xf32, #tpu.memory_space<vmem>> -> memref<64x128xf32, #tpu.memory_space<vmem>>
        %dma_start3A_205 = arith.constant 0 : i32
        %dma_start3A_206 = arith.constant 0 : i32
        %dma_start3A_207 = tpu.memref_slice %arg6[%rem3A_196, %dma_start3A_205, %dma_start3A_206] : memref<2x8x64xi32, #tpu.memory_space<vmem>> -> memref<1x8x64xi32, #tpu.memory_space<vmem>>
        %dma_start3A_208 = tpu.memref_squeeze %dma_start3A_207 : memref<1x8x64xi32, #tpu.memory_space<vmem>> -> memref<8x64xi32, #tpu.memory_space<vmem>>
        %dma_start3A_209 = arith.constant 0 : i32
        %dma_start3A_210 = tpu.memref_slice %dma_start3A_208[%rem3A_190, %dma_start3A_209] : memref<8x64xi32, #tpu.memory_space<vmem>> -> memref<1x64xi32, #tpu.memory_space<vmem>>
        %dma_start3A_211 = tpu.memref_squeeze %dma_start3A_210 : memref<1x64xi32, #tpu.memory_space<vmem>> -> memref<64xi32, #tpu.memory_space<vmem>>
        %dma_start3A_212 = arith.constant 0 : i32
        %dma_start3A_213 = arith.constant 0 : i32
        %dma_start3A_214 = tpu.memref_slice %arg2[%dma_start3A_212, %dma_start3A_213] : memref<10240x128xf32, #tpu.memory_space<hbm>> -> memref<10240x128xf32, #tpu.memory_space<hbm>>
        tpu.enqueue_indirect_dma source(%dma_start3A_214 : memref<10240x128xf32, #tpu.memory_space<hbm>>) target(%dma_start3A_204 : memref<64x128xf32, #tpu.memory_space<vmem>>) offsets(%dma_start3A_211 : memref<64xi32, #tpu.memory_space<vmem>>) semaphore(%arg10 : memref<!tpu.dma_semaphore, #tpu.memory_space<semaphore_mem>>)
      } else {
      }
      %dma_start3A_173 = arith.constant 0 : i32
      %dma_start3A_174 = arith.constant 0 : i32
      %dma_start3A_175 = tpu.memref_slice %arg8[%rem3A_121, %dma_start3A_173, %dma_start3A_174] : memref<2x64x128xf32, #tpu.memory_space<vmem>> -> memref<1x64x128xf32, #tpu.memory_space<vmem>>
      %dma_start3A_176 = tpu.memref_squeeze %dma_start3A_175 : memref<1x64x128xf32, #tpu.memory_space<vmem>> -> memref<64x128xf32, #tpu.memory_space<vmem>>
      %dma_start3A_177 = arith.constant 0 : i32
      %dma_start3A_178 = arith.constant 0 : i32
      %dma_start3A_179 = tpu.memref_slice %arg7[%rem3A_127, %dma_start3A_177, %dma_start3A_178] : memref<2x8x64xi32, #tpu.memory_space<vmem>> -> memref<1x8x64xi32, #tpu.memory_space<vmem>>
      %dma_start3A_180 = tpu.memref_squeeze %dma_start3A_179 : memref<1x8x64xi32, #tpu.memory_space<vmem>> -> memref<8x64xi32, #tpu.memory_space<vmem>>
      %dma_start3A_181 = arith.constant 0 : i32
      %dma_start3A_182 = tpu.memref_slice %dma_start3A_180[%rem3A_123, %dma_start3A_181] : memref<8x64xi32, #tpu.memory_space<vmem>> -> memref<1x64xi32, #tpu.memory_space<vmem>>
      %dma_start3A_183 = tpu.memref_squeeze %dma_start3A_182 : memref<1x64xi32, #tpu.memory_space<vmem>> -> memref<64xi32, #tpu.memory_space<vmem>>
      %dma_start3A_184 = arith.constant 0 : i32
      %dma_start3A_185 = arith.constant 0 : i32
      %dma_start3A_186 = tpu.memref_slice %arg9[%dma_start3A_184, %dma_start3A_185] : memref<10240x128xf32, #tpu.memory_space<vmem_shared>> -> memref<10240x128xf32, #tpu.memory_space<vmem_shared>>
      tpu.enqueue_indirect_dma source(%dma_start3A_176 : memref<64x128xf32, #tpu.memory_space<vmem>>) target(%dma_start3A_186 : memref<10240x128xf32, #tpu.memory_space<vmem_shared>>) offsets(%dma_start3A_183 : memref<64xi32, #tpu.memory_space<vmem>>) semaphore(%arg12 : memref<!tpu.dma_semaphore, #tpu.memory_space<semaphore_mem>>) {add = true}
    }
    %sub3A = arith.constant 1 : i32
    %sub3A_90 = arith.subi %select_n3A_8, %sub3A : i32
    %rem3A = arith.constant 8 : i32
    %rem3A_91 = arith.remsi %sub3A_90, %rem3A : i32
    %sub3A_92 = arith.constant 1 : i32
    %sub3A_93 = arith.subi %select_n3A_8, %sub3A_92 : i32
    %div3A = arith.constant 8 : i32
    %div3A_94 = arith.divsi %sub3A_93, %div3A : i32
    %rem3A_95 = arith.constant 2 : i32
    %rem3A_96 = arith.remsi %div3A_94, %rem3A_95 : i32
    %sub3A_97 = arith.constant 1 : i32
    %sub3A_98 = arith.subi %select_n3A_8, %sub3A_97 : i32
    %rem3A_99 = arith.constant 2 : i32
    %rem3A_100 = arith.remsi %sub3A_98, %rem3A_99 : i32
    %dma_wait3A = arith.constant 0 : i32
    %dma_wait3A_101 = arith.constant 0 : i32
    %dma_wait3A_102 = tpu.memref_slice %arg8[%rem3A_100, %dma_wait3A, %dma_wait3A_101] : memref<2x64x128xf32, #tpu.memory_space<vmem>> -> memref<1x64x128xf32, #tpu.memory_space<vmem>>
    %dma_wait3A_103 = tpu.memref_squeeze %dma_wait3A_102 : memref<1x64x128xf32, #tpu.memory_space<vmem>> -> memref<64x128xf32, #tpu.memory_space<vmem>>
    %dma_wait3A_104 = arith.constant 0 : i32
    %dma_wait3A_105 = arith.constant 0 : i32
    %dma_wait3A_106 = tpu.memref_slice %arg7[%rem3A_96, %dma_wait3A_104, %dma_wait3A_105] : memref<2x8x64xi32, #tpu.memory_space<vmem>> -> memref<1x8x64xi32, #tpu.memory_space<vmem>>
    %dma_wait3A_107 = tpu.memref_squeeze %dma_wait3A_106 : memref<1x8x64xi32, #tpu.memory_space<vmem>> -> memref<8x64xi32, #tpu.memory_space<vmem>>
    %dma_wait3A_108 = arith.constant 0 : i32
    %dma_wait3A_109 = tpu.memref_slice %dma_wait3A_107[%rem3A_91, %dma_wait3A_108] : memref<8x64xi32, #tpu.memory_space<vmem>> -> memref<1x64xi32, #tpu.memory_space<vmem>>
    %dma_wait3A_110 = tpu.memref_squeeze %dma_wait3A_109 : memref<1x64xi32, #tpu.memory_space<vmem>> -> memref<64xi32, #tpu.memory_space<vmem>>
    %dma_wait3A_111 = arith.constant 0 : i32
    %dma_wait3A_112 = arith.constant 0 : i32
    %dma_wait3A_113 = tpu.memref_slice %arg9[%dma_wait3A_111, %dma_wait3A_112] : memref<10240x128xf32, #tpu.memory_space<vmem_shared>> -> memref<10240x128xf32, #tpu.memory_space<vmem_shared>>
    tpu.wait_indirect_dma semaphore(%arg12 : memref<!tpu.dma_semaphore, #tpu.memory_space<semaphore_mem>>) src(%dma_wait3A_103 : memref<64x128xf32, #tpu.memory_space<vmem>>) dst(%dma_wait3A_113 : memref<10240x128xf32, #tpu.memory_space<vmem_shared>>)
    %barrier3A_114 = arith.constant 0 : index
    tpu.barrier barrier_id(%barrier3A_114)
    %mul3A_115 = arith.constant 640 : i32
    %mul3A_116 = arith.muli %arg1, %mul3A_115 : i32
    %mul3A_117 = arith.constant 640 : i32
    %mul3A_118 = arith.muli %arg1, %mul3A_117 : i32
    "tpu.region"() ({
      %run_scoped3A_119 = tpu.sem_alloc : memref<!tpu.dma_semaphore, #tpu.memory_space<semaphore_mem>>
      %dma_start3A_120 = arith.constant 0 : i32
      %dma_start3A_121 = arith.constant 0 : i32
      %dma_start3A_122 = tpu.memref_slice %arg5[%arg0, %dma_start3A_120, %dma_start3A_121] : memref<2x10240x128xf32, #tpu.memory_space<hbm>> -> memref<1x10240x128xf32, #tpu.memory_space<hbm>>
      %dma_start3A_123 = tpu.memref_squeeze %dma_start3A_122 : memref<1x10240x128xf32, #tpu.memory_space<hbm>> -> memref<10240x128xf32, #tpu.memory_space<hbm>>
      %dma_start3A_124 = arith.constant 0 : i32
      %dma_start3A_125 = tpu.memref_slice %dma_start3A_123[%mul3A_118, %dma_start3A_124] : memref<10240x128xf32, #tpu.memory_space<hbm>> -> memref<640x128xf32, #tpu.memory_space<hbm>>
      %dma_start3A_126 = arith.constant 0 : i32
      %dma_start3A_127 = tpu.memref_slice %arg9[%mul3A_116, %dma_start3A_126] : memref<10240x128xf32, #tpu.memory_space<vmem_shared>> -> memref<640x128xf32, #tpu.memory_space<vmem_shared>>
      tpu.enqueue_dma source(%dma_start3A_127 : memref<640x128xf32, #tpu.memory_space<vmem_shared>>) target(%dma_start3A_125 : memref<640x128xf32, #tpu.memory_space<hbm>>) target_semaphore(%run_scoped3A_119 : memref<!tpu.dma_semaphore, #tpu.memory_space<semaphore_mem>>)
      %dma_wait3A_128 = arith.constant 0 : i32
      %dma_wait3A_129 = arith.constant 0 : i32
      %dma_wait3A_130 = tpu.memref_slice %arg5[%arg0, %dma_wait3A_128, %dma_wait3A_129] : memref<2x10240x128xf32, #tpu.memory_space<hbm>> -> memref<1x10240x128xf32, #tpu.memory_space<hbm>>
      %dma_wait3A_131 = tpu.memref_squeeze %dma_wait3A_130 : memref<1x10240x128xf32, #tpu.memory_space<hbm>> -> memref<10240x128xf32, #tpu.memory_space<hbm>>
      %dma_wait3A_132 = arith.constant 0 : i32
      %dma_wait3A_133 = tpu.memref_slice %dma_wait3A_131[%mul3A_118, %dma_wait3A_132] : memref<10240x128xf32, #tpu.memory_space<hbm>> -> memref<640x128xf32, #tpu.memory_space<hbm>>
      %dma_wait3A_134 = arith.constant 0 : i32
      %dma_wait3A_135 = tpu.memref_slice %arg9[%mul3A_116, %dma_wait3A_134] : memref<10240x128xf32, #tpu.memory_space<vmem_shared>> -> memref<640x128xf32, #tpu.memory_space<vmem_shared>>
      tpu.wait_dma2 semaphore(%run_scoped3A_119 : memref<!tpu.dma_semaphore, #tpu.memory_space<semaphore_mem>>) src(%dma_wait3A_135 : memref<640x128xf32, #tpu.memory_space<vmem_shared>>) dst(%dma_wait3A_133 : memref<640x128xf32, #tpu.memory_space<hbm>>)
      tpu.yield
    }) : () -> ()
    return
  }
}

#map = affine_map<(d0, d1) -> (0, 0)>
#map1 = affine_map<(d0, d1) -> (0, 0, 0)>
module attributes {stable_mosaic.version = 14 : i64} {
  func.func @deg_kernel(%arg0: i32, %arg1: i32, %arg2: memref<2560x128xi32, #tpu.memory_space<hbm>>, %arg3: memref<640x16xf32, #tpu.memory_space<hbm>>, %arg4: memref<128x16xf32, #tpu.memory_space<hbm>>, %arg5: memref<2x10240x16xf32, #tpu.memory_space<hbm>>, %arg6: memref<80x128xi32, #tpu.memory_space<vmem>>, %arg7: memref<128x16xf32, #tpu.memory_space<vmem>>, %arg8: memref<10240x16xf32, #tpu.memory_space<vmem_shared>>) attributes {dimension_semantics = [#tpu.dimension_semantics<core_parallel>, #tpu.dimension_semantics<subcore_parallel>], iteration_bounds = array<i64: 2, 16>, scalar_prefetch = 0 : i64, scratch_operands = 3 : i64, tpu.core_type = #tpu.core_type<sc_vector_subcore>, window_params = [{transform_indices = #map}, {transform_indices = #map}, {transform_indices = #map}, {transform_indices = #map1}]} {
    %mul3A = arith.constant 16 : i32
    %mul3A_0 = arith.muli %arg0, %mul3A : i32
    %add3A = arith.addi %mul3A_0, %arg1 : i32
    "tpu.region"() ({
      %run_scoped3A = tpu.sem_alloc : memref<!tpu.dma_semaphore, #tpu.memory_space<semaphore_mem>>
      tpu.enqueue_dma source(%arg4 : memref<128x16xf32, #tpu.memory_space<hbm>>) target(%arg7 : memref<128x16xf32, #tpu.memory_space<vmem>>) target_semaphore(%run_scoped3A : memref<!tpu.dma_semaphore, #tpu.memory_space<semaphore_mem>>)
      tpu.wait_dma2 semaphore(%run_scoped3A : memref<!tpu.dma_semaphore, #tpu.memory_space<semaphore_mem>>) src(%arg4 : memref<128x16xf32, #tpu.memory_space<hbm>>) dst(%arg7 : memref<128x16xf32, #tpu.memory_space<vmem>>)
      tpu.yield
    }) : () -> ()
    %mul3A_1 = arith.constant 80 : i32
    %mul3A_2 = arith.muli %add3A, %mul3A_1 : i32
    "tpu.region"() ({
      %run_scoped3A = tpu.sem_alloc : memref<!tpu.dma_semaphore, #tpu.memory_space<semaphore_mem>>
      %dma_start3A = arith.constant 0 : i32
      %dma_start3A_15 = tpu.memref_slice %arg2[%mul3A_2, %dma_start3A] : memref<2560x128xi32, #tpu.memory_space<hbm>> -> memref<80x128xi32, #tpu.memory_space<hbm>>
      %dma_start3A_16 = arith.constant 0 : i32
      %dma_start3A_17 = tpu.memref_slice %arg2[%mul3A_2, %dma_start3A_16] : memref<2560x128xi32, #tpu.memory_space<hbm>> -> memref<80x128xi32, #tpu.memory_space<hbm>>
      tpu.enqueue_dma source(%dma_start3A_17 : memref<80x128xi32, #tpu.memory_space<hbm>>) target(%arg6 : memref<80x128xi32, #tpu.memory_space<vmem>>) target_semaphore(%run_scoped3A : memref<!tpu.dma_semaphore, #tpu.memory_space<semaphore_mem>>)
      %dma_wait3A = arith.constant 0 : i32
      %dma_wait3A_18 = tpu.memref_slice %arg2[%mul3A_2, %dma_wait3A] : memref<2560x128xi32, #tpu.memory_space<hbm>> -> memref<80x128xi32, #tpu.memory_space<hbm>>
      %dma_wait3A_19 = arith.constant 0 : i32
      %dma_wait3A_20 = tpu.memref_slice %arg2[%mul3A_2, %dma_wait3A_19] : memref<2560x128xi32, #tpu.memory_space<hbm>> -> memref<80x128xi32, #tpu.memory_space<hbm>>
      tpu.wait_dma2 semaphore(%run_scoped3A : memref<!tpu.dma_semaphore, #tpu.memory_space<semaphore_mem>>) src(%dma_wait3A_20 : memref<80x128xi32, #tpu.memory_space<hbm>>) dst(%arg6 : memref<80x128xi32, #tpu.memory_space<vmem>>)
      tpu.yield
    }) : () -> ()
    %mul3A_3 = arith.constant 640 : i32
    %mul3A_4 = arith.muli %arg1, %mul3A_3 : i32
    "tpu.region"() ({
      %run_scoped3A = tpu.sem_alloc : memref<!tpu.dma_semaphore, #tpu.memory_space<semaphore_mem>>
      %dma_start3A = arith.constant 0 : i32
      %dma_start3A_15 = tpu.memref_slice %arg8[%mul3A_4, %dma_start3A] : memref<10240x16xf32, #tpu.memory_space<vmem_shared>> -> memref<640x16xf32, #tpu.memory_space<vmem_shared>>
      tpu.enqueue_dma source(%arg3 : memref<640x16xf32, #tpu.memory_space<hbm>>) target(%dma_start3A_15 : memref<640x16xf32, #tpu.memory_space<vmem_shared>>) target_semaphore(%run_scoped3A : memref<!tpu.dma_semaphore, #tpu.memory_space<semaphore_mem>>)
      %dma_wait3A = arith.constant 0 : i32
      %dma_wait3A_16 = tpu.memref_slice %arg8[%mul3A_4, %dma_wait3A] : memref<10240x16xf32, #tpu.memory_space<vmem_shared>> -> memref<640x16xf32, #tpu.memory_space<vmem_shared>>
      tpu.wait_dma2 semaphore(%run_scoped3A : memref<!tpu.dma_semaphore, #tpu.memory_space<semaphore_mem>>) src(%arg3 : memref<640x16xf32, #tpu.memory_space<hbm>>) dst(%dma_wait3A_16 : memref<640x16xf32, #tpu.memory_space<vmem_shared>>)
      tpu.yield
    }) : () -> ()
    %barrier3A = arith.constant 0 : index
    tpu.barrier barrier_id(%barrier3A)
    %scan3A = arith.constant 0 : i32
    %scan3A_5 = arith.constant 0 : i32
    %scan3A_6 = arith.constant 80 : i32
    %scan3A_7 = arith.addi %scan3A_5, %scan3A_6 : i32
    %scan3A_8 = arith.constant 1 : i32
    scf.for %scan3A_15 = %scan3A_5 to %scan3A_7 step %scan3A_8  : i32 {
      "tpu.region"() ({
        %run_scoped3A = tpu.sem_alloc : memref<!tpu.dma_semaphore, #tpu.memory_space<semaphore_mem>>
        %dma_start3A = arith.constant 0 : i32
        %dma_start3A_16 = tpu.memref_slice %arg6[%scan3A_15, %dma_start3A] : memref<80x128xi32, #tpu.memory_space<vmem>> -> memref<1x128xi32, #tpu.memory_space<vmem>>
        %dma_start3A_17 = tpu.memref_squeeze %dma_start3A_16 : memref<1x128xi32, #tpu.memory_space<vmem>> -> memref<128xi32, #tpu.memory_space<vmem>>
        %dma_start3A_18 = arith.constant 0 : i32
        %dma_start3A_19 = arith.constant 0 : i32
        %dma_start3A_20 = tpu.memref_slice %arg8[%dma_start3A_18, %dma_start3A_19] : memref<10240x16xf32, #tpu.memory_space<vmem_shared>> -> memref<10240x16xf32, #tpu.memory_space<vmem_shared>>
        tpu.enqueue_indirect_dma source(%arg7 : memref<128x16xf32, #tpu.memory_space<vmem>>) target(%dma_start3A_20 : memref<10240x16xf32, #tpu.memory_space<vmem_shared>>) offsets(%dma_start3A_17 : memref<128xi32, #tpu.memory_space<vmem>>) semaphore(%run_scoped3A : memref<!tpu.dma_semaphore, #tpu.memory_space<semaphore_mem>>) {add = true}
        %dma_wait3A = arith.constant 0 : i32
        %dma_wait3A_21 = tpu.memref_slice %arg6[%scan3A_15, %dma_wait3A] : memref<80x128xi32, #tpu.memory_space<vmem>> -> memref<1x128xi32, #tpu.memory_space<vmem>>
        %dma_wait3A_22 = tpu.memref_squeeze %dma_wait3A_21 : memref<1x128xi32, #tpu.memory_space<vmem>> -> memref<128xi32, #tpu.memory_space<vmem>>
        %dma_wait3A_23 = arith.constant 0 : i32
        %dma_wait3A_24 = arith.constant 0 : i32
        %dma_wait3A_25 = tpu.memref_slice %arg8[%dma_wait3A_23, %dma_wait3A_24] : memref<10240x16xf32, #tpu.memory_space<vmem_shared>> -> memref<10240x16xf32, #tpu.memory_space<vmem_shared>>
        tpu.wait_indirect_dma semaphore(%run_scoped3A : memref<!tpu.dma_semaphore, #tpu.memory_space<semaphore_mem>>) src(%arg7 : memref<128x16xf32, #tpu.memory_space<vmem>>) dst(%dma_wait3A_25 : memref<10240x16xf32, #tpu.memory_space<vmem_shared>>)
        tpu.yield
      }) : () -> ()
    }
    %scan3A_9 = arith.constant 80 : i32
    %barrier3A_10 = arith.constant 0 : index
    tpu.barrier barrier_id(%barrier3A_10)
    %mul3A_11 = arith.constant 640 : i32
    %mul3A_12 = arith.muli %arg1, %mul3A_11 : i32
    %mul3A_13 = arith.constant 640 : i32
    %mul3A_14 = arith.muli %arg1, %mul3A_13 : i32
    "tpu.region"() ({
      %run_scoped3A = tpu.sem_alloc : memref<!tpu.dma_semaphore, #tpu.memory_space<semaphore_mem>>
      %dma_start3A = arith.constant 0 : i32
      %dma_start3A_15 = arith.constant 0 : i32
      %dma_start3A_16 = tpu.memref_slice %arg5[%arg0, %dma_start3A, %dma_start3A_15] : memref<2x10240x16xf32, #tpu.memory_space<hbm>> -> memref<1x10240x16xf32, #tpu.memory_space<hbm>>
      %dma_start3A_17 = tpu.memref_squeeze %dma_start3A_16 : memref<1x10240x16xf32, #tpu.memory_space<hbm>> -> memref<10240x16xf32, #tpu.memory_space<hbm>>
      %dma_start3A_18 = arith.constant 0 : i32
      %dma_start3A_19 = tpu.memref_slice %dma_start3A_17[%mul3A_14, %dma_start3A_18] : memref<10240x16xf32, #tpu.memory_space<hbm>> -> memref<640x16xf32, #tpu.memory_space<hbm>>
      %dma_start3A_20 = arith.constant 0 : i32
      %dma_start3A_21 = tpu.memref_slice %arg8[%mul3A_12, %dma_start3A_20] : memref<10240x16xf32, #tpu.memory_space<vmem_shared>> -> memref<640x16xf32, #tpu.memory_space<vmem_shared>>
      tpu.enqueue_dma source(%dma_start3A_21 : memref<640x16xf32, #tpu.memory_space<vmem_shared>>) target(%dma_start3A_19 : memref<640x16xf32, #tpu.memory_space<hbm>>) target_semaphore(%run_scoped3A : memref<!tpu.dma_semaphore, #tpu.memory_space<semaphore_mem>>)
      %dma_wait3A = arith.constant 0 : i32
      %dma_wait3A_22 = arith.constant 0 : i32
      %dma_wait3A_23 = tpu.memref_slice %arg5[%arg0, %dma_wait3A, %dma_wait3A_22] : memref<2x10240x16xf32, #tpu.memory_space<hbm>> -> memref<1x10240x16xf32, #tpu.memory_space<hbm>>
      %dma_wait3A_24 = tpu.memref_squeeze %dma_wait3A_23 : memref<1x10240x16xf32, #tpu.memory_space<hbm>> -> memref<10240x16xf32, #tpu.memory_space<hbm>>
      %dma_wait3A_25 = arith.constant 0 : i32
      %dma_wait3A_26 = tpu.memref_slice %dma_wait3A_24[%mul3A_14, %dma_wait3A_25] : memref<10240x16xf32, #tpu.memory_space<hbm>> -> memref<640x16xf32, #tpu.memory_space<hbm>>
      %dma_wait3A_27 = arith.constant 0 : i32
      %dma_wait3A_28 = tpu.memref_slice %arg8[%mul3A_12, %dma_wait3A_27] : memref<10240x16xf32, #tpu.memory_space<vmem_shared>> -> memref<640x16xf32, #tpu.memory_space<vmem_shared>>
      tpu.wait_dma2 semaphore(%run_scoped3A : memref<!tpu.dma_semaphore, #tpu.memory_space<semaphore_mem>>) src(%dma_wait3A_28 : memref<640x16xf32, #tpu.memory_space<vmem_shared>>) dst(%dma_wait3A_26 : memref<640x16xf32, #tpu.memory_space<hbm>>)
      tpu.yield
    }) : () -> ()
    return
  }
}

#map = affine_map<(d0, d1) -> (0, 0)>
#map1 = affine_map<(d0, d1) -> (0, 0, 0)>
module attributes {stable_mosaic.version = 14 : i64} {
  func.func @agg_kernel(%arg0: i32, %arg1: i32, %arg2: memref<10240x48xf32, #tpu.memory_space<hbm>>, %arg3: memref<2560x128xi32, #tpu.memory_space<hbm>>, %arg4: memref<2560x128xi32, #tpu.memory_space<hbm>>, %arg5: memref<2x10240x48xf32, #tpu.memory_space<hbm>>, %arg6: memref<2x8x128xi32, #tpu.memory_space<vmem>>, %arg7: memref<2x8x128xi32, #tpu.memory_space<vmem>>, %arg8: memref<2x128x48xf32, #tpu.memory_space<vmem>>, %arg9: memref<10240x48xf32, #tpu.memory_space<vmem_shared>>, %arg10: memref<!tpu.dma_semaphore, #tpu.memory_space<semaphore_mem>>, %arg11: memref<!tpu.dma_semaphore, #tpu.memory_space<semaphore_mem>>, %arg12: memref<!tpu.dma_semaphore, #tpu.memory_space<semaphore_mem>>) attributes {dimension_semantics = [#tpu.dimension_semantics<core_parallel>, #tpu.dimension_semantics<subcore_parallel>], iteration_bounds = array<i64: 2, 16>, scalar_prefetch = 0 : i64, scratch_operands = 7 : i64, tpu.core_type = #tpu.core_type<sc_vector_subcore>, window_params = [{transform_indices = #map}, {transform_indices = #map}, {transform_indices = #map}, {transform_indices = #map1}]} {
    %eq3A = arith.constant 0 : i32
    %eq3A_0 = arith.cmpi eq, %arg0, %eq3A : i32
    %mul3A = arith.constant 128 : i32
    %mul3A_1 = arith.muli %arg1, %mul3A : i32
    %mul3A_2 = arith.constant 32 : i32
    %mul3A_3 = arith.muli %arg1, %mul3A_2 : i32
    %add3A = arith.constant 2048 : i32
    %add3A_4 = arith.addi %add3A, %mul3A_3 : i32
    %select_n3A = arith.select %eq3A_0, %mul3A_1, %add3A_4 : i32
    %eq3A_5 = arith.constant 0 : i32
    %eq3A_6 = arith.cmpi eq, %arg0, %eq3A_5 : i32
    %jit3A = arith.constant 128 : i32
    %jit3A_7 = arith.constant 32 : i32
    %select_n3A_8 = arith.select %eq3A_6, %jit3A, %jit3A_7 : i32
    %scan3A = arith.constant 0 : i32
    %scan3A_9 = arith.constant 0 : i32
    %scan3A_10 = arith.constant 128 : i32
    %scan3A_11 = arith.addi %scan3A_9, %scan3A_10 : i32
    %scan3A_12 = arith.constant 1 : i32
    scf.for %scan3A_94 = %scan3A_9 to %scan3A_11 step %scan3A_12  : i32 {
      %broadcast_in_dim3A = arith.constant 0.000000e+00 : f32
      %broadcast_in_dim3A_95 = vector.broadcast %broadcast_in_dim3A : f32 to vector<16xf32>
      %swap3A = arith.constant 0 : i32
      %swap3A_96 = arith.index_cast %swap3A : i32 to index
      %swap3A_97 = arith.index_cast %scan3A_94 : i32 to index
      %swap3A_98 = arith.constant 0 : index
      %swap3A_99 = tpu.vector_load %arg8[%swap3A_96, %swap3A_97, %swap3A_98] {strides = array<i32>} : memref<2x128x48xf32, #tpu.memory_space<vmem>>, vector<1x1x16xf32>,
      %swap3A_100 = vector.shape_cast %swap3A_99 : vector<1x1x16xf32> to vector<16xf32>
      %swap3A_101 = vector.shape_cast %broadcast_in_dim3A_95 : vector<16xf32> to vector<1x1x16xf32>
      tpu.vector_store %arg8[%swap3A_96, %swap3A_97, %swap3A_98], %swap3A_101 {strides = array<i32>} : memref<2x128x48xf32, #tpu.memory_space<vmem>>, vector<1x1x16xf32>,
      %broadcast_in_dim3A_102 = arith.constant 0.000000e+00 : f32
      %broadcast_in_dim3A_103 = vector.broadcast %broadcast_in_dim3A_102 : f32 to vector<16xf32>
      %swap3A_104 = arith.constant 0 : i32
      %swap3A_105 = arith.index_cast %swap3A_104 : i32 to index
      %swap3A_106 = arith.index_cast %scan3A_94 : i32 to index
      %swap3A_107 = arith.constant 16 : index
      %swap3A_108 = tpu.vector_load %arg8[%swap3A_105, %swap3A_106, %swap3A_107] {strides = array<i32>} : memref<2x128x48xf32, #tpu.memory_space<vmem>>, vector<1x1x16xf32>,
      %swap3A_109 = vector.shape_cast %swap3A_108 : vector<1x1x16xf32> to vector<16xf32>
      %swap3A_110 = vector.shape_cast %broadcast_in_dim3A_103 : vector<16xf32> to vector<1x1x16xf32>
      tpu.vector_store %arg8[%swap3A_105, %swap3A_106, %swap3A_107], %swap3A_110 {strides = array<i32>} : memref<2x128x48xf32, #tpu.memory_space<vmem>>, vector<1x1x16xf32>,
      %broadcast_in_dim3A_111 = arith.constant 0.000000e+00 : f32
      %broadcast_in_dim3A_112 = vector.broadcast %broadcast_in_dim3A_111 : f32 to vector<16xf32>
      %swap3A_113 = arith.constant 0 : i32
      %swap3A_114 = arith.index_cast %swap3A_113 : i32 to index
      %swap3A_115 = arith.index_cast %scan3A_94 : i32 to index
      %swap3A_116 = arith.constant 32 : index
      %swap3A_117 = tpu.vector_load %arg8[%swap3A_114, %swap3A_115, %swap3A_116] {strides = array<i32>} : memref<2x128x48xf32, #tpu.memory_space<vmem>>, vector<1x1x16xf32>,
      %swap3A_118 = vector.shape_cast %swap3A_117 : vector<1x1x16xf32> to vector<16xf32>
      %swap3A_119 = vector.shape_cast %broadcast_in_dim3A_112 : vector<16xf32> to vector<1x1x16xf32>
      tpu.vector_store %arg8[%swap3A_114, %swap3A_115, %swap3A_116], %swap3A_119 {strides = array<i32>} : memref<2x128x48xf32, #tpu.memory_space<vmem>>, vector<1x1x16xf32>,
    }
    %scan3A_13 = arith.constant 128 : i32
    %mul3A_14 = arith.constant 640 : i32
    %mul3A_15 = arith.muli %arg1, %mul3A_14 : i32
    %add3A_16 = arith.constant 0 : i32
    %add3A_17 = arith.addi %mul3A_15, %add3A_16 : i32
    %run_scoped3A = arith.constant 0 : i32
    "tpu.region"() ({
      %run_scoped3A_94 = tpu.sem_alloc : memref<!tpu.dma_semaphore, #tpu.memory_space<semaphore_mem>>
      %dma_start3A_95 = arith.constant 0 : i32
      %dma_start3A_96 = arith.constant 0 : i32
      %dma_start3A_97 = tpu.memref_slice %arg8[%run_scoped3A, %dma_start3A_95, %dma_start3A_96] : memref<2x128x48xf32, #tpu.memory_space<vmem>> -> memref<1x128x48xf32, #tpu.memory_space<vmem>>
      %dma_start3A_98 = tpu.memref_squeeze %dma_start3A_97 : memref<1x128x48xf32, #tpu.memory_space<vmem>> -> memref<128x48xf32, #tpu.memory_space<vmem>>
      %dma_start3A_99 = arith.constant 0 : i32
      %dma_start3A_100 = tpu.memref_slice %arg9[%add3A_17, %dma_start3A_99] : memref<10240x48xf32, #tpu.memory_space<vmem_shared>> -> memref<128x48xf32, #tpu.memory_space<vmem_shared>>
      %dma_start3A_101 = arith.constant 0 : i32
      %dma_start3A_102 = tpu.memref_slice %arg9[%add3A_17, %dma_start3A_101] : memref<10240x48xf32, #tpu.memory_space<vmem_shared>> -> memref<128x48xf32, #tpu.memory_space<vmem_shared>>
      %dma_start3A_103 = arith.constant 0 : i32
      %dma_start3A_104 = arith.constant 0 : i32
      %dma_start3A_105 = tpu.memref_slice %arg8[%run_scoped3A, %dma_start3A_103, %dma_start3A_104] : memref<2x128x48xf32, #tpu.memory_space<vmem>> -> memref<1x128x48xf32, #tpu.memory_space<vmem>>
      %dma_start3A_106 = tpu.memref_squeeze %dma_start3A_105 : memref<1x128x48xf32, #tpu.memory_space<vmem>> -> memref<128x48xf32, #tpu.memory_space<vmem>>
      tpu.enqueue_dma source(%dma_start3A_106 : memref<128x48xf32, #tpu.memory_space<vmem>>) target(%dma_start3A_102 : memref<128x48xf32, #tpu.memory_space<vmem_shared>>) target_semaphore(%run_scoped3A_94 : memref<!tpu.dma_semaphore, #tpu.memory_space<semaphore_mem>>)
      %dma_wait3A_107 = arith.constant 0 : i32
      %dma_wait3A_108 = arith.constant 0 : i32
      %dma_wait3A_109 = tpu.memref_slice %arg8[%run_scoped3A, %dma_wait3A_107, %dma_wait3A_108] : memref<2x128x48xf32, #tpu.memory_space<vmem>> -> memref<1x128x48xf32, #tpu.memory_space<vmem>>
      %dma_wait3A_110 = tpu.memref_squeeze %dma_wait3A_109 : memref<1x128x48xf32, #tpu.memory_space<vmem>> -> memref<128x48xf32, #tpu.memory_space<vmem>>
      %dma_wait3A_111 = arith.constant 0 : i32
      %dma_wait3A_112 = tpu.memref_slice %arg9[%add3A_17, %dma_wait3A_111] : memref<10240x48xf32, #tpu.memory_space<vmem_shared>> -> memref<128x48xf32, #tpu.memory_space<vmem_shared>>
      %dma_wait3A_113 = arith.constant 0 : i32
      %dma_wait3A_114 = tpu.memref_slice %arg9[%add3A_17, %dma_wait3A_113] : memref<10240x48xf32, #tpu.memory_space<vmem_shared>> -> memref<128x48xf32, #tpu.memory_space<vmem_shared>>
      %dma_wait3A_115 = arith.constant 0 : i32
      %dma_wait3A_116 = arith.constant 0 : i32
      %dma_wait3A_117 = tpu.memref_slice %arg8[%run_scoped3A, %dma_wait3A_115, %dma_wait3A_116] : memref<2x128x48xf32, #tpu.memory_space<vmem>> -> memref<1x128x48xf32, #tpu.memory_space<vmem>>
      %dma_wait3A_118 = tpu.memref_squeeze %dma_wait3A_117 : memref<1x128x48xf32, #tpu.memory_space<vmem>> -> memref<128x48xf32, #tpu.memory_space<vmem>>
      tpu.wait_dma2 semaphore(%run_scoped3A_94 : memref<!tpu.dma_semaphore, #tpu.memory_space<semaphore_mem>>) src(%dma_wait3A_118 : memref<128x48xf32, #tpu.memory_space<vmem>>) dst(%dma_wait3A_114 : memref<128x48xf32, #tpu.memory_space<vmem_shared>>)
      tpu.yield
    }) : () -> ()
    %mul3A_18 = arith.constant 640 : i32
    %mul3A_19 = arith.muli %arg1, %mul3A_18 : i32
    %add3A_20 = arith.constant 128 : i32
    %add3A_21 = arith.addi %mul3A_19, %add3A_20 : i32
    %run_scoped3A_22 = arith.constant 0 : i32
    "tpu.region"() ({
      %run_scoped3A_94 = tpu.sem_alloc : memref<!tpu.dma_semaphore, #tpu.memory_space<semaphore_mem>>
      %dma_start3A_95 = arith.constant 0 : i32
      %dma_start3A_96 = arith.constant 0 : i32
      %dma_start3A_97 = tpu.memref_slice %arg8[%run_scoped3A_22, %dma_start3A_95, %dma_start3A_96] : memref<2x128x48xf32, #tpu.memory_space<vmem>> -> memref<1x128x48xf32, #tpu.memory_space<vmem>>
      %dma_start3A_98 = tpu.memref_squeeze %dma_start3A_97 : memref<1x128x48xf32, #tpu.memory_space<vmem>> -> memref<128x48xf32, #tpu.memory_space<vmem>>
      %dma_start3A_99 = arith.constant 0 : i32
      %dma_start3A_100 = tpu.memref_slice %arg9[%add3A_21, %dma_start3A_99] : memref<10240x48xf32, #tpu.memory_space<vmem_shared>> -> memref<128x48xf32, #tpu.memory_space<vmem_shared>>
      %dma_start3A_101 = arith.constant 0 : i32
      %dma_start3A_102 = tpu.memref_slice %arg9[%add3A_21, %dma_start3A_101] : memref<10240x48xf32, #tpu.memory_space<vmem_shared>> -> memref<128x48xf32, #tpu.memory_space<vmem_shared>>
      %dma_start3A_103 = arith.constant 0 : i32
      %dma_start3A_104 = arith.constant 0 : i32
      %dma_start3A_105 = tpu.memref_slice %arg8[%run_scoped3A_22, %dma_start3A_103, %dma_start3A_104] : memref<2x128x48xf32, #tpu.memory_space<vmem>> -> memref<1x128x48xf32, #tpu.memory_space<vmem>>
      %dma_start3A_106 = tpu.memref_squeeze %dma_start3A_105 : memref<1x128x48xf32, #tpu.memory_space<vmem>> -> memref<128x48xf32, #tpu.memory_space<vmem>>
      tpu.enqueue_dma source(%dma_start3A_106 : memref<128x48xf32, #tpu.memory_space<vmem>>) target(%dma_start3A_102 : memref<128x48xf32, #tpu.memory_space<vmem_shared>>) target_semaphore(%run_scoped3A_94 : memref<!tpu.dma_semaphore, #tpu.memory_space<semaphore_mem>>)
      %dma_wait3A_107 = arith.constant 0 : i32
      %dma_wait3A_108 = arith.constant 0 : i32
      %dma_wait3A_109 = tpu.memref_slice %arg8[%run_scoped3A_22, %dma_wait3A_107, %dma_wait3A_108] : memref<2x128x48xf32, #tpu.memory_space<vmem>> -> memref<1x128x48xf32, #tpu.memory_space<vmem>>
      %dma_wait3A_110 = tpu.memref_squeeze %dma_wait3A_109 : memref<1x128x48xf32, #tpu.memory_space<vmem>> -> memref<128x48xf32, #tpu.memory_space<vmem>>
      %dma_wait3A_111 = arith.constant 0 : i32
      %dma_wait3A_112 = tpu.memref_slice %arg9[%add3A_21, %dma_wait3A_111] : memref<10240x48xf32, #tpu.memory_space<vmem_shared>> -> memref<128x48xf32, #tpu.memory_space<vmem_shared>>
      %dma_wait3A_113 = arith.constant 0 : i32
      %dma_wait3A_114 = tpu.memref_slice %arg9[%add3A_21, %dma_wait3A_113] : memref<10240x48xf32, #tpu.memory_space<vmem_shared>> -> memref<128x48xf32, #tpu.memory_space<vmem_shared>>
      %dma_wait3A_115 = arith.constant 0 : i32
      %dma_wait3A_116 = arith.constant 0 : i32
      %dma_wait3A_117 = tpu.memref_slice %arg8[%run_scoped3A_22, %dma_wait3A_115, %dma_wait3A_116] : memref<2x128x48xf32, #tpu.memory_space<vmem>> -> memref<1x128x48xf32, #tpu.memory_space<vmem>>
      %dma_wait3A_118 = tpu.memref_squeeze %dma_wait3A_117 : memref<1x128x48xf32, #tpu.memory_space<vmem>> -> memref<128x48xf32, #tpu.memory_space<vmem>>
      tpu.wait_dma2 semaphore(%run_scoped3A_94 : memref<!tpu.dma_semaphore, #tpu.memory_space<semaphore_mem>>) src(%dma_wait3A_118 : memref<128x48xf32, #tpu.memory_space<vmem>>) dst(%dma_wait3A_114 : memref<128x48xf32, #tpu.memory_space<vmem_shared>>)
      tpu.yield
    }) : () -> ()
    %mul3A_23 = arith.constant 640 : i32
    %mul3A_24 = arith.muli %arg1, %mul3A_23 : i32
    %add3A_25 = arith.constant 256 : i32
    %add3A_26 = arith.addi %mul3A_24, %add3A_25 : i32
    %run_scoped3A_27 = arith.constant 0 : i32
    "tpu.region"() ({
      %run_scoped3A_94 = tpu.sem_alloc : memref<!tpu.dma_semaphore, #tpu.memory_space<semaphore_mem>>
      %dma_start3A_95 = arith.constant 0 : i32
      %dma_start3A_96 = arith.constant 0 : i32
      %dma_start3A_97 = tpu.memref_slice %arg8[%run_scoped3A_27, %dma_start3A_95, %dma_start3A_96] : memref<2x128x48xf32, #tpu.memory_space<vmem>> -> memref<1x128x48xf32, #tpu.memory_space<vmem>>
      %dma_start3A_98 = tpu.memref_squeeze %dma_start3A_97 : memref<1x128x48xf32, #tpu.memory_space<vmem>> -> memref<128x48xf32, #tpu.memory_space<vmem>>
      %dma_start3A_99 = arith.constant 0 : i32
      %dma_start3A_100 = tpu.memref_slice %arg9[%add3A_26, %dma_start3A_99] : memref<10240x48xf32, #tpu.memory_space<vmem_shared>> -> memref<128x48xf32, #tpu.memory_space<vmem_shared>>
      %dma_start3A_101 = arith.constant 0 : i32
      %dma_start3A_102 = tpu.memref_slice %arg9[%add3A_26, %dma_start3A_101] : memref<10240x48xf32, #tpu.memory_space<vmem_shared>> -> memref<128x48xf32, #tpu.memory_space<vmem_shared>>
      %dma_start3A_103 = arith.constant 0 : i32
      %dma_start3A_104 = arith.constant 0 : i32
      %dma_start3A_105 = tpu.memref_slice %arg8[%run_scoped3A_27, %dma_start3A_103, %dma_start3A_104] : memref<2x128x48xf32, #tpu.memory_space<vmem>> -> memref<1x128x48xf32, #tpu.memory_space<vmem>>
      %dma_start3A_106 = tpu.memref_squeeze %dma_start3A_105 : memref<1x128x48xf32, #tpu.memory_space<vmem>> -> memref<128x48xf32, #tpu.memory_space<vmem>>
      tpu.enqueue_dma source(%dma_start3A_106 : memref<128x48xf32, #tpu.memory_space<vmem>>) target(%dma_start3A_102 : memref<128x48xf32, #tpu.memory_space<vmem_shared>>) target_semaphore(%run_scoped3A_94 : memref<!tpu.dma_semaphore, #tpu.memory_space<semaphore_mem>>)
      %dma_wait3A_107 = arith.constant 0 : i32
      %dma_wait3A_108 = arith.constant 0 : i32
      %dma_wait3A_109 = tpu.memref_slice %arg8[%run_scoped3A_27, %dma_wait3A_107, %dma_wait3A_108] : memref<2x128x48xf32, #tpu.memory_space<vmem>> -> memref<1x128x48xf32, #tpu.memory_space<vmem>>
      %dma_wait3A_110 = tpu.memref_squeeze %dma_wait3A_109 : memref<1x128x48xf32, #tpu.memory_space<vmem>> -> memref<128x48xf32, #tpu.memory_space<vmem>>
      %dma_wait3A_111 = arith.constant 0 : i32
      %dma_wait3A_112 = tpu.memref_slice %arg9[%add3A_26, %dma_wait3A_111] : memref<10240x48xf32, #tpu.memory_space<vmem_shared>> -> memref<128x48xf32, #tpu.memory_space<vmem_shared>>
      %dma_wait3A_113 = arith.constant 0 : i32
      %dma_wait3A_114 = tpu.memref_slice %arg9[%add3A_26, %dma_wait3A_113] : memref<10240x48xf32, #tpu.memory_space<vmem_shared>> -> memref<128x48xf32, #tpu.memory_space<vmem_shared>>
      %dma_wait3A_115 = arith.constant 0 : i32
      %dma_wait3A_116 = arith.constant 0 : i32
      %dma_wait3A_117 = tpu.memref_slice %arg8[%run_scoped3A_27, %dma_wait3A_115, %dma_wait3A_116] : memref<2x128x48xf32, #tpu.memory_space<vmem>> -> memref<1x128x48xf32, #tpu.memory_space<vmem>>
      %dma_wait3A_118 = tpu.memref_squeeze %dma_wait3A_117 : memref<1x128x48xf32, #tpu.memory_space<vmem>> -> memref<128x48xf32, #tpu.memory_space<vmem>>
      tpu.wait_dma2 semaphore(%run_scoped3A_94 : memref<!tpu.dma_semaphore, #tpu.memory_space<semaphore_mem>>) src(%dma_wait3A_118 : memref<128x48xf32, #tpu.memory_space<vmem>>) dst(%dma_wait3A_114 : memref<128x48xf32, #tpu.memory_space<vmem_shared>>)
      tpu.yield
    }) : () -> ()
    %mul3A_28 = arith.constant 640 : i32
    %mul3A_29 = arith.muli %arg1, %mul3A_28 : i32
    %add3A_30 = arith.constant 384 : i32
    %add3A_31 = arith.addi %mul3A_29, %add3A_30 : i32
    %run_scoped3A_32 = arith.constant 0 : i32
    "tpu.region"() ({
      %run_scoped3A_94 = tpu.sem_alloc : memref<!tpu.dma_semaphore, #tpu.memory_space<semaphore_mem>>
      %dma_start3A_95 = arith.constant 0 : i32
      %dma_start3A_96 = arith.constant 0 : i32
      %dma_start3A_97 = tpu.memref_slice %arg8[%run_scoped3A_32, %dma_start3A_95, %dma_start3A_96] : memref<2x128x48xf32, #tpu.memory_space<vmem>> -> memref<1x128x48xf32, #tpu.memory_space<vmem>>
      %dma_start3A_98 = tpu.memref_squeeze %dma_start3A_97 : memref<1x128x48xf32, #tpu.memory_space<vmem>> -> memref<128x48xf32, #tpu.memory_space<vmem>>
      %dma_start3A_99 = arith.constant 0 : i32
      %dma_start3A_100 = tpu.memref_slice %arg9[%add3A_31, %dma_start3A_99] : memref<10240x48xf32, #tpu.memory_space<vmem_shared>> -> memref<128x48xf32, #tpu.memory_space<vmem_shared>>
      %dma_start3A_101 = arith.constant 0 : i32
      %dma_start3A_102 = tpu.memref_slice %arg9[%add3A_31, %dma_start3A_101] : memref<10240x48xf32, #tpu.memory_space<vmem_shared>> -> memref<128x48xf32, #tpu.memory_space<vmem_shared>>
      %dma_start3A_103 = arith.constant 0 : i32
      %dma_start3A_104 = arith.constant 0 : i32
      %dma_start3A_105 = tpu.memref_slice %arg8[%run_scoped3A_32, %dma_start3A_103, %dma_start3A_104] : memref<2x128x48xf32, #tpu.memory_space<vmem>> -> memref<1x128x48xf32, #tpu.memory_space<vmem>>
      %dma_start3A_106 = tpu.memref_squeeze %dma_start3A_105 : memref<1x128x48xf32, #tpu.memory_space<vmem>> -> memref<128x48xf32, #tpu.memory_space<vmem>>
      tpu.enqueue_dma source(%dma_start3A_106 : memref<128x48xf32, #tpu.memory_space<vmem>>) target(%dma_start3A_102 : memref<128x48xf32, #tpu.memory_space<vmem_shared>>) target_semaphore(%run_scoped3A_94 : memref<!tpu.dma_semaphore, #tpu.memory_space<semaphore_mem>>)
      %dma_wait3A_107 = arith.constant 0 : i32
      %dma_wait3A_108 = arith.constant 0 : i32
      %dma_wait3A_109 = tpu.memref_slice %arg8[%run_scoped3A_32, %dma_wait3A_107, %dma_wait3A_108] : memref<2x128x48xf32, #tpu.memory_space<vmem>> -> memref<1x128x48xf32, #tpu.memory_space<vmem>>
      %dma_wait3A_110 = tpu.memref_squeeze %dma_wait3A_109 : memref<1x128x48xf32, #tpu.memory_space<vmem>> -> memref<128x48xf32, #tpu.memory_space<vmem>>
      %dma_wait3A_111 = arith.constant 0 : i32
      %dma_wait3A_112 = tpu.memref_slice %arg9[%add3A_31, %dma_wait3A_111] : memref<10240x48xf32, #tpu.memory_space<vmem_shared>> -> memref<128x48xf32, #tpu.memory_space<vmem_shared>>
      %dma_wait3A_113 = arith.constant 0 : i32
      %dma_wait3A_114 = tpu.memref_slice %arg9[%add3A_31, %dma_wait3A_113] : memref<10240x48xf32, #tpu.memory_space<vmem_shared>> -> memref<128x48xf32, #tpu.memory_space<vmem_shared>>
      %dma_wait3A_115 = arith.constant 0 : i32
      %dma_wait3A_116 = arith.constant 0 : i32
      %dma_wait3A_117 = tpu.memref_slice %arg8[%run_scoped3A_32, %dma_wait3A_115, %dma_wait3A_116] : memref<2x128x48xf32, #tpu.memory_space<vmem>> -> memref<1x128x48xf32, #tpu.memory_space<vmem>>
      %dma_wait3A_118 = tpu.memref_squeeze %dma_wait3A_117 : memref<1x128x48xf32, #tpu.memory_space<vmem>> -> memref<128x48xf32, #tpu.memory_space<vmem>>
      tpu.wait_dma2 semaphore(%run_scoped3A_94 : memref<!tpu.dma_semaphore, #tpu.memory_space<semaphore_mem>>) src(%dma_wait3A_118 : memref<128x48xf32, #tpu.memory_space<vmem>>) dst(%dma_wait3A_114 : memref<128x48xf32, #tpu.memory_space<vmem_shared>>)
      tpu.yield
    }) : () -> ()
    %mul3A_33 = arith.constant 640 : i32
    %mul3A_34 = arith.muli %arg1, %mul3A_33 : i32
    %add3A_35 = arith.constant 512 : i32
    %add3A_36 = arith.addi %mul3A_34, %add3A_35 : i32
    %run_scoped3A_37 = arith.constant 0 : i32
    "tpu.region"() ({
      %run_scoped3A_94 = tpu.sem_alloc : memref<!tpu.dma_semaphore, #tpu.memory_space<semaphore_mem>>
      %dma_start3A_95 = arith.constant 0 : i32
      %dma_start3A_96 = arith.constant 0 : i32
      %dma_start3A_97 = tpu.memref_slice %arg8[%run_scoped3A_37, %dma_start3A_95, %dma_start3A_96] : memref<2x128x48xf32, #tpu.memory_space<vmem>> -> memref<1x128x48xf32, #tpu.memory_space<vmem>>
      %dma_start3A_98 = tpu.memref_squeeze %dma_start3A_97 : memref<1x128x48xf32, #tpu.memory_space<vmem>> -> memref<128x48xf32, #tpu.memory_space<vmem>>
      %dma_start3A_99 = arith.constant 0 : i32
      %dma_start3A_100 = tpu.memref_slice %arg9[%add3A_36, %dma_start3A_99] : memref<10240x48xf32, #tpu.memory_space<vmem_shared>> -> memref<128x48xf32, #tpu.memory_space<vmem_shared>>
      %dma_start3A_101 = arith.constant 0 : i32
      %dma_start3A_102 = tpu.memref_slice %arg9[%add3A_36, %dma_start3A_101] : memref<10240x48xf32, #tpu.memory_space<vmem_shared>> -> memref<128x48xf32, #tpu.memory_space<vmem_shared>>
      %dma_start3A_103 = arith.constant 0 : i32
      %dma_start3A_104 = arith.constant 0 : i32
      %dma_start3A_105 = tpu.memref_slice %arg8[%run_scoped3A_37, %dma_start3A_103, %dma_start3A_104] : memref<2x128x48xf32, #tpu.memory_space<vmem>> -> memref<1x128x48xf32, #tpu.memory_space<vmem>>
      %dma_start3A_106 = tpu.memref_squeeze %dma_start3A_105 : memref<1x128x48xf32, #tpu.memory_space<vmem>> -> memref<128x48xf32, #tpu.memory_space<vmem>>
      tpu.enqueue_dma source(%dma_start3A_106 : memref<128x48xf32, #tpu.memory_space<vmem>>) target(%dma_start3A_102 : memref<128x48xf32, #tpu.memory_space<vmem_shared>>) target_semaphore(%run_scoped3A_94 : memref<!tpu.dma_semaphore, #tpu.memory_space<semaphore_mem>>)
      %dma_wait3A_107 = arith.constant 0 : i32
      %dma_wait3A_108 = arith.constant 0 : i32
      %dma_wait3A_109 = tpu.memref_slice %arg8[%run_scoped3A_37, %dma_wait3A_107, %dma_wait3A_108] : memref<2x128x48xf32, #tpu.memory_space<vmem>> -> memref<1x128x48xf32, #tpu.memory_space<vmem>>
      %dma_wait3A_110 = tpu.memref_squeeze %dma_wait3A_109 : memref<1x128x48xf32, #tpu.memory_space<vmem>> -> memref<128x48xf32, #tpu.memory_space<vmem>>
      %dma_wait3A_111 = arith.constant 0 : i32
      %dma_wait3A_112 = tpu.memref_slice %arg9[%add3A_36, %dma_wait3A_111] : memref<10240x48xf32, #tpu.memory_space<vmem_shared>> -> memref<128x48xf32, #tpu.memory_space<vmem_shared>>
      %dma_wait3A_113 = arith.constant 0 : i32
      %dma_wait3A_114 = tpu.memref_slice %arg9[%add3A_36, %dma_wait3A_113] : memref<10240x48xf32, #tpu.memory_space<vmem_shared>> -> memref<128x48xf32, #tpu.memory_space<vmem_shared>>
      %dma_wait3A_115 = arith.constant 0 : i32
      %dma_wait3A_116 = arith.constant 0 : i32
      %dma_wait3A_117 = tpu.memref_slice %arg8[%run_scoped3A_37, %dma_wait3A_115, %dma_wait3A_116] : memref<2x128x48xf32, #tpu.memory_space<vmem>> -> memref<1x128x48xf32, #tpu.memory_space<vmem>>
      %dma_wait3A_118 = tpu.memref_squeeze %dma_wait3A_117 : memref<1x128x48xf32, #tpu.memory_space<vmem>> -> memref<128x48xf32, #tpu.memory_space<vmem>>
      tpu.wait_dma2 semaphore(%run_scoped3A_94 : memref<!tpu.dma_semaphore, #tpu.memory_space<semaphore_mem>>) src(%dma_wait3A_118 : memref<128x48xf32, #tpu.memory_space<vmem>>) dst(%dma_wait3A_114 : memref<128x48xf32, #tpu.memory_space<vmem_shared>>)
      tpu.yield
    }) : () -> ()
    %barrier3A = arith.constant 0 : index
    tpu.barrier barrier_id(%barrier3A)
    %run_scoped3A_38 = arith.constant 0 : i32
    "tpu.region"() ({
      %run_scoped3A_94 = tpu.sem_alloc : memref<!tpu.dma_semaphore, #tpu.memory_space<semaphore_mem>>
      %dma_start3A_95 = arith.constant 0 : i32
      %dma_start3A_96 = arith.constant 0 : i32
      %dma_start3A_97 = tpu.memref_slice %arg6[%run_scoped3A_38, %dma_start3A_95, %dma_start3A_96] : memref<2x8x128xi32, #tpu.memory_space<vmem>> -> memref<1x8x128xi32, #tpu.memory_space<vmem>>
      %dma_start3A_98 = tpu.memref_squeeze %dma_start3A_97 : memref<1x8x128xi32, #tpu.memory_space<vmem>> -> memref<8x128xi32, #tpu.memory_space<vmem>>
      %dma_start3A_99 = arith.constant 0 : i32
      %dma_start3A_100 = tpu.memref_slice %arg3[%select_n3A, %dma_start3A_99] : memref<2560x128xi32, #tpu.memory_space<hbm>> -> memref<8x128xi32, #tpu.memory_space<hbm>>
      %dma_start3A_101 = arith.constant 0 : i32
      %dma_start3A_102 = arith.constant 0 : i32
      %dma_start3A_103 = tpu.memref_slice %arg6[%run_scoped3A_38, %dma_start3A_101, %dma_start3A_102] : memref<2x8x128xi32, #tpu.memory_space<vmem>> -> memref<1x8x128xi32, #tpu.memory_space<vmem>>
      %dma_start3A_104 = tpu.memref_squeeze %dma_start3A_103 : memref<1x8x128xi32, #tpu.memory_space<vmem>> -> memref<8x128xi32, #tpu.memory_space<vmem>>
      %dma_start3A_105 = arith.constant 0 : i32
      %dma_start3A_106 = tpu.memref_slice %arg3[%select_n3A, %dma_start3A_105] : memref<2560x128xi32, #tpu.memory_space<hbm>> -> memref<8x128xi32, #tpu.memory_space<hbm>>
      tpu.enqueue_dma source(%dma_start3A_106 : memref<8x128xi32, #tpu.memory_space<hbm>>) target(%dma_start3A_104 : memref<8x128xi32, #tpu.memory_space<vmem>>) target_semaphore(%run_scoped3A_94 : memref<!tpu.dma_semaphore, #tpu.memory_space<semaphore_mem>>)
      %dma_wait3A_107 = arith.constant 0 : i32
      %dma_wait3A_108 = arith.constant 0 : i32
      %dma_wait3A_109 = tpu.memref_slice %arg6[%run_scoped3A_38, %dma_wait3A_107, %dma_wait3A_108] : memref<2x8x128xi32, #tpu.memory_space<vmem>> -> memref<1x8x128xi32, #tpu.memory_space<vmem>>
      %dma_wait3A_110 = tpu.memref_squeeze %dma_wait3A_109 : memref<1x8x128xi32, #tpu.memory_space<vmem>> -> memref<8x128xi32, #tpu.memory_space<vmem>>
      %dma_wait3A_111 = arith.constant 0 : i32
      %dma_wait3A_112 = tpu.memref_slice %arg3[%select_n3A, %dma_wait3A_111] : memref<2560x128xi32, #tpu.memory_space<hbm>> -> memref<8x128xi32, #tpu.memory_space<hbm>>
      %dma_wait3A_113 = arith.constant 0 : i32
      %dma_wait3A_114 = arith.constant 0 : i32
      %dma_wait3A_115 = tpu.memref_slice %arg6[%run_scoped3A_38, %dma_wait3A_113, %dma_wait3A_114] : memref<2x8x128xi32, #tpu.memory_space<vmem>> -> memref<1x8x128xi32, #tpu.memory_space<vmem>>
      %dma_wait3A_116 = tpu.memref_squeeze %dma_wait3A_115 : memref<1x8x128xi32, #tpu.memory_space<vmem>> -> memref<8x128xi32, #tpu.memory_space<vmem>>
      %dma_wait3A_117 = arith.constant 0 : i32
      %dma_wait3A_118 = tpu.memref_slice %arg3[%select_n3A, %dma_wait3A_117] : memref<2560x128xi32, #tpu.memory_space<hbm>> -> memref<8x128xi32, #tpu.memory_space<hbm>>
      tpu.wait_dma2 semaphore(%run_scoped3A_94 : memref<!tpu.dma_semaphore, #tpu.memory_space<semaphore_mem>>) src(%dma_wait3A_118 : memref<8x128xi32, #tpu.memory_space<hbm>>) dst(%dma_wait3A_116 : memref<8x128xi32, #tpu.memory_space<vmem>>)
      tpu.yield
    }) : () -> ()
    %run_scoped3A_39 = arith.constant 0 : i32
    "tpu.region"() ({
      %run_scoped3A_94 = tpu.sem_alloc : memref<!tpu.dma_semaphore, #tpu.memory_space<semaphore_mem>>
      %dma_start3A_95 = arith.constant 0 : i32
      %dma_start3A_96 = arith.constant 0 : i32
      %dma_start3A_97 = tpu.memref_slice %arg7[%run_scoped3A_39, %dma_start3A_95, %dma_start3A_96] : memref<2x8x128xi32, #tpu.memory_space<vmem>> -> memref<1x8x128xi32, #tpu.memory_space<vmem>>
      %dma_start3A_98 = tpu.memref_squeeze %dma_start3A_97 : memref<1x8x128xi32, #tpu.memory_space<vmem>> -> memref<8x128xi32, #tpu.memory_space<vmem>>
      %dma_start3A_99 = arith.constant 0 : i32
      %dma_start3A_100 = tpu.memref_slice %arg4[%select_n3A, %dma_start3A_99] : memref<2560x128xi32, #tpu.memory_space<hbm>> -> memref<8x128xi32, #tpu.memory_space<hbm>>
      %dma_start3A_101 = arith.constant 0 : i32
      %dma_start3A_102 = arith.constant 0 : i32
      %dma_start3A_103 = tpu.memref_slice %arg7[%run_scoped3A_39, %dma_start3A_101, %dma_start3A_102] : memref<2x8x128xi32, #tpu.memory_space<vmem>> -> memref<1x8x128xi32, #tpu.memory_space<vmem>>
      %dma_start3A_104 = tpu.memref_squeeze %dma_start3A_103 : memref<1x8x128xi32, #tpu.memory_space<vmem>> -> memref<8x128xi32, #tpu.memory_space<vmem>>
      %dma_start3A_105 = arith.constant 0 : i32
      %dma_start3A_106 = tpu.memref_slice %arg4[%select_n3A, %dma_start3A_105] : memref<2560x128xi32, #tpu.memory_space<hbm>> -> memref<8x128xi32, #tpu.memory_space<hbm>>
      tpu.enqueue_dma source(%dma_start3A_106 : memref<8x128xi32, #tpu.memory_space<hbm>>) target(%dma_start3A_104 : memref<8x128xi32, #tpu.memory_space<vmem>>) target_semaphore(%run_scoped3A_94 : memref<!tpu.dma_semaphore, #tpu.memory_space<semaphore_mem>>)
      %dma_wait3A_107 = arith.constant 0 : i32
      %dma_wait3A_108 = arith.constant 0 : i32
      %dma_wait3A_109 = tpu.memref_slice %arg7[%run_scoped3A_39, %dma_wait3A_107, %dma_wait3A_108] : memref<2x8x128xi32, #tpu.memory_space<vmem>> -> memref<1x8x128xi32, #tpu.memory_space<vmem>>
      %dma_wait3A_110 = tpu.memref_squeeze %dma_wait3A_109 : memref<1x8x128xi32, #tpu.memory_space<vmem>> -> memref<8x128xi32, #tpu.memory_space<vmem>>
      %dma_wait3A_111 = arith.constant 0 : i32
      %dma_wait3A_112 = tpu.memref_slice %arg4[%select_n3A, %dma_wait3A_111] : memref<2560x128xi32, #tpu.memory_space<hbm>> -> memref<8x128xi32, #tpu.memory_space<hbm>>
      %dma_wait3A_113 = arith.constant 0 : i32
      %dma_wait3A_114 = arith.constant 0 : i32
      %dma_wait3A_115 = tpu.memref_slice %arg7[%run_scoped3A_39, %dma_wait3A_113, %dma_wait3A_114] : memref<2x8x128xi32, #tpu.memory_space<vmem>> -> memref<1x8x128xi32, #tpu.memory_space<vmem>>
      %dma_wait3A_116 = tpu.memref_squeeze %dma_wait3A_115 : memref<1x8x128xi32, #tpu.memory_space<vmem>> -> memref<8x128xi32, #tpu.memory_space<vmem>>
      %dma_wait3A_117 = arith.constant 0 : i32
      %dma_wait3A_118 = tpu.memref_slice %arg4[%select_n3A, %dma_wait3A_117] : memref<2560x128xi32, #tpu.memory_space<hbm>> -> memref<8x128xi32, #tpu.memory_space<hbm>>
      tpu.wait_dma2 semaphore(%run_scoped3A_94 : memref<!tpu.dma_semaphore, #tpu.memory_space<semaphore_mem>>) src(%dma_wait3A_118 : memref<8x128xi32, #tpu.memory_space<hbm>>) dst(%dma_wait3A_116 : memref<8x128xi32, #tpu.memory_space<vmem>>)
      tpu.yield
    }) : () -> ()
    %dma_start3A = arith.constant 0 : i32
    %dma_start3A_40 = arith.constant 0 : i32
    %dma_start3A_41 = arith.constant 0 : i32
    %dma_start3A_42 = arith.constant 0 : i32
    %dma_start3A_43 = arith.constant 0 : i32
    %dma_start3A_44 = tpu.memref_slice %arg8[%dma_start3A_41, %dma_start3A_42, %dma_start3A_43] : memref<2x128x48xf32, #tpu.memory_space<vmem>> -> memref<1x128x48xf32, #tpu.memory_space<vmem>>
    %dma_start3A_45 = tpu.memref_squeeze %dma_start3A_44 : memref<1x128x48xf32, #tpu.memory_space<vmem>> -> memref<128x48xf32, #tpu.memory_space<vmem>>
    %dma_start3A_46 = arith.constant 0 : i32
    %dma_start3A_47 = arith.constant 0 : i32
    %dma_start3A_48 = tpu.memref_slice %arg6[%dma_start3A, %dma_start3A_46, %dma_start3A_47] : memref<2x8x128xi32, #tpu.memory_space<vmem>> -> memref<1x8x128xi32, #tpu.memory_space<vmem>>
    %dma_start3A_49 = tpu.memref_squeeze %dma_start3A_48 : memref<1x8x128xi32, #tpu.memory_space<vmem>> -> memref<8x128xi32, #tpu.memory_space<vmem>>
    %dma_start3A_50 = arith.constant 0 : i32
    %dma_start3A_51 = tpu.memref_slice %dma_start3A_49[%dma_start3A_40, %dma_start3A_50] : memref<8x128xi32, #tpu.memory_space<vmem>> -> memref<1x128xi32, #tpu.memory_space<vmem>>
    %dma_start3A_52 = tpu.memref_squeeze %dma_start3A_51 : memref<1x128xi32, #tpu.memory_space<vmem>> -> memref<128xi32, #tpu.memory_space<vmem>>
    %dma_start3A_53 = arith.constant 0 : i32
    %dma_start3A_54 = arith.constant 0 : i32
    %dma_start3A_55 = tpu.memref_slice %arg2[%dma_start3A_53, %dma_start3A_54] : memref<10240x48xf32, #tpu.memory_space<hbm>> -> memref<10240x48xf32, #tpu.memory_space<hbm>>
    tpu.enqueue_indirect_dma source(%dma_start3A_55 : memref<10240x48xf32, #tpu.memory_space<hbm>>) target(%dma_start3A_45 : memref<128x48xf32, #tpu.memory_space<vmem>>) offsets(%dma_start3A_52 : memref<128xi32, #tpu.memory_space<vmem>>) semaphore(%arg10 : memref<!tpu.dma_semaphore, #tpu.memory_space<semaphore_mem>>)
    %while3A = arith.constant 0 : i32
    %while3A_56 = arith.constant 0 : i32
    %while3A_57 = arith.subi %select_n3A_8, %while3A_56 : i32
    %while3A_58 = arith.addi %while3A_56, %while3A_57 : i32
    %while3A_59 = arith.constant 1 : i32
    %while3A_60 = arith.divsi %while3A_57, %while3A_59 : i32
    %while3A_61 = arith.muli %while3A_60, %while3A_59 : i32
    %while3A_62 = arith.addi %while3A_56, %while3A_61 : i32
    %while3A_63 = arith.constant 1 : i32
    scf.for %while3A_94 = %while3A_56 to %while3A_62 step %while3A_63  : i32 {
      %rem3A_95 = arith.constant 2 : i32
      %rem3A_96 = arith.remsi %while3A_94, %rem3A_95 : i32
      %rem3A_97 = arith.constant 8 : i32
      %rem3A_98 = arith.remsi %while3A_94, %rem3A_97 : i32
      %div3A_99 = arith.constant 8 : i32
      %div3A_100 = arith.divsi %while3A_94, %div3A_99 : i32
      %rem3A_101 = arith.constant 2 : i32
      %rem3A_102 = arith.remsi %div3A_100, %rem3A_101 : i32
      %add3A_103 = arith.constant 1 : i32
      %add3A_104 = arith.addi %rem3A_102, %add3A_103 : i32
      %rem3A_105 = arith.constant 2 : i32
      %rem3A_106 = arith.remsi %add3A_104, %rem3A_105 : i32
      %add3A_107 = arith.addi %select_n3A, %while3A_94 : i32
      %add3A_108 = arith.constant 8 : i32
      %add3A_109 = arith.addi %add3A_107, %add3A_108 : i32
      %eq3A_110 = arith.constant 0 : i32
      %eq3A_111 = arith.cmpi eq, %rem3A_98, %eq3A_110 : i32
      %add3A_112 = arith.constant 8 : i32
      %add3A_113 = arith.addi %while3A_94, %add3A_112 : i32
      %lt3A = arith.cmpi slt, %add3A_113, %select_n3A_8 : i32
      %and3A = arith.andi %eq3A_111, %lt3A : i1
      %convert_element_type3A = arith.extui %and3A : i1 to i32
      %cond3A = arith.constant 0 : i32
      %cond3A_114 = arith.cmpi ne, %convert_element_type3A, %cond3A : i32
      scf.if %cond3A_114 {
        %dma_start3A_162 = arith.constant 0 : i32
        %dma_start3A_163 = arith.constant 0 : i32
        %dma_start3A_164 = tpu.memref_slice %arg6[%rem3A_106, %dma_start3A_162, %dma_start3A_163] : memref<2x8x128xi32, #tpu.memory_space<vmem>> -> memref<1x8x128xi32, #tpu.memory_space<vmem>>
        %dma_start3A_165 = tpu.memref_squeeze %dma_start3A_164 : memref<1x8x128xi32, #tpu.memory_space<vmem>> -> memref<8x128xi32, #tpu.memory_space<vmem>>
        %dma_start3A_166 = arith.constant 0 : i32
        %dma_start3A_167 = tpu.memref_slice %arg3[%add3A_109, %dma_start3A_166] : memref<2560x128xi32, #tpu.memory_space<hbm>> -> memref<8x128xi32, #tpu.memory_space<hbm>>
        %dma_start3A_168 = arith.constant 0 : i32
        %dma_start3A_169 = arith.constant 0 : i32
        %dma_start3A_170 = tpu.memref_slice %arg6[%rem3A_106, %dma_start3A_168, %dma_start3A_169] : memref<2x8x128xi32, #tpu.memory_space<vmem>> -> memref<1x8x128xi32, #tpu.memory_space<vmem>>
        %dma_start3A_171 = tpu.memref_squeeze %dma_start3A_170 : memref<1x8x128xi32, #tpu.memory_space<vmem>> -> memref<8x128xi32, #tpu.memory_space<vmem>>
        %dma_start3A_172 = arith.constant 0 : i32
        %dma_start3A_173 = tpu.memref_slice %arg3[%add3A_109, %dma_start3A_172] : memref<2560x128xi32, #tpu.memory_space<hbm>> -> memref<8x128xi32, #tpu.memory_space<hbm>>
        tpu.enqueue_dma source(%dma_start3A_173 : memref<8x128xi32, #tpu.memory_space<hbm>>) target(%dma_start3A_171 : memref<8x128xi32, #tpu.memory_space<vmem>>) target_semaphore(%arg11 : memref<!tpu.dma_semaphore, #tpu.memory_space<semaphore_mem>>)
        %dma_start3A_174 = arith.constant 0 : i32
        %dma_start3A_175 = arith.constant 0 : i32
        %dma_start3A_176 = tpu.memref_slice %arg7[%rem3A_106, %dma_start3A_174, %dma_start3A_175] : memref<2x8x128xi32, #tpu.memory_space<vmem>> -> memref<1x8x128xi32, #tpu.memory_space<vmem>>
        %dma_start3A_177 = tpu.memref_squeeze %dma_start3A_176 : memref<1x8x128xi32, #tpu.memory_space<vmem>> -> memref<8x128xi32, #tpu.memory_space<vmem>>
        %dma_start3A_178 = arith.constant 0 : i32
        %dma_start3A_179 = tpu.memref_slice %arg4[%add3A_109, %dma_start3A_178] : memref<2560x128xi32, #tpu.memory_space<hbm>> -> memref<8x128xi32, #tpu.memory_space<hbm>>
        %dma_start3A_180 = arith.constant 0 : i32
        %dma_start3A_181 = arith.constant 0 : i32
        %dma_start3A_182 = tpu.memref_slice %arg7[%rem3A_106, %dma_start3A_180, %dma_start3A_181] : memref<2x8x128xi32, #tpu.memory_space<vmem>> -> memref<1x8x128xi32, #tpu.memory_space<vmem>>
        %dma_start3A_183 = tpu.memref_squeeze %dma_start3A_182 : memref<1x8x128xi32, #tpu.memory_space<vmem>> -> memref<8x128xi32, #tpu.memory_space<vmem>>
        %dma_start3A_184 = arith.constant 0 : i32
        %dma_start3A_185 = tpu.memref_slice %arg4[%add3A_109, %dma_start3A_184] : memref<2560x128xi32, #tpu.memory_space<hbm>> -> memref<8x128xi32, #tpu.memory_space<hbm>>
        tpu.enqueue_dma source(%dma_start3A_185 : memref<8x128xi32, #tpu.memory_space<hbm>>) target(%dma_start3A_183 : memref<8x128xi32, #tpu.memory_space<vmem>>) target_semaphore(%arg11 : memref<!tpu.dma_semaphore, #tpu.memory_space<semaphore_mem>>)
      } else {
      }
      %dma_wait3A_115 = arith.constant 0 : i32
      %dma_wait3A_116 = arith.constant 0 : i32
      %dma_wait3A_117 = tpu.memref_slice %arg8[%rem3A_96, %dma_wait3A_115, %dma_wait3A_116] : memref<2x128x48xf32, #tpu.memory_space<vmem>> -> memref<1x128x48xf32, #tpu.memory_space<vmem>>
      %dma_wait3A_118 = tpu.memref_squeeze %dma_wait3A_117 : memref<1x128x48xf32, #tpu.memory_space<vmem>> -> memref<128x48xf32, #tpu.memory_space<vmem>>
      %dma_wait3A_119 = arith.constant 0 : i32
      %dma_wait3A_120 = arith.constant 0 : i32
      %dma_wait3A_121 = tpu.memref_slice %arg6[%rem3A_102, %dma_wait3A_119, %dma_wait3A_120] : memref<2x8x128xi32, #tpu.memory_space<vmem>> -> memref<1x8x128xi32, #tpu.memory_space<vmem>>
      %dma_wait3A_122 = tpu.memref_squeeze %dma_wait3A_121 : memref<1x8x128xi32, #tpu.memory_space<vmem>> -> memref<8x128xi32, #tpu.memory_space<vmem>>
      %dma_wait3A_123 = arith.constant 0 : i32
      %dma_wait3A_124 = tpu.memref_slice %dma_wait3A_122[%rem3A_98, %dma_wait3A_123] : memref<8x128xi32, #tpu.memory_space<vmem>> -> memref<1x128xi32, #tpu.memory_space<vmem>>
      %dma_wait3A_125 = tpu.memref_squeeze %dma_wait3A_124 : memref<1x128xi32, #tpu.memory_space<vmem>> -> memref<128xi32, #tpu.memory_space<vmem>>
      %dma_wait3A_126 = arith.constant 0 : i32
      %dma_wait3A_127 = arith.constant 0 : i32
      %dma_wait3A_128 = tpu.memref_slice %arg2[%dma_wait3A_126, %dma_wait3A_127] : memref<10240x48xf32, #tpu.memory_space<hbm>> -> memref<10240x48xf32, #tpu.memory_space<hbm>>
      tpu.wait_indirect_dma semaphore(%arg10 : memref<!tpu.dma_semaphore, #tpu.memory_space<semaphore_mem>>) src(%dma_wait3A_128 : memref<10240x48xf32, #tpu.memory_space<hbm>>) dst(%dma_wait3A_118 : memref<128x48xf32, #tpu.memory_space<vmem>>)
      %eq3A_129 = arith.constant 7 : i32
      %eq3A_130 = arith.cmpi eq, %rem3A_98, %eq3A_129 : i32
      %add3A_131 = arith.constant 1 : i32
      %add3A_132 = arith.addi %while3A_94, %add3A_131 : i32
      %lt3A_133 = arith.cmpi slt, %add3A_132, %select_n3A_8 : i32
      %and3A_134 = arith.andi %eq3A_130, %lt3A_133 : i1
      %convert_element_type3A_135 = arith.extui %and3A_134 : i1 to i32
      %cond3A_136 = arith.constant 0 : i32
      %cond3A_137 = arith.cmpi ne, %convert_element_type3A_135, %cond3A_136 : i32
      scf.if %cond3A_137 {
        %add3A_162 = arith.addi %select_n3A, %while3A_94 : i32
        %add3A_163 = arith.constant 1 : i32
        %add3A_164 = arith.addi %add3A_162, %add3A_163 : i32
        %dma_wait3A_165 = arith.constant 0 : i32
        %dma_wait3A_166 = arith.constant 0 : i32
        %dma_wait3A_167 = tpu.memref_slice %arg6[%rem3A_106, %dma_wait3A_165, %dma_wait3A_166] : memref<2x8x128xi32, #tpu.memory_space<vmem>> -> memref<1x8x128xi32, #tpu.memory_space<vmem>>
        %dma_wait3A_168 = tpu.memref_squeeze %dma_wait3A_167 : memref<1x8x128xi32, #tpu.memory_space<vmem>> -> memref<8x128xi32, #tpu.memory_space<vmem>>
        %dma_wait3A_169 = arith.constant 0 : i32
        %dma_wait3A_170 = tpu.memref_slice %arg3[%add3A_164, %dma_wait3A_169] : memref<2560x128xi32, #tpu.memory_space<hbm>> -> memref<8x128xi32, #tpu.memory_space<hbm>>
        %dma_wait3A_171 = arith.constant 0 : i32
        %dma_wait3A_172 = arith.constant 0 : i32
        %dma_wait3A_173 = tpu.memref_slice %arg6[%rem3A_106, %dma_wait3A_171, %dma_wait3A_172] : memref<2x8x128xi32, #tpu.memory_space<vmem>> -> memref<1x8x128xi32, #tpu.memory_space<vmem>>
        %dma_wait3A_174 = tpu.memref_squeeze %dma_wait3A_173 : memref<1x8x128xi32, #tpu.memory_space<vmem>> -> memref<8x128xi32, #tpu.memory_space<vmem>>
        %dma_wait3A_175 = arith.constant 0 : i32
        %dma_wait3A_176 = tpu.memref_slice %arg3[%add3A_164, %dma_wait3A_175] : memref<2560x128xi32, #tpu.memory_space<hbm>> -> memref<8x128xi32, #tpu.memory_space<hbm>>
        tpu.wait_dma2 semaphore(%arg11 : memref<!tpu.dma_semaphore, #tpu.memory_space<semaphore_mem>>) src(%dma_wait3A_176 : memref<8x128xi32, #tpu.memory_space<hbm>>) dst(%dma_wait3A_174 : memref<8x128xi32, #tpu.memory_space<vmem>>)
        %dma_wait3A_177 = arith.constant 0 : i32
        %dma_wait3A_178 = arith.constant 0 : i32
        %dma_wait3A_179 = tpu.memref_slice %arg7[%rem3A_106, %dma_wait3A_177, %dma_wait3A_178] : memref<2x8x128xi32, #tpu.memory_space<vmem>> -> memref<1x8x128xi32, #tpu.memory_space<vmem>>
        %dma_wait3A_180 = tpu.memref_squeeze %dma_wait3A_179 : memref<1x8x128xi32, #tpu.memory_space<vmem>> -> memref<8x128xi32, #tpu.memory_space<vmem>>
        %dma_wait3A_181 = arith.constant 0 : i32
        %dma_wait3A_182 = tpu.memref_slice %arg4[%add3A_164, %dma_wait3A_181] : memref<2560x128xi32, #tpu.memory_space<hbm>> -> memref<8x128xi32, #tpu.memory_space<hbm>>
        %dma_wait3A_183 = arith.constant 0 : i32
        %dma_wait3A_184 = arith.constant 0 : i32
        %dma_wait3A_185 = tpu.memref_slice %arg7[%rem3A_106, %dma_wait3A_183, %dma_wait3A_184] : memref<2x8x128xi32, #tpu.memory_space<vmem>> -> memref<1x8x128xi32, #tpu.memory_space<vmem>>
        %dma_wait3A_186 = tpu.memref_squeeze %dma_wait3A_185 : memref<1x8x128xi32, #tpu.memory_space<vmem>> -> memref<8x128xi32, #tpu.memory_space<vmem>>
        %dma_wait3A_187 = arith.constant 0 : i32
        %dma_wait3A_188 = tpu.memref_slice %arg4[%add3A_164, %dma_wait3A_187] : memref<2560x128xi32, #tpu.memory_space<hbm>> -> memref<8x128xi32, #tpu.memory_space<hbm>>
        tpu.wait_dma2 semaphore(%arg11 : memref<!tpu.dma_semaphore, #tpu.memory_space<semaphore_mem>>) src(%dma_wait3A_188 : memref<8x128xi32, #tpu.memory_space<hbm>>) dst(%dma_wait3A_186 : memref<8x128xi32, #tpu.memory_space<vmem>>)
      } else {
      }
      %ge3A = arith.constant 1 : i32
      %ge3A_138 = arith.cmpi sge, %while3A_94, %ge3A : i32
      %convert_element_type3A_139 = arith.extui %ge3A_138 : i1 to i32
      %cond3A_140 = arith.constant 0 : i32
      %cond3A_141 = arith.cmpi ne, %convert_element_type3A_139, %cond3A_140 : i32
      scf.if %cond3A_141 {
        %sub3A_162 = arith.constant 1 : i32
        %sub3A_163 = arith.subi %while3A_94, %sub3A_162 : i32
        %rem3A_164 = arith.constant 8 : i32
        %rem3A_165 = arith.remsi %sub3A_163, %rem3A_164 : i32
        %sub3A_166 = arith.constant 1 : i32
        %sub3A_167 = arith.subi %while3A_94, %sub3A_166 : i32
        %div3A_168 = arith.constant 8 : i32
        %div3A_169 = arith.divsi %sub3A_167, %div3A_168 : i32
        %rem3A_170 = arith.constant 2 : i32
        %rem3A_171 = arith.remsi %div3A_169, %rem3A_170 : i32
        %add3A_172 = arith.constant 1 : i32
        %add3A_173 = arith.addi %while3A_94, %add3A_172 : i32
        %rem3A_174 = arith.constant 2 : i32
        %rem3A_175 = arith.remsi %add3A_173, %rem3A_174 : i32
        %dma_wait3A_176 = arith.constant 0 : i32
        %dma_wait3A_177 = arith.constant 0 : i32
        %dma_wait3A_178 = tpu.memref_slice %arg8[%rem3A_175, %dma_wait3A_176, %dma_wait3A_177] : memref<2x128x48xf32, #tpu.memory_space<vmem>> -> memref<1x128x48xf32, #tpu.memory_space<vmem>>
        %dma_wait3A_179 = tpu.memref_squeeze %dma_wait3A_178 : memref<1x128x48xf32, #tpu.memory_space<vmem>> -> memref<128x48xf32, #tpu.memory_space<vmem>>
        %dma_wait3A_180 = arith.constant 0 : i32
        %dma_wait3A_181 = arith.constant 0 : i32
        %dma_wait3A_182 = tpu.memref_slice %arg7[%rem3A_171, %dma_wait3A_180, %dma_wait3A_181] : memref<2x8x128xi32, #tpu.memory_space<vmem>> -> memref<1x8x128xi32, #tpu.memory_space<vmem>>
        %dma_wait3A_183 = tpu.memref_squeeze %dma_wait3A_182 : memref<1x8x128xi32, #tpu.memory_space<vmem>> -> memref<8x128xi32, #tpu.memory_space<vmem>>
        %dma_wait3A_184 = arith.constant 0 : i32
        %dma_wait3A_185 = tpu.memref_slice %dma_wait3A_183[%rem3A_165, %dma_wait3A_184] : memref<8x128xi32, #tpu.memory_space<vmem>> -> memref<1x128xi32, #tpu.memory_space<vmem>>
        %dma_wait3A_186 = tpu.memref_squeeze %dma_wait3A_185 : memref<1x128xi32, #tpu.memory_space<vmem>> -> memref<128xi32, #tpu.memory_space<vmem>>
        %dma_wait3A_187 = arith.constant 0 : i32
        %dma_wait3A_188 = arith.constant 0 : i32
        %dma_wait3A_189 = tpu.memref_slice %arg9[%dma_wait3A_187, %dma_wait3A_188] : memref<10240x48xf32, #tpu.memory_space<vmem_shared>> -> memref<10240x48xf32, #tpu.memory_space<vmem_shared>>
        tpu.wait_indirect_dma semaphore(%arg12 : memref<!tpu.dma_semaphore, #tpu.memory_space<semaphore_mem>>) src(%dma_wait3A_179 : memref<128x48xf32, #tpu.memory_space<vmem>>) dst(%dma_wait3A_189 : memref<10240x48xf32, #tpu.memory_space<vmem_shared>>)
      } else {
      }
      %add3A_142 = arith.constant 1 : i32
      %add3A_143 = arith.addi %while3A_94, %add3A_142 : i32
      %lt3A_144 = arith.cmpi slt, %add3A_143, %select_n3A_8 : i32
      %convert_element_type3A_145 = arith.extui %lt3A_144 : i1 to i32
      %cond3A_146 = arith.constant 0 : i32
      %cond3A_147 = arith.cmpi ne, %convert_element_type3A_145, %cond3A_146 : i32
      scf.if %cond3A_147 {
        %add3A_162 = arith.constant 1 : i32
        %add3A_163 = arith.addi %while3A_94, %add3A_162 : i32
        %rem3A_164 = arith.constant 8 : i32
        %rem3A_165 = arith.remsi %add3A_163, %rem3A_164 : i32
        %add3A_166 = arith.constant 1 : i32
        %add3A_167 = arith.addi %while3A_94, %add3A_166 : i32
        %div3A_168 = arith.constant 8 : i32
        %div3A_169 = arith.divsi %add3A_167, %div3A_168 : i32
        %rem3A_170 = arith.constant 2 : i32
        %rem3A_171 = arith.remsi %div3A_169, %rem3A_170 : i32
        %add3A_172 = arith.constant 1 : i32
        %add3A_173 = arith.addi %while3A_94, %add3A_172 : i32
        %rem3A_174 = arith.constant 2 : i32
        %rem3A_175 = arith.remsi %add3A_173, %rem3A_174 : i32
        %dma_start3A_176 = arith.constant 0 : i32
        %dma_start3A_177 = arith.constant 0 : i32
        %dma_start3A_178 = tpu.memref_slice %arg8[%rem3A_175, %dma_start3A_176, %dma_start3A_177] : memref<2x128x48xf32, #tpu.memory_space<vmem>> -> memref<1x128x48xf32, #tpu.memory_space<vmem>>
        %dma_start3A_179 = tpu.memref_squeeze %dma_start3A_178 : memref<1x128x48xf32, #tpu.memory_space<vmem>> -> memref<128x48xf32, #tpu.memory_space<vmem>>
        %dma_start3A_180 = arith.constant 0 : i32
        %dma_start3A_181 = arith.constant 0 : i32
        %dma_start3A_182 = tpu.memref_slice %arg6[%rem3A_171, %dma_start3A_180, %dma_start3A_181] : memref<2x8x128xi32, #tpu.memory_space<vmem>> -> memref<1x8x128xi32, #tpu.memory_space<vmem>>
        %dma_start3A_183 = tpu.memref_squeeze %dma_start3A_182 : memref<1x8x128xi32, #tpu.memory_space<vmem>> -> memref<8x128xi32, #tpu.memory_space<vmem>>
        %dma_start3A_184 = arith.constant 0 : i32
        %dma_start3A_185 = tpu.memref_slice %dma_start3A_183[%rem3A_165, %dma_start3A_184] : memref<8x128xi32, #tpu.memory_space<vmem>> -> memref<1x128xi32, #tpu.memory_space<vmem>>
        %dma_start3A_186 = tpu.memref_squeeze %dma_start3A_185 : memref<1x128xi32, #tpu.memory_space<vmem>> -> memref<128xi32, #tpu.memory_space<vmem>>
        %dma_start3A_187 = arith.constant 0 : i32
        %dma_start3A_188 = arith.constant 0 : i32
        %dma_start3A_189 = tpu.memref_slice %arg2[%dma_start3A_187, %dma_start3A_188] : memref<10240x48xf32, #tpu.memory_space<hbm>> -> memref<10240x48xf32, #tpu.memory_space<hbm>>
        tpu.enqueue_indirect_dma source(%dma_start3A_189 : memref<10240x48xf32, #tpu.memory_space<hbm>>) target(%dma_start3A_179 : memref<128x48xf32, #tpu.memory_space<vmem>>) offsets(%dma_start3A_186 : memref<128xi32, #tpu.memory_space<vmem>>) semaphore(%arg10 : memref<!tpu.dma_semaphore, #tpu.memory_space<semaphore_mem>>)
      } else {
      }
      %dma_start3A_148 = arith.constant 0 : i32
      %dma_start3A_149 = arith.constant 0 : i32
      %dma_start3A_150 = tpu.memref_slice %arg8[%rem3A_96, %dma_start3A_148, %dma_start3A_149] : memref<2x128x48xf32, #tpu.memory_space<vmem>> -> memref<1x128x48xf32, #tpu.memory_space<vmem>>
      %dma_start3A_151 = tpu.memref_squeeze %dma_start3A_150 : memref<1x128x48xf32, #tpu.memory_space<vmem>> -> memref<128x48xf32, #tpu.memory_space<vmem>>
      %dma_start3A_152 = arith.constant 0 : i32
      %dma_start3A_153 = arith.constant 0 : i32
      %dma_start3A_154 = tpu.memref_slice %arg7[%rem3A_102, %dma_start3A_152, %dma_start3A_153] : memref<2x8x128xi32, #tpu.memory_space<vmem>> -> memref<1x8x128xi32, #tpu.memory_space<vmem>>
      %dma_start3A_155 = tpu.memref_squeeze %dma_start3A_154 : memref<1x8x128xi32, #tpu.memory_space<vmem>> -> memref<8x128xi32, #tpu.memory_space<vmem>>
      %dma_start3A_156 = arith.constant 0 : i32
      %dma_start3A_157 = tpu.memref_slice %dma_start3A_155[%rem3A_98, %dma_start3A_156] : memref<8x128xi32, #tpu.memory_space<vmem>> -> memref<1x128xi32, #tpu.memory_space<vmem>>
      %dma_start3A_158 = tpu.memref_squeeze %dma_start3A_157 : memref<1x128xi32, #tpu.memory_space<vmem>> -> memref<128xi32, #tpu.memory_space<vmem>>
      %dma_start3A_159 = arith.constant 0 : i32
      %dma_start3A_160 = arith.constant 0 : i32
      %dma_start3A_161 = tpu.memref_slice %arg9[%dma_start3A_159, %dma_start3A_160] : memref<10240x48xf32, #tpu.memory_space<vmem_shared>> -> memref<10240x48xf32, #tpu.memory_space<vmem_shared>>
      tpu.enqueue_indirect_dma source(%dma_start3A_151 : memref<128x48xf32, #tpu.memory_space<vmem>>) target(%dma_start3A_161 : memref<10240x48xf32, #tpu.memory_space<vmem_shared>>) offsets(%dma_start3A_158 : memref<128xi32, #tpu.memory_space<vmem>>) semaphore(%arg12 : memref<!tpu.dma_semaphore, #tpu.memory_space<semaphore_mem>>) {add = true}
    }
    %while3A_64 = arith.constant 1 : i32
    scf.for %while3A_94 = %while3A_62 to %while3A_58 step %while3A_64  : i32 {
      %rem3A_95 = arith.constant 2 : i32
      %rem3A_96 = arith.remsi %while3A_94, %rem3A_95 : i32
      %rem3A_97 = arith.constant 8 : i32
      %rem3A_98 = arith.remsi %while3A_94, %rem3A_97 : i32
      %div3A_99 = arith.constant 8 : i32
      %div3A_100 = arith.divsi %while3A_94, %div3A_99 : i32
      %rem3A_101 = arith.constant 2 : i32
      %rem3A_102 = arith.remsi %div3A_100, %rem3A_101 : i32
      %add3A_103 = arith.constant 1 : i32
      %add3A_104 = arith.addi %rem3A_102, %add3A_103 : i32
      %rem3A_105 = arith.constant 2 : i32
      %rem3A_106 = arith.remsi %add3A_104, %rem3A_105 : i32
      %add3A_107 = arith.addi %select_n3A, %while3A_94 : i32
      %add3A_108 = arith.constant 8 : i32
      %add3A_109 = arith.addi %add3A_107, %add3A_108 : i32
      %eq3A_110 = arith.constant 0 : i32
      %eq3A_111 = arith.cmpi eq, %rem3A_98, %eq3A_110 : i32
      %add3A_112 = arith.constant 8 : i32
      %add3A_113 = arith.addi %while3A_94, %add3A_112 : i32
      %lt3A = arith.cmpi slt, %add3A_113, %select_n3A_8 : i32
      %and3A = arith.andi %eq3A_111, %lt3A : i1
      %convert_element_type3A = arith.extui %and3A : i1 to i32
      %cond3A = arith.constant 0 : i32
      %cond3A_114 = arith.cmpi ne, %convert_element_type3A, %cond3A : i32
      scf.if %cond3A_114 {
        %dma_start3A_162 = arith.constant 0 : i32
        %dma_start3A_163 = arith.constant 0 : i32
        %dma_start3A_164 = tpu.memref_slice %arg6[%rem3A_106, %dma_start3A_162, %dma_start3A_163] : memref<2x8x128xi32, #tpu.memory_space<vmem>> -> memref<1x8x128xi32, #tpu.memory_space<vmem>>
        %dma_start3A_165 = tpu.memref_squeeze %dma_start3A_164 : memref<1x8x128xi32, #tpu.memory_space<vmem>> -> memref<8x128xi32, #tpu.memory_space<vmem>>
        %dma_start3A_166 = arith.constant 0 : i32
        %dma_start3A_167 = tpu.memref_slice %arg3[%add3A_109, %dma_start3A_166] : memref<2560x128xi32, #tpu.memory_space<hbm>> -> memref<8x128xi32, #tpu.memory_space<hbm>>
        %dma_start3A_168 = arith.constant 0 : i32
        %dma_start3A_169 = arith.constant 0 : i32
        %dma_start3A_170 = tpu.memref_slice %arg6[%rem3A_106, %dma_start3A_168, %dma_start3A_169] : memref<2x8x128xi32, #tpu.memory_space<vmem>> -> memref<1x8x128xi32, #tpu.memory_space<vmem>>
        %dma_start3A_171 = tpu.memref_squeeze %dma_start3A_170 : memref<1x8x128xi32, #tpu.memory_space<vmem>> -> memref<8x128xi32, #tpu.memory_space<vmem>>
        %dma_start3A_172 = arith.constant 0 : i32
        %dma_start3A_173 = tpu.memref_slice %arg3[%add3A_109, %dma_start3A_172] : memref<2560x128xi32, #tpu.memory_space<hbm>> -> memref<8x128xi32, #tpu.memory_space<hbm>>
        tpu.enqueue_dma source(%dma_start3A_173 : memref<8x128xi32, #tpu.memory_space<hbm>>) target(%dma_start3A_171 : memref<8x128xi32, #tpu.memory_space<vmem>>) target_semaphore(%arg11 : memref<!tpu.dma_semaphore, #tpu.memory_space<semaphore_mem>>)
        %dma_start3A_174 = arith.constant 0 : i32
        %dma_start3A_175 = arith.constant 0 : i32
        %dma_start3A_176 = tpu.memref_slice %arg7[%rem3A_106, %dma_start3A_174, %dma_start3A_175] : memref<2x8x128xi32, #tpu.memory_space<vmem>> -> memref<1x8x128xi32, #tpu.memory_space<vmem>>
        %dma_start3A_177 = tpu.memref_squeeze %dma_start3A_176 : memref<1x8x128xi32, #tpu.memory_space<vmem>> -> memref<8x128xi32, #tpu.memory_space<vmem>>
        %dma_start3A_178 = arith.constant 0 : i32
        %dma_start3A_179 = tpu.memref_slice %arg4[%add3A_109, %dma_start3A_178] : memref<2560x128xi32, #tpu.memory_space<hbm>> -> memref<8x128xi32, #tpu.memory_space<hbm>>
        %dma_start3A_180 = arith.constant 0 : i32
        %dma_start3A_181 = arith.constant 0 : i32
        %dma_start3A_182 = tpu.memref_slice %arg7[%rem3A_106, %dma_start3A_180, %dma_start3A_181] : memref<2x8x128xi32, #tpu.memory_space<vmem>> -> memref<1x8x128xi32, #tpu.memory_space<vmem>>
        %dma_start3A_183 = tpu.memref_squeeze %dma_start3A_182 : memref<1x8x128xi32, #tpu.memory_space<vmem>> -> memref<8x128xi32, #tpu.memory_space<vmem>>
        %dma_start3A_184 = arith.constant 0 : i32
        %dma_start3A_185 = tpu.memref_slice %arg4[%add3A_109, %dma_start3A_184] : memref<2560x128xi32, #tpu.memory_space<hbm>> -> memref<8x128xi32, #tpu.memory_space<hbm>>
        tpu.enqueue_dma source(%dma_start3A_185 : memref<8x128xi32, #tpu.memory_space<hbm>>) target(%dma_start3A_183 : memref<8x128xi32, #tpu.memory_space<vmem>>) target_semaphore(%arg11 : memref<!tpu.dma_semaphore, #tpu.memory_space<semaphore_mem>>)
      } else {
      }
      %dma_wait3A_115 = arith.constant 0 : i32
      %dma_wait3A_116 = arith.constant 0 : i32
      %dma_wait3A_117 = tpu.memref_slice %arg8[%rem3A_96, %dma_wait3A_115, %dma_wait3A_116] : memref<2x128x48xf32, #tpu.memory_space<vmem>> -> memref<1x128x48xf32, #tpu.memory_space<vmem>>
      %dma_wait3A_118 = tpu.memref_squeeze %dma_wait3A_117 : memref<1x128x48xf32, #tpu.memory_space<vmem>> -> memref<128x48xf32, #tpu.memory_space<vmem>>
      %dma_wait3A_119 = arith.constant 0 : i32
      %dma_wait3A_120 = arith.constant 0 : i32
      %dma_wait3A_121 = tpu.memref_slice %arg6[%rem3A_102, %dma_wait3A_119, %dma_wait3A_120] : memref<2x8x128xi32, #tpu.memory_space<vmem>> -> memref<1x8x128xi32, #tpu.memory_space<vmem>>
      %dma_wait3A_122 = tpu.memref_squeeze %dma_wait3A_121 : memref<1x8x128xi32, #tpu.memory_space<vmem>> -> memref<8x128xi32, #tpu.memory_space<vmem>>
      %dma_wait3A_123 = arith.constant 0 : i32
      %dma_wait3A_124 = tpu.memref_slice %dma_wait3A_122[%rem3A_98, %dma_wait3A_123] : memref<8x128xi32, #tpu.memory_space<vmem>> -> memref<1x128xi32, #tpu.memory_space<vmem>>
      %dma_wait3A_125 = tpu.memref_squeeze %dma_wait3A_124 : memref<1x128xi32, #tpu.memory_space<vmem>> -> memref<128xi32, #tpu.memory_space<vmem>>
      %dma_wait3A_126 = arith.constant 0 : i32
      %dma_wait3A_127 = arith.constant 0 : i32
      %dma_wait3A_128 = tpu.memref_slice %arg2[%dma_wait3A_126, %dma_wait3A_127] : memref<10240x48xf32, #tpu.memory_space<hbm>> -> memref<10240x48xf32, #tpu.memory_space<hbm>>
      tpu.wait_indirect_dma semaphore(%arg10 : memref<!tpu.dma_semaphore, #tpu.memory_space<semaphore_mem>>) src(%dma_wait3A_128 : memref<10240x48xf32, #tpu.memory_space<hbm>>) dst(%dma_wait3A_118 : memref<128x48xf32, #tpu.memory_space<vmem>>)
      %eq3A_129 = arith.constant 7 : i32
      %eq3A_130 = arith.cmpi eq, %rem3A_98, %eq3A_129 : i32
      %add3A_131 = arith.constant 1 : i32
      %add3A_132 = arith.addi %while3A_94, %add3A_131 : i32
      %lt3A_133 = arith.cmpi slt, %add3A_132, %select_n3A_8 : i32
      %and3A_134 = arith.andi %eq3A_130, %lt3A_133 : i1
      %convert_element_type3A_135 = arith.extui %and3A_134 : i1 to i32
      %cond3A_136 = arith.constant 0 : i32
      %cond3A_137 = arith.cmpi ne, %convert_element_type3A_135, %cond3A_136 : i32
      scf.if %cond3A_137 {
        %add3A_162 = arith.addi %select_n3A, %while3A_94 : i32
        %add3A_163 = arith.constant 1 : i32
        %add3A_164 = arith.addi %add3A_162, %add3A_163 : i32
        %dma_wait3A_165 = arith.constant 0 : i32
        %dma_wait3A_166 = arith.constant 0 : i32
        %dma_wait3A_167 = tpu.memref_slice %arg6[%rem3A_106, %dma_wait3A_165, %dma_wait3A_166] : memref<2x8x128xi32, #tpu.memory_space<vmem>> -> memref<1x8x128xi32, #tpu.memory_space<vmem>>
        %dma_wait3A_168 = tpu.memref_squeeze %dma_wait3A_167 : memref<1x8x128xi32, #tpu.memory_space<vmem>> -> memref<8x128xi32, #tpu.memory_space<vmem>>
        %dma_wait3A_169 = arith.constant 0 : i32
        %dma_wait3A_170 = tpu.memref_slice %arg3[%add3A_164, %dma_wait3A_169] : memref<2560x128xi32, #tpu.memory_space<hbm>> -> memref<8x128xi32, #tpu.memory_space<hbm>>
        %dma_wait3A_171 = arith.constant 0 : i32
        %dma_wait3A_172 = arith.constant 0 : i32
        %dma_wait3A_173 = tpu.memref_slice %arg6[%rem3A_106, %dma_wait3A_171, %dma_wait3A_172] : memref<2x8x128xi32, #tpu.memory_space<vmem>> -> memref<1x8x128xi32, #tpu.memory_space<vmem>>
        %dma_wait3A_174 = tpu.memref_squeeze %dma_wait3A_173 : memref<1x8x128xi32, #tpu.memory_space<vmem>> -> memref<8x128xi32, #tpu.memory_space<vmem>>
        %dma_wait3A_175 = arith.constant 0 : i32
        %dma_wait3A_176 = tpu.memref_slice %arg3[%add3A_164, %dma_wait3A_175] : memref<2560x128xi32, #tpu.memory_space<hbm>> -> memref<8x128xi32, #tpu.memory_space<hbm>>
        tpu.wait_dma2 semaphore(%arg11 : memref<!tpu.dma_semaphore, #tpu.memory_space<semaphore_mem>>) src(%dma_wait3A_176 : memref<8x128xi32, #tpu.memory_space<hbm>>) dst(%dma_wait3A_174 : memref<8x128xi32, #tpu.memory_space<vmem>>)
        %dma_wait3A_177 = arith.constant 0 : i32
        %dma_wait3A_178 = arith.constant 0 : i32
        %dma_wait3A_179 = tpu.memref_slice %arg7[%rem3A_106, %dma_wait3A_177, %dma_wait3A_178] : memref<2x8x128xi32, #tpu.memory_space<vmem>> -> memref<1x8x128xi32, #tpu.memory_space<vmem>>
        %dma_wait3A_180 = tpu.memref_squeeze %dma_wait3A_179 : memref<1x8x128xi32, #tpu.memory_space<vmem>> -> memref<8x128xi32, #tpu.memory_space<vmem>>
        %dma_wait3A_181 = arith.constant 0 : i32
        %dma_wait3A_182 = tpu.memref_slice %arg4[%add3A_164, %dma_wait3A_181] : memref<2560x128xi32, #tpu.memory_space<hbm>> -> memref<8x128xi32, #tpu.memory_space<hbm>>
        %dma_wait3A_183 = arith.constant 0 : i32
        %dma_wait3A_184 = arith.constant 0 : i32
        %dma_wait3A_185 = tpu.memref_slice %arg7[%rem3A_106, %dma_wait3A_183, %dma_wait3A_184] : memref<2x8x128xi32, #tpu.memory_space<vmem>> -> memref<1x8x128xi32, #tpu.memory_space<vmem>>
        %dma_wait3A_186 = tpu.memref_squeeze %dma_wait3A_185 : memref<1x8x128xi32, #tpu.memory_space<vmem>> -> memref<8x128xi32, #tpu.memory_space<vmem>>
        %dma_wait3A_187 = arith.constant 0 : i32
        %dma_wait3A_188 = tpu.memref_slice %arg4[%add3A_164, %dma_wait3A_187] : memref<2560x128xi32, #tpu.memory_space<hbm>> -> memref<8x128xi32, #tpu.memory_space<hbm>>
        tpu.wait_dma2 semaphore(%arg11 : memref<!tpu.dma_semaphore, #tpu.memory_space<semaphore_mem>>) src(%dma_wait3A_188 : memref<8x128xi32, #tpu.memory_space<hbm>>) dst(%dma_wait3A_186 : memref<8x128xi32, #tpu.memory_space<vmem>>)
      } else {
      }
      %ge3A = arith.constant 1 : i32
      %ge3A_138 = arith.cmpi sge, %while3A_94, %ge3A : i32
      %convert_element_type3A_139 = arith.extui %ge3A_138 : i1 to i32
      %cond3A_140 = arith.constant 0 : i32
      %cond3A_141 = arith.cmpi ne, %convert_element_type3A_139, %cond3A_140 : i32
      scf.if %cond3A_141 {
        %sub3A_162 = arith.constant 1 : i32
        %sub3A_163 = arith.subi %while3A_94, %sub3A_162 : i32
        %rem3A_164 = arith.constant 8 : i32
        %rem3A_165 = arith.remsi %sub3A_163, %rem3A_164 : i32
        %sub3A_166 = arith.constant 1 : i32
        %sub3A_167 = arith.subi %while3A_94, %sub3A_166 : i32
        %div3A_168 = arith.constant 8 : i32
        %div3A_169 = arith.divsi %sub3A_167, %div3A_168 : i32
        %rem3A_170 = arith.constant 2 : i32
        %rem3A_171 = arith.remsi %div3A_169, %rem3A_170 : i32
        %add3A_172 = arith.constant 1 : i32
        %add3A_173 = arith.addi %while3A_94, %add3A_172 : i32
        %rem3A_174 = arith.constant 2 : i32
        %rem3A_175 = arith.remsi %add3A_173, %rem3A_174 : i32
        %dma_wait3A_176 = arith.constant 0 : i32
        %dma_wait3A_177 = arith.constant 0 : i32
        %dma_wait3A_178 = tpu.memref_slice %arg8[%rem3A_175, %dma_wait3A_176, %dma_wait3A_177] : memref<2x128x48xf32, #tpu.memory_space<vmem>> -> memref<1x128x48xf32, #tpu.memory_space<vmem>>
        %dma_wait3A_179 = tpu.memref_squeeze %dma_wait3A_178 : memref<1x128x48xf32, #tpu.memory_space<vmem>> -> memref<128x48xf32, #tpu.memory_space<vmem>>
        %dma_wait3A_180 = arith.constant 0 : i32
        %dma_wait3A_181 = arith.constant 0 : i32
        %dma_wait3A_182 = tpu.memref_slice %arg7[%rem3A_171, %dma_wait3A_180, %dma_wait3A_181] : memref<2x8x128xi32, #tpu.memory_space<vmem>> -> memref<1x8x128xi32, #tpu.memory_space<vmem>>
        %dma_wait3A_183 = tpu.memref_squeeze %dma_wait3A_182 : memref<1x8x128xi32, #tpu.memory_space<vmem>> -> memref<8x128xi32, #tpu.memory_space<vmem>>
        %dma_wait3A_184 = arith.constant 0 : i32
        %dma_wait3A_185 = tpu.memref_slice %dma_wait3A_183[%rem3A_165, %dma_wait3A_184] : memref<8x128xi32, #tpu.memory_space<vmem>> -> memref<1x128xi32, #tpu.memory_space<vmem>>
        %dma_wait3A_186 = tpu.memref_squeeze %dma_wait3A_185 : memref<1x128xi32, #tpu.memory_space<vmem>> -> memref<128xi32, #tpu.memory_space<vmem>>
        %dma_wait3A_187 = arith.constant 0 : i32
        %dma_wait3A_188 = arith.constant 0 : i32
        %dma_wait3A_189 = tpu.memref_slice %arg9[%dma_wait3A_187, %dma_wait3A_188] : memref<10240x48xf32, #tpu.memory_space<vmem_shared>> -> memref<10240x48xf32, #tpu.memory_space<vmem_shared>>
        tpu.wait_indirect_dma semaphore(%arg12 : memref<!tpu.dma_semaphore, #tpu.memory_space<semaphore_mem>>) src(%dma_wait3A_179 : memref<128x48xf32, #tpu.memory_space<vmem>>) dst(%dma_wait3A_189 : memref<10240x48xf32, #tpu.memory_space<vmem_shared>>)
      } else {
      }
      %add3A_142 = arith.constant 1 : i32
      %add3A_143 = arith.addi %while3A_94, %add3A_142 : i32
      %lt3A_144 = arith.cmpi slt, %add3A_143, %select_n3A_8 : i32
      %convert_element_type3A_145 = arith.extui %lt3A_144 : i1 to i32
      %cond3A_146 = arith.constant 0 : i32
      %cond3A_147 = arith.cmpi ne, %convert_element_type3A_145, %cond3A_146 : i32
      scf.if %cond3A_147 {
        %add3A_162 = arith.constant 1 : i32
        %add3A_163 = arith.addi %while3A_94, %add3A_162 : i32
        %rem3A_164 = arith.constant 8 : i32
        %rem3A_165 = arith.remsi %add3A_163, %rem3A_164 : i32
        %add3A_166 = arith.constant 1 : i32
        %add3A_167 = arith.addi %while3A_94, %add3A_166 : i32
        %div3A_168 = arith.constant 8 : i32
        %div3A_169 = arith.divsi %add3A_167, %div3A_168 : i32
        %rem3A_170 = arith.constant 2 : i32
        %rem3A_171 = arith.remsi %div3A_169, %rem3A_170 : i32
        %add3A_172 = arith.constant 1 : i32
        %add3A_173 = arith.addi %while3A_94, %add3A_172 : i32
        %rem3A_174 = arith.constant 2 : i32
        %rem3A_175 = arith.remsi %add3A_173, %rem3A_174 : i32
        %dma_start3A_176 = arith.constant 0 : i32
        %dma_start3A_177 = arith.constant 0 : i32
        %dma_start3A_178 = tpu.memref_slice %arg8[%rem3A_175, %dma_start3A_176, %dma_start3A_177] : memref<2x128x48xf32, #tpu.memory_space<vmem>> -> memref<1x128x48xf32, #tpu.memory_space<vmem>>
        %dma_start3A_179 = tpu.memref_squeeze %dma_start3A_178 : memref<1x128x48xf32, #tpu.memory_space<vmem>> -> memref<128x48xf32, #tpu.memory_space<vmem>>
        %dma_start3A_180 = arith.constant 0 : i32
        %dma_start3A_181 = arith.constant 0 : i32
        %dma_start3A_182 = tpu.memref_slice %arg6[%rem3A_171, %dma_start3A_180, %dma_start3A_181] : memref<2x8x128xi32, #tpu.memory_space<vmem>> -> memref<1x8x128xi32, #tpu.memory_space<vmem>>
        %dma_start3A_183 = tpu.memref_squeeze %dma_start3A_182 : memref<1x8x128xi32, #tpu.memory_space<vmem>> -> memref<8x128xi32, #tpu.memory_space<vmem>>
        %dma_start3A_184 = arith.constant 0 : i32
        %dma_start3A_185 = tpu.memref_slice %dma_start3A_183[%rem3A_165, %dma_start3A_184] : memref<8x128xi32, #tpu.memory_space<vmem>> -> memref<1x128xi32, #tpu.memory_space<vmem>>
        %dma_start3A_186 = tpu.memref_squeeze %dma_start3A_185 : memref<1x128xi32, #tpu.memory_space<vmem>> -> memref<128xi32, #tpu.memory_space<vmem>>
        %dma_start3A_187 = arith.constant 0 : i32
        %dma_start3A_188 = arith.constant 0 : i32
        %dma_start3A_189 = tpu.memref_slice %arg2[%dma_start3A_187, %dma_start3A_188] : memref<10240x48xf32, #tpu.memory_space<hbm>> -> memref<10240x48xf32, #tpu.memory_space<hbm>>
        tpu.enqueue_indirect_dma source(%dma_start3A_189 : memref<10240x48xf32, #tpu.memory_space<hbm>>) target(%dma_start3A_179 : memref<128x48xf32, #tpu.memory_space<vmem>>) offsets(%dma_start3A_186 : memref<128xi32, #tpu.memory_space<vmem>>) semaphore(%arg10 : memref<!tpu.dma_semaphore, #tpu.memory_space<semaphore_mem>>)
      } else {
      }
      %dma_start3A_148 = arith.constant 0 : i32
      %dma_start3A_149 = arith.constant 0 : i32
      %dma_start3A_150 = tpu.memref_slice %arg8[%rem3A_96, %dma_start3A_148, %dma_start3A_149] : memref<2x128x48xf32, #tpu.memory_space<vmem>> -> memref<1x128x48xf32, #tpu.memory_space<vmem>>
      %dma_start3A_151 = tpu.memref_squeeze %dma_start3A_150 : memref<1x128x48xf32, #tpu.memory_space<vmem>> -> memref<128x48xf32, #tpu.memory_space<vmem>>
      %dma_start3A_152 = arith.constant 0 : i32
      %dma_start3A_153 = arith.constant 0 : i32
      %dma_start3A_154 = tpu.memref_slice %arg7[%rem3A_102, %dma_start3A_152, %dma_start3A_153] : memref<2x8x128xi32, #tpu.memory_space<vmem>> -> memref<1x8x128xi32, #tpu.memory_space<vmem>>
      %dma_start3A_155 = tpu.memref_squeeze %dma_start3A_154 : memref<1x8x128xi32, #tpu.memory_space<vmem>> -> memref<8x128xi32, #tpu.memory_space<vmem>>
      %dma_start3A_156 = arith.constant 0 : i32
      %dma_start3A_157 = tpu.memref_slice %dma_start3A_155[%rem3A_98, %dma_start3A_156] : memref<8x128xi32, #tpu.memory_space<vmem>> -> memref<1x128xi32, #tpu.memory_space<vmem>>
      %dma_start3A_158 = tpu.memref_squeeze %dma_start3A_157 : memref<1x128xi32, #tpu.memory_space<vmem>> -> memref<128xi32, #tpu.memory_space<vmem>>
      %dma_start3A_159 = arith.constant 0 : i32
      %dma_start3A_160 = arith.constant 0 : i32
      %dma_start3A_161 = tpu.memref_slice %arg9[%dma_start3A_159, %dma_start3A_160] : memref<10240x48xf32, #tpu.memory_space<vmem_shared>> -> memref<10240x48xf32, #tpu.memory_space<vmem_shared>>
      tpu.enqueue_indirect_dma source(%dma_start3A_151 : memref<128x48xf32, #tpu.memory_space<vmem>>) target(%dma_start3A_161 : memref<10240x48xf32, #tpu.memory_space<vmem_shared>>) offsets(%dma_start3A_158 : memref<128xi32, #tpu.memory_space<vmem>>) semaphore(%arg12 : memref<!tpu.dma_semaphore, #tpu.memory_space<semaphore_mem>>) {add = true}
    }
    %sub3A = arith.constant 1 : i32
    %sub3A_65 = arith.subi %select_n3A_8, %sub3A : i32
    %rem3A = arith.constant 8 : i32
    %rem3A_66 = arith.remsi %sub3A_65, %rem3A : i32
    %sub3A_67 = arith.constant 1 : i32
    %sub3A_68 = arith.subi %select_n3A_8, %sub3A_67 : i32
    %div3A = arith.constant 8 : i32
    %div3A_69 = arith.divsi %sub3A_68, %div3A : i32
    %rem3A_70 = arith.constant 2 : i32
    %rem3A_71 = arith.remsi %div3A_69, %rem3A_70 : i32
    %sub3A_72 = arith.constant 1 : i32
    %sub3A_73 = arith.subi %select_n3A_8, %sub3A_72 : i32
    %rem3A_74 = arith.constant 2 : i32
    %rem3A_75 = arith.remsi %sub3A_73, %rem3A_74 : i32
    %dma_wait3A = arith.constant 0 : i32
    %dma_wait3A_76 = arith.constant 0 : i32
    %dma_wait3A_77 = tpu.memref_slice %arg8[%rem3A_75, %dma_wait3A, %dma_wait3A_76] : memref<2x128x48xf32, #tpu.memory_space<vmem>> -> memref<1x128x48xf32, #tpu.memory_space<vmem>>
    %dma_wait3A_78 = tpu.memref_squeeze %dma_wait3A_77 : memref<1x128x48xf32, #tpu.memory_space<vmem>> -> memref<128x48xf32, #tpu.memory_space<vmem>>
    %dma_wait3A_79 = arith.constant 0 : i32
    %dma_wait3A_80 = arith.constant 0 : i32
    %dma_wait3A_81 = tpu.memref_slice %arg7[%rem3A_71, %dma_wait3A_79, %dma_wait3A_80] : memref<2x8x128xi32, #tpu.memory_space<vmem>> -> memref<1x8x128xi32, #tpu.memory_space<vmem>>
    %dma_wait3A_82 = tpu.memref_squeeze %dma_wait3A_81 : memref<1x8x128xi32, #tpu.memory_space<vmem>> -> memref<8x128xi32, #tpu.memory_space<vmem>>
    %dma_wait3A_83 = arith.constant 0 : i32
    %dma_wait3A_84 = tpu.memref_slice %dma_wait3A_82[%rem3A_66, %dma_wait3A_83] : memref<8x128xi32, #tpu.memory_space<vmem>> -> memref<1x128xi32, #tpu.memory_space<vmem>>
    %dma_wait3A_85 = tpu.memref_squeeze %dma_wait3A_84 : memref<1x128xi32, #tpu.memory_space<vmem>> -> memref<128xi32, #tpu.memory_space<vmem>>
    %dma_wait3A_86 = arith.constant 0 : i32
    %dma_wait3A_87 = arith.constant 0 : i32
    %dma_wait3A_88 = tpu.memref_slice %arg9[%dma_wait3A_86, %dma_wait3A_87] : memref<10240x48xf32, #tpu.memory_space<vmem_shared>> -> memref<10240x48xf32, #tpu.memory_space<vmem_shared>>
    tpu.wait_indirect_dma semaphore(%arg12 : memref<!tpu.dma_semaphore, #tpu.memory_space<semaphore_mem>>) src(%dma_wait3A_78 : memref<128x48xf32, #tpu.memory_space<vmem>>) dst(%dma_wait3A_88 : memref<10240x48xf32, #tpu.memory_space<vmem_shared>>)
    %barrier3A_89 = arith.constant 0 : index
    tpu.barrier barrier_id(%barrier3A_89)
    %mul3A_90 = arith.constant 640 : i32
    %mul3A_91 = arith.muli %arg1, %mul3A_90 : i32
    %mul3A_92 = arith.constant 640 : i32
    %mul3A_93 = arith.muli %arg1, %mul3A_92 : i32
    "tpu.region"() ({
      %run_scoped3A_94 = tpu.sem_alloc : memref<!tpu.dma_semaphore, #tpu.memory_space<semaphore_mem>>
      %dma_start3A_95 = arith.constant 0 : i32
      %dma_start3A_96 = arith.constant 0 : i32
      %dma_start3A_97 = tpu.memref_slice %arg5[%arg0, %dma_start3A_95, %dma_start3A_96] : memref<2x10240x48xf32, #tpu.memory_space<hbm>> -> memref<1x10240x48xf32, #tpu.memory_space<hbm>>
      %dma_start3A_98 = tpu.memref_squeeze %dma_start3A_97 : memref<1x10240x48xf32, #tpu.memory_space<hbm>> -> memref<10240x48xf32, #tpu.memory_space<hbm>>
      %dma_start3A_99 = arith.constant 0 : i32
      %dma_start3A_100 = tpu.memref_slice %dma_start3A_98[%mul3A_93, %dma_start3A_99] : memref<10240x48xf32, #tpu.memory_space<hbm>> -> memref<640x48xf32, #tpu.memory_space<hbm>>
      %dma_start3A_101 = arith.constant 0 : i32
      %dma_start3A_102 = tpu.memref_slice %arg9[%mul3A_91, %dma_start3A_101] : memref<10240x48xf32, #tpu.memory_space<vmem_shared>> -> memref<640x48xf32, #tpu.memory_space<vmem_shared>>
      tpu.enqueue_dma source(%dma_start3A_102 : memref<640x48xf32, #tpu.memory_space<vmem_shared>>) target(%dma_start3A_100 : memref<640x48xf32, #tpu.memory_space<hbm>>) target_semaphore(%run_scoped3A_94 : memref<!tpu.dma_semaphore, #tpu.memory_space<semaphore_mem>>)
      %dma_wait3A_103 = arith.constant 0 : i32
      %dma_wait3A_104 = arith.constant 0 : i32
      %dma_wait3A_105 = tpu.memref_slice %arg5[%arg0, %dma_wait3A_103, %dma_wait3A_104] : memref<2x10240x48xf32, #tpu.memory_space<hbm>> -> memref<1x10240x48xf32, #tpu.memory_space<hbm>>
      %dma_wait3A_106 = tpu.memref_squeeze %dma_wait3A_105 : memref<1x10240x48xf32, #tpu.memory_space<hbm>> -> memref<10240x48xf32, #tpu.memory_space<hbm>>
      %dma_wait3A_107 = arith.constant 0 : i32
      %dma_wait3A_108 = tpu.memref_slice %dma_wait3A_106[%mul3A_93, %dma_wait3A_107] : memref<10240x48xf32, #tpu.memory_space<hbm>> -> memref<640x48xf32, #tpu.memory_space<hbm>>
      %dma_wait3A_109 = arith.constant 0 : i32
      %dma_wait3A_110 = tpu.memref_slice %arg9[%mul3A_91, %dma_wait3A_109] : memref<10240x48xf32, #tpu.memory_space<vmem_shared>> -> memref<640x48xf32, #tpu.memory_space<vmem_shared>>
      tpu.wait_dma2 semaphore(%run_scoped3A_94 : memref<!tpu.dma_semaphore, #tpu.memory_space<semaphore_mem>>) src(%dma_wait3A_110 : memref<640x48xf32, #tpu.memory_space<vmem_shared>>) dst(%dma_wait3A_108 : memref<640x48xf32, #tpu.memory_space<hbm>>)
      tpu.yield
    }) : () -> ()
    return
  }
}

module attributes {stable_mosaic.version = 14 : i64} {
  func.func @_tc1_body(%arg0: i32, %arg1: memref<2048x128xf32, #tpu.memory_space<vmem>>, %arg2: memref<128x128xf32, #tpu.memory_space<vmem>>, %arg3: memref<2048x16xf32, #tpu.memory_space<vmem>>, %arg4: memref<2048x16xf32, #tpu.memory_space<vmem>>, %arg5: memref<2048x128xf32, #tpu.memory_space<vmem>>, %arg6: memref<2048x128xf32, #tpu.memory_space<vmem>>) attributes {dimension_semantics = [#tpu.dimension_semantics<arbitrary>], iteration_bounds = array<i64: 5>, scalar_prefetch = 0 : i64, scratch_operands = 0 : i64, tpu.core_type = #tpu.core_type<tc>, window_params = [{transform_indices = @transform_0, window_bounds = array<i64: 2048, 128>}, {pipeline_mode = #tpu.pipeline_mode<synchronous>, transform_indices = @transform_1, window_bounds = array<i64: 128, 128>}, {transform_indices = @transform_2, window_bounds = array<i64: 2048, 16>}, {transform_indices = @transform_3, window_bounds = array<i64: 2048, 16>}, {transform_indices = @transform_4, window_bounds = array<i64: 2048, 128>}, {transform_indices = @transform_5, window_bounds = array<i64: 2048, 128>}]} {
    %get3A = arith.constant 0 : index
    %get3A_0 = arith.constant 0 : index
    %get3A_1 = vector.load %arg3[%get3A, %get3A_0] : memref<2048x16xf32, #tpu.memory_space<vmem>>, vector<2048x16xf32>
    %get3A_2 = arith.constant 0 : index
    %get3A_3 = arith.constant 0 : index
    %get3A_4 = vector.load %arg4[%get3A_2, %get3A_3] : memref<2048x16xf32, #tpu.memory_space<vmem>>, vector<2048x16xf32>
    %slice3A = vector.extract_strided_slice %get3A_1 {offsets = [0, 0], sizes = [2048, 1], strides = [1, 1]} : vector<2048x16xf32> to vector<2048x1xf32>
    %squeeze3A = vector.shape_cast %slice3A : vector<2048x1xf32> to vector<2048xf32>
    %slice3A_5 = vector.extract_strided_slice %get3A_4 {offsets = [0, 0], sizes = [2048, 1], strides = [1, 1]} : vector<2048x16xf32> to vector<2048x1xf32>
    %squeeze3A_6 = vector.shape_cast %slice3A_5 : vector<2048x1xf32> to vector<2048xf32>
    %add3A = arith.addf %squeeze3A, %squeeze3A_6 : vector<2048xf32>
    %add3A_7 = arith.constant 1.000000e+00 : f32
    %add3A_8 = vector.broadcast %add3A_7 : f32 to vector<2048xf32>
    %add3A_9 = arith.addf %add3A, %add3A_8 : vector<2048xf32>
    %rsqrt3A = math.rsqrt %add3A_9 : vector<2048xf32>
    %get3A_10 = arith.constant 0 : index
    %get3A_11 = arith.constant 0 : index
    %get3A_12 = vector.load %arg1[%get3A_10, %get3A_11] : memref<2048x128xf32, #tpu.memory_space<vmem>>, vector<2048x128xf32>
    %get3A_13 = arith.constant 0 : index
    %get3A_14 = arith.constant 0 : index
    %get3A_15 = vector.load %arg2[%get3A_13, %get3A_14] : memref<128x128xf32, #tpu.memory_space<vmem>>, vector<128x128xf32>
    %dot_general3A = arith.constant dense<0.000000e+00> : vector<2048x128xf32>
    %dot_general3A_16 = tpu.matmul %get3A_12, %get3A_15, %dot_general3A {dimension_numbers = #tpu.dot_dimension_numbers<[1], [0], [0], [1], [0, 0, 1, 1], [], []>, transpose_lhs_hint = false} : vector<2048x128xf32>, vector<128x128xf32>, vector<2048x128xf32> -> vector<2048x128xf32>
    %swap3A = arith.constant 0 : index
    %swap3A_17 = arith.constant 0 : index
    %swap3A_18 = vector.load %arg5[%swap3A, %swap3A_17] : memref<2048x128xf32, #tpu.memory_space<vmem>>, vector<2048x128xf32>
    tpu.vector_store %arg5[%swap3A, %swap3A_17], %dot_general3A_16 {strides = array<i32>} : memref<2048x128xf32, #tpu.memory_space<vmem>>, vector<2048x128xf32>,
    %broadcast_in_dim3A = vector.shape_cast %rsqrt3A : vector<2048xf32> to vector<2048x1xf32>
    %mul3A = vector.broadcast %broadcast_in_dim3A : vector<2048x1xf32> to vector<2048x128xf32>
    %mul3A_19 = arith.mulf %dot_general3A_16, %mul3A : vector<2048x128xf32>
    %swap3A_20 = arith.constant 0 : index
    %swap3A_21 = arith.constant 0 : index
    %swap3A_22 = vector.load %arg6[%swap3A_20, %swap3A_21] : memref<2048x128xf32, #tpu.memory_space<vmem>>, vector<2048x128xf32>
    tpu.vector_store %arg6[%swap3A_20, %swap3A_21], %mul3A_19 {strides = array<i32>} : memref<2048x128xf32, #tpu.memory_space<vmem>>, vector<2048x128xf32>,
    return
  }
  func.func @transform_0(%arg0: i32) -> (i32, i32) {
    %c0_i32 = arith.constant 0 : i32
    %c0_i32_0 = arith.constant 0 : i32
    return %arg0, %c0_i32 : i32, i32
  }
  func.func @transform_1(%arg0: i32) -> (i32, i32) {
    %c0_i32 = arith.constant 0 : i32
    %c0_i32_0 = arith.constant 0 : i32
    %c0_i32_1 = arith.constant 0 : i32
    return %c0_i32, %c0_i32_0 : i32, i32
  }
  func.func @transform_2(%arg0: i32) -> (i32, i32) {
    %c0_i32 = arith.constant 0 : i32
    %c0_i32_0 = arith.constant 0 : i32
    return %arg0, %c0_i32 : i32, i32
  }
  func.func @transform_3(%arg0: i32) -> (i32, i32) {
    %c0_i32 = arith.constant 0 : i32
    %c0_i32_0 = arith.constant 0 : i32
    return %arg0, %c0_i32 : i32, i32
  }
  func.func @transform_4(%arg0: i32) -> (i32, i32) {
    %c0_i32 = arith.constant 0 : i32
    %c0_i32_0 = arith.constant 0 : i32
    return %arg0, %c0_i32 : i32, i32
  }
  func.func @transform_5(%arg0: i32) -> (i32, i32) {
    %c0_i32 = arith.constant 0 : i32
    %c0_i32_0 = arith.constant 0 : i32
    return %arg0, %c0_i32 : i32, i32
  }
}

module attributes {stable_mosaic.version = 14 : i64} {
  func.func @_tc2_body(%arg0: i32, %arg1: memref<2048x16xf32, #tpu.memory_space<vmem>>, %arg2: memref<2048x16xf32, #tpu.memory_space<vmem>>, %arg3: memref<2048x128xf32, #tpu.memory_space<vmem>>, %arg4: memref<2048x128xf32, #tpu.memory_space<vmem>>, %arg5: memref<2048x128xf32, #tpu.memory_space<vmem>>, %arg6: memref<1x128xf32, #tpu.memory_space<vmem>>, %arg7: memref<128x48xf32, #tpu.memory_space<vmem>>, %arg8: memref<2048x48xf32, #tpu.memory_space<vmem>>, %arg9: memref<2048x48xf32, #tpu.memory_space<vmem>>) attributes {dimension_semantics = [#tpu.dimension_semantics<arbitrary>], iteration_bounds = array<i64: 5>, scalar_prefetch = 0 : i64, scratch_operands = 0 : i64, tpu.core_type = #tpu.core_type<tc>, window_params = [{transform_indices = @transform_0, window_bounds = array<i64: 2048, 16>}, {transform_indices = @transform_1, window_bounds = array<i64: 2048, 16>}, {transform_indices = @transform_2, window_bounds = array<i64: 2048, 128>}, {transform_indices = @transform_3, window_bounds = array<i64: 2048, 128>}, {transform_indices = @transform_4, window_bounds = array<i64: 2048, 128>}, {pipeline_mode = #tpu.pipeline_mode<synchronous>, transform_indices = @transform_5, window_bounds = array<i64: 1, 128>}, {pipeline_mode = #tpu.pipeline_mode<synchronous>, transform_indices = @transform_6, window_bounds = array<i64: 128, 48>}, {transform_indices = @transform_7, window_bounds = array<i64: 2048, 48>}, {transform_indices = @transform_8, window_bounds = array<i64: 2048, 48>}]} {
    %get3A = arith.constant 0 : index
    %get3A_0 = arith.constant 0 : index
    %get3A_1 = vector.load %arg1[%get3A, %get3A_0] : memref<2048x16xf32, #tpu.memory_space<vmem>>, vector<2048x16xf32>
    %get3A_2 = arith.constant 0 : index
    %get3A_3 = arith.constant 0 : index
    %get3A_4 = vector.load %arg2[%get3A_2, %get3A_3] : memref<2048x16xf32, #tpu.memory_space<vmem>>, vector<2048x16xf32>
    %slice3A = vector.extract_strided_slice %get3A_1 {offsets = [0, 0], sizes = [2048, 1], strides = [1, 1]} : vector<2048x16xf32> to vector<2048x1xf32>
    %squeeze3A = vector.shape_cast %slice3A : vector<2048x1xf32> to vector<2048xf32>
    %slice3A_5 = vector.extract_strided_slice %get3A_4 {offsets = [0, 0], sizes = [2048, 1], strides = [1, 1]} : vector<2048x16xf32> to vector<2048x1xf32>
    %squeeze3A_6 = vector.shape_cast %slice3A_5 : vector<2048x1xf32> to vector<2048xf32>
    %add3A = arith.addf %squeeze3A, %squeeze3A_6 : vector<2048xf32>
    %add3A_7 = arith.constant 1.000000e+00 : f32
    %add3A_8 = vector.broadcast %add3A_7 : f32 to vector<2048xf32>
    %add3A_9 = arith.addf %add3A, %add3A_8 : vector<2048xf32>
    %rsqrt3A = math.rsqrt %add3A_9 : vector<2048xf32>
    %broadcast_in_dim3A = vector.shape_cast %rsqrt3A : vector<2048xf32> to vector<2048x1xf32>
    %get3A_10 = arith.constant 0 : index
    %get3A_11 = arith.constant 0 : index
    %get3A_12 = vector.load %arg3[%get3A_10, %get3A_11] : memref<2048x128xf32, #tpu.memory_space<vmem>>, vector<2048x128xf32>
    %get3A_13 = arith.constant 0 : index
    %get3A_14 = arith.constant 0 : index
    %get3A_15 = vector.load %arg4[%get3A_13, %get3A_14] : memref<2048x128xf32, #tpu.memory_space<vmem>>, vector<2048x128xf32>
    %add3A_16 = arith.addf %get3A_12, %get3A_15 : vector<2048x128xf32>
    %mul3A = vector.broadcast %broadcast_in_dim3A : vector<2048x1xf32> to vector<2048x128xf32>
    %mul3A_17 = arith.mulf %mul3A, %add3A_16 : vector<2048x128xf32>
    %mul3A_18 = arith.mulf %rsqrt3A, %rsqrt3A : vector<2048xf32>
    %broadcast_in_dim3A_19 = vector.shape_cast %mul3A_18 : vector<2048xf32> to vector<2048x1xf32>
    %get3A_20 = arith.constant 0 : index
    %get3A_21 = arith.constant 0 : index
    %get3A_22 = vector.load %arg5[%get3A_20, %get3A_21] : memref<2048x128xf32, #tpu.memory_space<vmem>>, vector<2048x128xf32>
    %mul3A_23 = vector.broadcast %broadcast_in_dim3A_19 : vector<2048x1xf32> to vector<2048x128xf32>
    %mul3A_24 = arith.mulf %mul3A_23, %get3A_22 : vector<2048x128xf32>
    %add3A_25 = arith.addf %mul3A_17, %mul3A_24 : vector<2048x128xf32>
    %get3A_26 = arith.constant 0 : index
    %get3A_27 = arith.constant 0 : index
    %get3A_28 = vector.load %arg6[%get3A_26, %get3A_27] : memref<1x128xf32, #tpu.memory_space<vmem>>, vector<1x128xf32>
    %add3A_29 = vector.broadcast %get3A_28 : vector<1x128xf32> to vector<2048x128xf32>
    %add3A_30 = arith.addf %add3A_25, %add3A_29 : vector<2048x128xf32>
    %get3A_31 = arith.constant 0 : index
    %get3A_32 = arith.constant 0 : index
    %get3A_33 = vector.load %arg7[%get3A_31, %get3A_32] : memref<128x48xf32, #tpu.memory_space<vmem>>, vector<128x48xf32>
    %dot_general3A = arith.constant dense<0.000000e+00> : vector<2048x48xf32>
    %dot_general3A_34 = tpu.matmul %add3A_30, %get3A_33, %dot_general3A {dimension_numbers = #tpu.dot_dimension_numbers<[1], [0], [0], [1], [0, 0, 1, 1], [], []>, transpose_lhs_hint = false} : vector<2048x128xf32>, vector<128x48xf32>, vector<2048x48xf32> -> vector<2048x48xf32>
    %swap3A = arith.constant 0 : index
    %swap3A_35 = arith.constant 0 : index
    %swap3A_36 = vector.load %arg8[%swap3A, %swap3A_35] : memref<2048x48xf32, #tpu.memory_space<vmem>>, vector<2048x48xf32>
    tpu.vector_store %arg8[%swap3A, %swap3A_35], %dot_general3A_34 {strides = array<i32>} : memref<2048x48xf32, #tpu.memory_space<vmem>>, vector<2048x48xf32>,
    %broadcast_in_dim3A_37 = vector.shape_cast %rsqrt3A : vector<2048xf32> to vector<2048x1xf32>
    %mul3A_38 = vector.broadcast %broadcast_in_dim3A_37 : vector<2048x1xf32> to vector<2048x48xf32>
    %mul3A_39 = arith.mulf %dot_general3A_34, %mul3A_38 : vector<2048x48xf32>
    %swap3A_40 = arith.constant 0 : index
    %swap3A_41 = arith.constant 0 : index
    %swap3A_42 = vector.load %arg9[%swap3A_40, %swap3A_41] : memref<2048x48xf32, #tpu.memory_space<vmem>>, vector<2048x48xf32>
    tpu.vector_store %arg9[%swap3A_40, %swap3A_41], %mul3A_39 {strides = array<i32>} : memref<2048x48xf32, #tpu.memory_space<vmem>>, vector<2048x48xf32>,
    return
  }
  func.func @transform_0(%arg0: i32) -> (i32, i32) {
    %c0_i32 = arith.constant 0 : i32
    %c0_i32_0 = arith.constant 0 : i32
    return %arg0, %c0_i32 : i32, i32
  }
  func.func @transform_1(%arg0: i32) -> (i32, i32) {
    %c0_i32 = arith.constant 0 : i32
    %c0_i32_0 = arith.constant 0 : i32
    return %arg0, %c0_i32 : i32, i32
  }
  func.func @transform_2(%arg0: i32) -> (i32, i32) {
    %c0_i32 = arith.constant 0 : i32
    %c0_i32_0 = arith.constant 0 : i32
    return %arg0, %c0_i32 : i32, i32
  }
  func.func @transform_3(%arg0: i32) -> (i32, i32) {
    %c0_i32 = arith.constant 0 : i32
    %c0_i32_0 = arith.constant 0 : i32
    return %arg0, %c0_i32 : i32, i32
  }
  func.func @transform_4(%arg0: i32) -> (i32, i32) {
    %c0_i32 = arith.constant 0 : i32
    %c0_i32_0 = arith.constant 0 : i32
    return %arg0, %c0_i32 : i32, i32
  }
  func.func @transform_5(%arg0: i32) -> (i32, i32) {
    %c0_i32 = arith.constant 0 : i32
    %c0_i32_0 = arith.constant 0 : i32
    %c0_i32_1 = arith.constant 0 : i32
    return %c0_i32, %c0_i32_0 : i32, i32
  }
  func.func @transform_6(%arg0: i32) -> (i32, i32) {
    %c0_i32 = arith.constant 0 : i32
    %c0_i32_0 = arith.constant 0 : i32
    %c0_i32_1 = arith.constant 0 : i32
    return %c0_i32, %c0_i32_0 : i32, i32
  }
  func.func @transform_7(%arg0: i32) -> (i32, i32) {
    %c0_i32 = arith.constant 0 : i32
    %c0_i32_0 = arith.constant 0 : i32
    return %arg0, %c0_i32 : i32, i32
  }
  func.func @transform_8(%arg0: i32) -> (i32, i32) {
    %c0_i32 = arith.constant 0 : i32
    %c0_i32_0 = arith.constant 0 : i32
    return %arg0, %c0_i32 : i32, i32
  }
}

module attributes {stable_mosaic.version = 14 : i64} {
  func.func @_tc3_body(%arg0: i32, %arg1: memref<2048x16xf32, #tpu.memory_space<vmem>>, %arg2: memref<2048x16xf32, #tpu.memory_space<vmem>>, %arg3: memref<2048x48xf32, #tpu.memory_space<vmem>>, %arg4: memref<2048x48xf32, #tpu.memory_space<vmem>>, %arg5: memref<2048x48xf32, #tpu.memory_space<vmem>>, %arg6: memref<1x48xf32, #tpu.memory_space<vmem>>, %arg7: memref<2048x48xf32, #tpu.memory_space<vmem>>) attributes {dimension_semantics = [#tpu.dimension_semantics<arbitrary>], iteration_bounds = array<i64: 5>, scalar_prefetch = 0 : i64, scratch_operands = 0 : i64, tpu.core_type = #tpu.core_type<tc>, window_params = [{transform_indices = @transform_0, window_bounds = array<i64: 2048, 16>}, {transform_indices = @transform_1, window_bounds = array<i64: 2048, 16>}, {transform_indices = @transform_2, window_bounds = array<i64: 2048, 48>}, {transform_indices = @transform_3, window_bounds = array<i64: 2048, 48>}, {transform_indices = @transform_4, window_bounds = array<i64: 2048, 48>}, {pipeline_mode = #tpu.pipeline_mode<synchronous>, transform_indices = @transform_5, window_bounds = array<i64: 1, 48>}, {transform_indices = @transform_6, window_bounds = array<i64: 2048, 48>}]} {
    %get3A = arith.constant 0 : index
    %get3A_0 = arith.constant 0 : index
    %get3A_1 = vector.load %arg1[%get3A, %get3A_0] : memref<2048x16xf32, #tpu.memory_space<vmem>>, vector<2048x16xf32>
    %get3A_2 = arith.constant 0 : index
    %get3A_3 = arith.constant 0 : index
    %get3A_4 = vector.load %arg2[%get3A_2, %get3A_3] : memref<2048x16xf32, #tpu.memory_space<vmem>>, vector<2048x16xf32>
    %slice3A = vector.extract_strided_slice %get3A_1 {offsets = [0, 0], sizes = [2048, 1], strides = [1, 1]} : vector<2048x16xf32> to vector<2048x1xf32>
    %squeeze3A = vector.shape_cast %slice3A : vector<2048x1xf32> to vector<2048xf32>
    %slice3A_5 = vector.extract_strided_slice %get3A_4 {offsets = [0, 0], sizes = [2048, 1], strides = [1, 1]} : vector<2048x16xf32> to vector<2048x1xf32>
    %squeeze3A_6 = vector.shape_cast %slice3A_5 : vector<2048x1xf32> to vector<2048xf32>
    %add3A = arith.addf %squeeze3A, %squeeze3A_6 : vector<2048xf32>
    %add3A_7 = arith.constant 1.000000e+00 : f32
    %add3A_8 = vector.broadcast %add3A_7 : f32 to vector<2048xf32>
    %add3A_9 = arith.addf %add3A, %add3A_8 : vector<2048xf32>
    %rsqrt3A = math.rsqrt %add3A_9 : vector<2048xf32>
    %broadcast_in_dim3A = vector.shape_cast %rsqrt3A : vector<2048xf32> to vector<2048x1xf32>
    %get3A_10 = arith.constant 0 : index
    %get3A_11 = arith.constant 0 : index
    %get3A_12 = vector.load %arg3[%get3A_10, %get3A_11] : memref<2048x48xf32, #tpu.memory_space<vmem>>, vector<2048x48xf32>
    %get3A_13 = arith.constant 0 : index
    %get3A_14 = arith.constant 0 : index
    %get3A_15 = vector.load %arg4[%get3A_13, %get3A_14] : memref<2048x48xf32, #tpu.memory_space<vmem>>, vector<2048x48xf32>
    %add3A_16 = arith.addf %get3A_12, %get3A_15 : vector<2048x48xf32>
    %mul3A = vector.broadcast %broadcast_in_dim3A : vector<2048x1xf32> to vector<2048x48xf32>
    %mul3A_17 = arith.mulf %mul3A, %add3A_16 : vector<2048x48xf32>
    %mul3A_18 = arith.mulf %rsqrt3A, %rsqrt3A : vector<2048xf32>
    %broadcast_in_dim3A_19 = vector.shape_cast %mul3A_18 : vector<2048xf32> to vector<2048x1xf32>
    %get3A_20 = arith.constant 0 : index
    %get3A_21 = arith.constant 0 : index
    %get3A_22 = vector.load %arg5[%get3A_20, %get3A_21] : memref<2048x48xf32, #tpu.memory_space<vmem>>, vector<2048x48xf32>
    %mul3A_23 = vector.broadcast %broadcast_in_dim3A_19 : vector<2048x1xf32> to vector<2048x48xf32>
    %mul3A_24 = arith.mulf %mul3A_23, %get3A_22 : vector<2048x48xf32>
    %add3A_25 = arith.addf %mul3A_17, %mul3A_24 : vector<2048x48xf32>
    %get3A_26 = arith.constant 0 : index
    %get3A_27 = arith.constant 0 : index
    %get3A_28 = vector.load %arg6[%get3A_26, %get3A_27] : memref<1x48xf32, #tpu.memory_space<vmem>>, vector<1x48xf32>
    %add3A_29 = vector.broadcast %get3A_28 : vector<1x48xf32> to vector<2048x48xf32>
    %add3A_30 = arith.addf %add3A_25, %add3A_29 : vector<2048x48xf32>
    %swap3A = arith.constant 0 : index
    %swap3A_31 = arith.constant 0 : index
    %swap3A_32 = vector.load %arg7[%swap3A, %swap3A_31] : memref<2048x48xf32, #tpu.memory_space<vmem>>, vector<2048x48xf32>
    tpu.vector_store %arg7[%swap3A, %swap3A_31], %add3A_30 {strides = array<i32>} : memref<2048x48xf32, #tpu.memory_space<vmem>>, vector<2048x48xf32>,
    return
  }
  func.func @transform_0(%arg0: i32) -> (i32, i32) {
    %c0_i32 = arith.constant 0 : i32
    %c0_i32_0 = arith.constant 0 : i32
    return %arg0, %c0_i32 : i32, i32
  }
  func.func @transform_1(%arg0: i32) -> (i32, i32) {
    %c0_i32 = arith.constant 0 : i32
    %c0_i32_0 = arith.constant 0 : i32
    return %arg0, %c0_i32 : i32, i32
  }
  func.func @transform_2(%arg0: i32) -> (i32, i32) {
    %c0_i32 = arith.constant 0 : i32
    %c0_i32_0 = arith.constant 0 : i32
    return %arg0, %c0_i32 : i32, i32
  }
  func.func @transform_3(%arg0: i32) -> (i32, i32) {
    %c0_i32 = arith.constant 0 : i32
    %c0_i32_0 = arith.constant 0 : i32
    return %arg0, %c0_i32 : i32, i32
  }
  func.func @transform_4(%arg0: i32) -> (i32, i32) {
    %c0_i32 = arith.constant 0 : i32
    %c0_i32_0 = arith.constant 0 : i32
    return %arg0, %c0_i32 : i32, i32
  }
  func.func @transform_5(%arg0: i32) -> (i32, i32) {
    %c0_i32 = arith.constant 0 : i32
    %c0_i32_0 = arith.constant 0 : i32
    %c0_i32_1 = arith.constant 0 : i32
    return %c0_i32, %c0_i32_0 : i32, i32
  }
  func.func @transform_6(%arg0: i32) -> (i32, i32) {
    %c0_i32 = arith.constant 0 : i32
    %c0_i32_0 = arith.constant 0 : i32
    return %arg0, %c0_i32 : i32, i32
  }
}

</mosaic_0001>

<sc_bundles>
// kernel: kernel.11.cloned.1.call-start
scs
__scs_entry_jumppad:
0x0: {  	(pc) =	sbr.rel $0x88, $3  }
0x1: {  	(tag) =	ssettag $0x0;
	lr =	simm.s32 $0x1  }
0x2: {  	[smem:$0x3F9B] =	sst lr;
	_ =	strace $0xD0000000  }
0x3: {  	_ = 	snop  }
0x4: {  	_ = 	snop  }
0x5: {  	_ = 	snop  }
0x6: {  	_ = 	snop  }
0x7: {  	_ = 	snop  }
__scs_overlays_trampoline_lowered:
0x8: {  	[smem:$0x3FAA] =	sst s0  }
0x9: {  	[smem:$0x3FAB] =	sst s1  }
0xa: {  	[smem:$0x3FAC] =	sst s2  }
0xb: {  	[smem:$0x3FAD] =	sst s3  }
0xc: {  	[smem:$0x3FAE] =	sst s4  }
0xd: {  	[smem:$0x3FAF] =	sst s5  }
0xe: {  	[smem:$0x3FB0] =	sst s6  }
0xf: {  	[smem:$0x3FB1] =	sst s7  }
0x10: {  	[smem:$0x3FB2] =	sst s8  }
0x11: {  	[smem:$0x3FB3] =	sst s9;
	s0 =	simm.s32 @!p0 $0x0  }
0x12: {  	s1 =	sld [smem:$0x3F99];
	s0 =	simm.s32 @p0 $0x1  }
0x13: {  	[smem:$0x3FB4] =	sst s0;
	s0 =	simm.s32 @!p1 $0x0  }
0x14: {  	s2 =	sld [smem:$0x3F98];
	s0 =	simm.s32 @p1 $0x1  }
0x15: {  	[smem:$0x3FB5] =	sst s0;
	s0 =	simm.s32 @!p2 $0x0  }
0x16: {  	s3 =	sld [smem:$0x3FDB];
	s0 =	simm.s32 @p2 $0x1  }
0x17: {  	s4 =	simm.s32 $0x1BF5;
	[smem:$0x3FB7] =	sst s0  }
0x18: {  	s0 =	sld [smem:$0x3F9A];
	_ =	swait.ge [sflag:s4], $0x0  }
0x19: {  	s7 =	sld [smem:$0x3F9B]  }
0x1a: {  	s8 =	sadd.s32 $0xFFFFE003, lr  }
0x1b: {  	s9 =	sadd.s32 $0xFFFFFEF7, lr;
	s5 =	simm.s32 $0xFFFFFFFF;
	p2 =	slt.u32 s8, $0xFFFFF086  }
0x1c: {  	p1 =	slt.u32 s9, $0xF7A;
	s5 =	simm.s32 @!p2 $0x0  }
0x1d: {  	s5 =	simm.s32 @p1 $0x1;
	p0 =	seq.s32 s7, s2  }
0x1e: {  	s7 =	smul.u32 @!p0 $0xF7A, s2;
	p2 =	seq.s32 @!p0 s5, $0x0  }
0x1f: {  	s9 =	smul.u32 $0xF7A, s1;
	s8 =	simm.s32 @!p0 $0x1BF5;
	p2 =	por !p2, p0  }
0x20: {  	[sflag:s8] =	ssyncset.s32 @!p0 $0xFFFFF086;
	s6 =	sadd.s32 @!p0 s3, s7;
	s7 =	simm.s32 @!p0 $0x108  }
0x21: {  	s3 =	sadd.s32 s3, s9;
	s6 =	sadd.s32 @!p0 $0x88, s6;
	s7 =	simm.s32 @p2 $0x1082  }
0x22: {  	[simem:s7], [sflag:s8] =	dma.local @!p0 [hbm:s6], $0xF7A  }
0x23: {  	s9 =	sor.u32 $0xD0000000, s2;
	s6 =	simm.s32 $0x108;
	_ =	swait.ge @!p0 [sflag:s8], $0x0  }
0x24: {  	s3 =	sadd.s32 $0x88, s3;
	s6 =	simm.s32 @!p1 $0x1082;
	[sflag:s4] =	ssyncset.s32 $0xFFFFF086  }
0x25: {  	[simem:s6], [sflag:s4] =	dma.local [hbm:s3], $0xF7A  }
0x26: {  	[smem:$0x3F9B] =	sst s1;
	(tag) =	ssettag s2;
	_ =	strace s9  }
0x27: {  	s1 =	sld [smem:$0x3FAB]  }
0x28: {  	s2 =	sld [smem:$0x3FAC]  }
0x29: {  	s4 =	sld [smem:$0x3FAE]  }
0x2a: {  	p0 =	seq.s32 s5, $0x0;
	s5 =	sld [smem:$0x3FAF]  }
0x2b: {  	s6 =	sld [smem:$0x3FB0]  }
0x2c: {  	s7 =	sld [smem:$0x3FB1]  }
0x2d: {  	s3 =	simm.s32 $0x108;
	s8 =	sld [smem:$0x3FB2]  }
0x2e: {  	s3 =	simm.s32 @!p0 $0x1082;
	s9 =	sld [smem:$0x3FB3]  }
0x2f: {  	lr =	sadd.s32 s0, s3;
	s0 =	sld [smem:$0x3FAA]  }
0x30: {  	s3 =	sld [smem:$0x3FAD]  }
0x31: {  	[smem:$0x3FB6] =	sst s10  }
0x32: {  	s10 =	sld [smem:$0x3FB4];
	_ =	sdelay $0x3  }
0x33: {  	p0 =	seq.s32 s10, $0x1;
	s10 =	sld [smem:$0x3FB6];
	_ =	sdelay $0x3  }
0x34: {  	[smem:$0x3FB6] =	sst s10  }
0x35: {  	s10 =	sld [smem:$0x3FB5];
	_ =	sdelay $0x3  }
0x36: {  	p1 =	seq.s32 s10, $0x1;
	s10 =	sld [smem:$0x3FB6];
	_ =	sdelay $0x3  }
0x37: {  	[smem:$0x3FB6] =	sst s10  }
0x38: {  	s10 =	sld [smem:$0x3FB7]  }
0x39: {  	_ = 	snop;
	(pc) =	sbr.ind lr, $3  }
0x3a: {  	_ = 	snop  }
0x3b: {  	_ = 	snop  }
0x3c: {  	p2 =	seq.s32 s10, $0x1;
	s10 =	sld [smem:$0x3FB6]  }
0x3d: {  	_ =	shalt  }
0x3e: {  	_ =	shalt  }
0x3f: {  	_ =	shalt  }
0x40: {  	_ =	shalt  }
0x41: {  	_ =	shalt  }
0x42: {  	_ =	shalt  }
0x43: {  	_ =	shalt  }
0x44: {  	_ =	shalt  }
0x45: {  	_ =	shalt  }
0x46: {  	_ =	shalt  }
0x47: {  	_ =	shalt  }
0x48: {  	_ =	shalt  }
0x49: {  	_ =	shalt  }
0x4a: {  	_ =	shalt  }
0x4b: {  	_ =	shalt  }
0x4c: {  	_ =	shalt  }
0x4d: {  	_ =	shalt  }
0x4e: {  	_ =	shalt  }
0x4f: {  	_ =	shalt  }
0x50: {  	_ =	shalt  }
0x51: {  	_ =	shalt  }
0x52: {  	_ =	shalt  }
0x53: {  	_ =	shalt  }
0x54: {  	_ =	shalt  }
0x55: {  	_ =	shalt  }
0x56: {  	_ =	shalt  }
0x57: {  	_ =	shalt  }
0x58: {  	_ =	shalt  }
0x59: {  	_ =	shalt  }
0x5a: {  	_ =	shalt  }
0x5b: {  	_ =	shalt  }
0x5c: {  	_ =	shalt  }
0x5d: {  	_ =	shalt  }
0x5e: {  	_ =	shalt  }
0x5f: {  	_ =	shalt  }
0x60: {  	_ =	shalt  }
0x61: {  	_ =	shalt  }
0x62: {  	_ =	shalt  }
0x63: {  	_ =	shalt  }
0x64: {  	_ =	shalt  }
0x65: {  	_ =	shalt  }
0x66: {  	_ =	shalt  }
0x67: {  	_ =	shalt  }
0x68: {  	_ =	shalt  }
0x69: {  	_ =	shalt  }
0x6a: {  	_ =	shalt  }
0x6b: {  	_ =	shalt  }
0x6c: {  	_ =	shalt  }
0x6d: {  	_ =	shalt  }
0x6e: {  	_ =	shalt  }
0x6f: {  	_ =	shalt  }
0x70: {  	_ =	shalt  }
0x71: {  	_ =	shalt  }
0x72: {  	_ =	shalt  }
0x73: {  	_ =	shalt  }
0x74: {  	_ =	shalt  }
0x75: {  	_ =	shalt  }
0x76: {  	_ =	shalt  }
0x77: {  	_ =	shalt  }
0x78: {  	_ =	shalt  }
0x79: {  	_ =	shalt  }
0x7a: {  	_ =	shalt  }
0x7b: {  	_ =	shalt  }
0x7c: {  	_ =	shalt  }
0x7d: {  	_ =	shalt  }
0x7e: {  	_ =	shalt  }
0x7f: {  	_ =	shalt  }
0x80: {  	_ =	shalt  }
0x81: {  	_ =	shalt  }
0x82: {  	_ =	shalt  }
0x83: {  	_ =	shalt  }
0x84: {  	_ =	shalt  }
0x85: {  	_ =	shalt  }
0x86: {  	_ =	shalt  }
0x87: {  	_ =	shalt  }
.Lfunc_end0:
.L_simem_size_0:
called_computation.1_lowered:
.L_overlay_start_0:
0x88: {  	s2 =	sld [smem:$0x3FD9]  }
0x89: {  	s3 =	sld [smem:$0x3FFE];
	_ =	sdelay $0x1  }
0x8a: {  	s1 =	srdreg.scid  }
0x8b: {  	s0 =	sand.u32 $0x1, s1  }
0x8c: {  	s17 =	sshll.u32 s0, $0xA;
	s2 =	sadd.s32 s3, s2  }
0x8d: {  	s2 =	sadd.s32 s2, s17  }
0x8e: {  	[smem:$0x3FC2] =	sst s2  }
0x8f: {  	_ = 	snop  }
0x90: {  	s2 =	sld [smem:$0x3FD0];
	(tm) =	ssettm $0x1  }
0x91: {  	s18 =	sld [smem:$0x3FFB];
	_ =	sdelay $0x3  }
0x92: {  	_ =	strace s18  }
0x93: {  	s3 =	sld [smem:$0x3FFC];
	_ =	sdelay $0x3  }
0x94: {  	_ =	strace s3  }
0x95: {  	s3 =	sld [smem:$0x3FFD];
	_ =	sdelay $0x3  }
0x96: {  	_ =	strace s3  }
0x97: {  	_ =	strace $0x8FFFFFFF  }
0x98: {  	s19 =	sld [smem:$0x3FDB];
	_ =	sdelay $0x1  }
0x99: {  	s4 =	simm.s32 $_scs_section_size  }
0x9a: {  	s5 =	simm.s32 $_size__tile_overlayer_lowered;
	s6 =	simm.s32 $_tile_overlayer_lowered  }
0x9b: {  	s22 =	simm.s32 $0x1BFF;
	s21 =	sshll.u32 s6, $0x1;
	s3 =	sadd.s32 s4, s19  }
0x9c: {  	s7 =	simm.s32 $0x0;
	s20 =	sshll.u32 s5, $0x1;
	s5 =	sadd.s32 s21, s3  }
0x9d: {  	[timem:s7], [sflag:s22] =	dma.local [hbm:s5], s20  }
0x9e: {  	_ =	swait.ge [sflag:s22], s20  }
0x9f: {  	s4 =	ssub.s32 $0x0, s20;
	[sflag:s22] =	ssyncset.done $0x0  }
0xa0: {  	[sflag:s22] =	ssyncadd.s32 s4;
	_ =	sdelay $0x1  }
0xa1: {  	s23 =	simm.s32 $0x1B8B  }
0xa2: {  	_ =	swait.ge [sflag:s23], $0x1  }
0xa3: {  	[sflag:s23] =	ssyncset.done $0x0  }
0xa4: {  	s25 =	simm.s32 $0x1B8E;
	s24 =	sld [smem:$0x3FFE];
	[sflag:s23] =	ssyncadd.s32 $0xFFFFFFFF  }
0xa5: {  	s26 =	simm.s32 $execute0_lowered;
	[smem:$0x3FD2] =	sst s25  }
0xa6: {  	s5 =	sshll.u32 s26, $0x1;
	_ =	strace $0x80000049;
	[dreg:$0x1] =	wrdreg $0xFFFFFFFF  }
0xa7: {  	s28 =	simm.s32 $_size_execute0_lowered;
	s3 =	sadd.s32 s3, s5;
	[dreg:$0x0] =	wrdreg $0x0  }
0xa8: {  	s5 =	sshll.u32 s28, $0x1;
	[dreg:$0x2] =	wrdreg s3  }
0xa9: {  	[dreg:$0x3] =	wrdreg s5  }
0xaa: {  	[dreg:$0x4] =	wrdreg $0xC0  }
0xab: {  	_ =	task [dreg:s7], $0x5FFFF  }
0xac: {  	[dreg:$0x1] =	wrdreg $0xFFFFFFFF  }
0xad: {  	[dreg:$0x0] =	wrdreg $0x60  }
0xae: {  	[dreg:$0x2] =	wrdreg s24  }
0xaf: {  	[dreg:$0x3] =	wrdreg s2  }
0xb0: {  	[dreg:$0x4] =	wrdreg $0x48000  }
0xb1: {  	[dreg:$0x5] =	wrdreg $0x9  }
0xb2: {  	_ =	task.clear_ibuf [dreg:s7], $0x6FFFF;
	_ =	strace $0x90000049  }
0xb3: {  	s29 =	simm.s32 $0x9;
	_ =	strace $0x8000004B  }
0xb4: {  	_ =	swait.ge [sflag:s29], $0x1  }
0xb5: {  	[sflag:s29] =	ssyncadd.s32 $0xFFFFFFFF  }
0xb6: {  	_ =	strace $0x9000004B  }
0xb7: {  	_ =	sfence  }
0xb8: {  	s30 =	sld [smem:$0x0];
	_ =	sdelay $0x2  }
0xb9: {  	s31 =	sshll.u32 s1, $0xD;
	s1 =	sshrl.u32 s1, $0x2  }
0xba: {  	s3 =	sand.u32 $0x4000, s31;
	s1 =	sadd.s32 s1, s30  }
0xbb: {  	s0 =	sor.u32 s3, s0;
	s1 =	sshll.u32 s1, $0x11  }
0xbc: {  	s0 =	sor.u32 s1, s0  }
0xbd: {  	s0 =	sadd.s32 $0x8F2B, s0  }
0xbe: {  	[sflag:s0] =	ssyncadd.remote.s32 $0x1  }
0xbf: {  	_ =	sfence.sel $0xFFFF  }
0xc0: {  	[dreg:$0x0] =	wrdreg $0xFFFFFFFF;
	(pc) =	sbr.abs _section_cstart, $3  }
0xc1: {  	[dreg:$0x1] =	wrdreg $0xFFFFFFFF  }
0xc2: {  	_ =	task.clear_ibuf [dreg:s7], $0x2FFFF;
	_ =	strace $0x9FFFFFFF  }
0xc3: {  	(tm) =	ssettm $0x7FFFFFFF  }
tec
execute0_lowered:
.L_overlay_start_1:
0x0: {  	(tag) =	ssettag $0x1  }
0x1: {  	s0 =	rddreg [dreg:$0x0]  }
0x2: {  	s3 =	rddreg [dreg:$0x1]  }
0x3: {  	s1 =	rddreg [dreg:$0x2];
	s2 =	simm.s32 $0x0;
	s12 =	stileid.u32  }
0x4: {  	s4 =	srdreg.scid;
	s28 =	simm.s32 $0x400;
	s8 =	smul.u32 $0x110, s12  }
0x5: {  	s29 =	simm.s32 $0x40;
	s31 =	simm.s32 $0x1;
	s11 =	smul.u32 $0x30, s12  }
0x6: {  	[smem:$0x7FF] =	sst s2;
	s5 =	sand.u32 $0x1, s4;
	s13 =	smul.u32 $0x50000, s12  }
0x7: {  	_ =	strace $0x8000004A;
	s6 =	smul.u32 $0x28000, s5;
	s7 =	ssub.s32 $0x2, s5  }
0x8: {  	p0 =	seq.s32 s5, $0x0;
	s5 =	simm.s32 $0x110;
	s10 =	sshrl.u32 s7, $0x1  }
0x9: {  	s5 =	simm.s32 @!p0 $0x30;
	s7 =	ssub.s32 s7, s10;
	s10 =	sadd.s32 $0x1100, s11  }
0xa: {  	s15 =	sshrl.u32 s13, $0x2;
	s26 =	sshll.u32 s5, $0xF;
	s10 =	smov.u32 @p0 s8  }
0xb: {  	s8 =	sadd.s32 s15, s1;
	s7 =	smax.u32 s7, $0x1;
	[dreg:$0x4] =	wrdreg s26  }
0xc: {  	s30 =	simm.s32 $0x0;
	s16 =	sadd.s32 $0x2000, s8;
	[dreg:$0xe] =	wrdreg s7  }
0xd: {  	s4 =	sadd.s32 $0x3EE00, s0;
	s17 =	sadd.s32 $0x4000, s8;
	[dreg:$0x5] =	wrdreg s16  }
0xe: {  	s14 =	smul.u32 $0x14000, s12;
	s18 =	sadd.s32 $0x6000, s8;
	[dreg:$0x6] =	wrdreg s17  }
0xf: {  	s9 =	sadd.s32 $0xCE00, s0;
	s19 =	sadd.s32 $0x8000, s8;
	[dreg:$0x7] =	wrdreg s18  }
0x10: {  	s24 =	sshrl.u32 s14, $0x3;
	s20 =	sadd.s32 $0xA000, s8;
	[dreg:$0x8] =	wrdreg s19  }
0x11: {  	s0 =	sadd.s32 s6, s0;
	s21 =	sadd.s32 $0xC000, s8;
	[dreg:$0x9] =	wrdreg s20  }
0x12: {  	s6 =	sadd.s32 s14, s1;
	s22 =	sadd.s32 $0xE000, s8;
	[dreg:$0xa] =	wrdreg s21  }
0x13: {  	s0 =	sadd.s32 $0x8EE00, s0;
	s23 =	sadd.s32 $0x10000, s8;
	[dreg:$0xb] =	wrdreg s22  }
0x14: {  	s26 =	simm.s32 $0x4;
	s8 =	sadd.s32 $0x12000, s8;
	[dreg:$0xc] =	wrdreg s23  }
0x15: {  	s10 =	sshll.u32 s10, $0x3;
	s24 =	sadd.s32 s24, s0;
	[dreg:$0xd] =	wrdreg s8  }
0x16: {  	s16 =	sadd.s32 s9, s10;
	s17 =	sadd.s32 s3, s10;
	s25 =	sor.u32 $0x40, s10  }
0x17: {  	s18 =	sadd.s32 $0xFFFFFFF8, s5;
	s9 =	sadd.s32 s9, s25;
	s3 =	sadd.s32 s3, s25  }
0x18: {  	s22 =	sadd.s32 $0x48, s17;
	s23 =	sadd.s32 $0x48, s16;
	[dreg:$0xf] =	wrdreg s9  }
0x19: {  	v0 =	vimm.f32 $0.0e+00;
	s25 =	simm.s32 $0x800;
	[dreg:$0x10] =	wrdreg s3;
	s3 =	simm.s32 $0x3  }
.LBB2_1:
0x1a: {  	s0 =	simm.s32 $0x0;
	s7 =	simm.s32 $0x200  }
.LBB2_2:
0x1b: {  	p0 =	sne.s32 s7, $0x7E00;
	[tilespmem:s0+$0x870] =	vst v0  }
0x1c: {  	[tilespmem:s0+$0x800] =	vst v0  }
0x1d: {  	[tilespmem:s0+$0x810] =	vst v0  }
.Ltmp0:
0x1e: {  	[tilespmem:s0+$0x820] =	vst v0;
	(pc) =	sbr.rel @p0 .LBB2_2-.Ltmp0, $4  }
0x1f: {  	[tilespmem:s0+$0x830] =	vst v0  }
0x20: {  	[tilespmem:s0+$0x840] =	vst v0  }
0x21: {  	[tilespmem:s0+$0x850] =	vst v0  }
0x22: {  	[tilespmem:s0+$0x860] =	vst v0;
	s0 =	sshra.s32 s7, $0x2;
	s7 =	sadd.s32 $0x200, s7  }
0x23: {  	[tilespmem:s0+$0x870] =	vst v0  }
0x24: {  	[tilespmem:s0+$0x800] =	vst v0  }
0x25: {  	[tilespmem:s0+$0x810] =	vst v0  }
0x26: {  	[tilespmem:s0+$0x820] =	vst v0  }
0x27: {  	[tilespmem:s0+$0x830] =	vst v0  }
0x28: {  	[tilespmem:s0+$0x840] =	vst v0  }
0x29: {  	[tilespmem:s0+$0x850] =	vst v0  }
0x2a: {  	[tilespmem:s0+$0x860] =	vst v0  }
0x2b: {  	[spmem:s6] =	stream.linear.scatter [tilespmem:s25], [sflag:$0x4], $0x2000, $0x38;
	[tilespmem:$0x18800] =	vst v63  }
0x2c: {  	_ =	swait.ge [sflag:s26], $0x2000  }
0x2d: {  	[sflag:s26] =	ssyncset.done $0x0  }
0x2e: {  	s19 =	rddreg [dreg:$0x5];
	[sflag:s26] =	ssyncadd.s32 $0xFFFFE000  }
0x2f: {  	[spmem:s19] =	stream.linear.scatter [tilespmem:s25], [sflag:$0x4], $0x2000, $0x38;
	[tilespmem:$0x18800] =	vst v63  }
0x30: {  	_ =	swait.ge [sflag:s26], $0x2000  }
0x31: {  	[sflag:s26] =	ssyncset.done $0x0  }
0x32: {  	s20 =	rddreg [dreg:$0x6];
	[sflag:s26] =	ssyncadd.s32 $0xFFFFE000  }
0x33: {  	[spmem:s20] =	stream.linear.scatter [tilespmem:s25], [sflag:$0x4], $0x2000, $0x38;
	[tilespmem:$0x18800] =	vst v63  }
0x34: {  	_ =	swait.ge [sflag:s26], $0x2000  }
0x35: {  	[sflag:s26] =	ssyncset.done $0x0  }
0x36: {  	s21 =	rddreg [dreg:$0x7];
	[sflag:s26] =	ssyncadd.s32 $0xFFFFE000  }
0x37: {  	[spmem:s21] =	stream.linear.scatter [tilespmem:s25], [sflag:$0x4], $0x2000, $0x38;
	[tilespmem:$0x18800] =	vst v63  }
0x38: {  	_ =	swait.ge [sflag:s26], $0x2000  }
0x39: {  	[sflag:s26] =	ssyncset.done $0x0  }
0x3a: {  	s7 =	rddreg [dreg:$0x8];
	[sflag:s26] =	ssyncadd.s32 $0xFFFFE000  }
0x3b: {  	[spmem:s7] =	stream.linear.scatter [tilespmem:s25], [sflag:$0x4], $0x2000, $0x38;
	[tilespmem:$0x18800] =	vst v63  }
0x3c: {  	_ =	swait.ge [sflag:s26], $0x2000  }
0x3d: {  	[sflag:s26] =	ssyncset.done $0x0  }
0x3e: {  	s8 =	rddreg [dreg:$0x9];
	[sflag:s26] =	ssyncadd.s32 $0xFFFFE000  }
0x3f: {  	[spmem:s8] =	stream.linear.scatter [tilespmem:s25], [sflag:$0x4], $0x2000, $0x38;
	[tilespmem:$0x18800] =	vst v63  }
0x40: {  	_ =	swait.ge [sflag:s26], $0x2000  }
0x41: {  	[sflag:s26] =	ssyncset.done $0x0  }
0x42: {  	s9 =	rddreg [dreg:$0xa];
	[sflag:s26] =	ssyncadd.s32 $0xFFFFE000  }
0x43: {  	[spmem:s9] =	stream.linear.scatter [tilespmem:s25], [sflag:$0x4], $0x2000, $0x38;
	[tilespmem:$0x18800] =	vst v63  }
0x44: {  	_ =	swait.ge [sflag:s26], $0x2000  }
0x45: {  	[sflag:s26] =	ssyncset.done $0x0  }
0x46: {  	s10 =	rddreg [dreg:$0xb];
	[sflag:s26] =	ssyncadd.s32 $0xFFFFE000  }
0x47: {  	[spmem:s10] =	stream.linear.scatter [tilespmem:s25], [sflag:$0x4], $0x2000, $0x38;
	[tilespmem:$0x18800] =	vst v63  }
0x48: {  	_ =	swait.ge [sflag:s26], $0x2000  }
0x49: {  	[sflag:s26] =	ssyncset.done $0x0  }
0x4a: {  	s11 =	rddreg [dreg:$0xc];
	[sflag:s26] =	ssyncadd.s32 $0xFFFFE000  }
0x4b: {  	[spmem:s11] =	stream.linear.scatter [tilespmem:s25], [sflag:$0x4], $0x2000, $0x38;
	[tilespmem:$0x18800] =	vst v63  }
0x4c: {  	_ =	swait.ge [sflag:s26], $0x2000  }
0x4d: {  	[sflag:s26] =	ssyncset.done $0x0  }
0x4e: {  	s12 =	rddreg [dreg:$0xd];
	[sflag:s26] =	ssyncadd.s32 $0xFFFFE000  }
0x4f: {  	[spmem:s12] =	stream.linear.scatter [tilespmem:s25], [sflag:$0x4], $0x2000, $0x38;
	[tilespmem:$0x18800] =	vst v63  }
0x50: {  	_ =	swait.ge [sflag:s26], $0x2000  }
0x51: {  	[sflag:s26] =	ssyncset.done $0x0  }
0x52: {  	[sflag:s26] =	ssyncadd.s32 $0xFFFFE000  }
0x53: {  	[bflag:$0x0] =	sbarrier.arrive $0xFFFF  }
0x54: {  	[tilespmem:s2], [sflag:$0x4] =	stream.linear.gather [hbm4b:s16+s2], $0x200, $0x38;
	[tilespmem:$0x18800] =	vst v63  }
0x55: {  	_ =	swait.ge [sflag:s26], $0x200  }
0x56: {  	[sflag:s26] =	ssyncset.done $0x0  }
0x57: {  	[sflag:s26] =	ssyncadd.s32 $0xFFFFFE00  }
0x58: {  	[tilespmem:s28], [sflag:$0x4] =	stream.linear.gather [hbm4b:s17+s2], $0x200, $0x38;
	[tilespmem:$0x18800] =	vst v63  }
0x59: {  	_ =	swait.ge [sflag:s26], $0x200  }
0x5a: {  	[sflag:s26] =	ssyncset.done $0x0  }
0x5b: {  	s19 =	simm.s32 $0x1;
	[sflag:s26] =	ssyncadd.s32 $0xFFFFFE00  }
0x5c: {  	[tilespmem:s25], [sflag:$0x1] =	stream.indirect.gather [hbm4b:s4+s29], $0x80, s2, s29, $0xb8;
	[tilespmem:$0x18800] =	vst v63  }
0x5d: {  	s20 =	sand.u32 $0x7, s19;
	s7 =	simm.s32 $0x200;
	s13 =	rddreg [dreg:$0xf]  }
0x5e: {  	[tilespmem:s7], [sflag:$0x2] =	stream.linear.gather [hbm4b:s13+s2], $0x200, $0x38;
	[tilespmem:$0x18800] =	vst v63  }
0x5f: {  	p0 =	sne.s32 s20, $0x0;
	s8 =	simm.s32 $0x600;
	s14 =	rddreg [dreg:$0x10]  }
0x60: {  	[tilespmem:s8], [sflag:$0x2] =	stream.linear.gather [hbm4b:s14+s2], $0x200, $0x38;
	[tilespmem:$0x18800] =	vst v63  }
0x61: {  	p1 =	sle.u32 @!p0 s18, $0x1;
	_ =	swait.ge [sflag:s31], $0x2000  }
0x62: {  	s0 =	simm.s32 $0x0;
	p0 =	por p1, p0;
	[sflag:s31] =	ssyncset.done $0x0  }
0x63: {  	s15 =	simm.s32 $0x2800;
	s0 =	sxor.u32 @!p0 $0xFFFFFFFF, s0;
	[sflag:s31] =	ssyncadd.s32 $0xFFFFE000  }
0x64: {  	[tilespmem:s15], [sflag:$0x1] =	stream.indirect.gather [hbm4b:s4+s29], $0x80, s29, s29, $0xb8;
	[tilespmem:$0x18800] =	vst v63  }
0x65: {  	s0 =	sshll.u32 @!p0 s0, $0x9  }
0x66: {  	[spmem:s1] =	stream.indirect.scatter.add.f32 [tilespmem:s25], [sflag:$0x3], $0x80, s28, s29, $0xb8;
	[tilespmem:$0x18800] =	vst v63  }
0x67: {  	s0 =	sand.u32 @!p0 $0x200, s0;
	s9 =	simm.s32 @!p0 $0x0  }
0x68: {  	[tilespmem:s0], [sflag:$0x2] =	stream.linear.gather @!p0 [hbm4b:s23+s9], $0x200, $0x38;
	[tilespmem:$0x18800] =	vst v63  }
0x69: {  	s0 =	sor.u32 @!p0 $0x400, s0  }
0x6a: {  	[tilespmem:s0], [sflag:$0x2] =	stream.linear.gather @!p0 [hbm4b:s22+s9], $0x200, $0x38;
	[tilespmem:$0x18800] =	vst v63  }
0x6b: {  	_ =	swait.ge [sflag:s31], $0x2000  }
0x6c: {  	p0 =	sne.s32 s20, $0x7;
	[sflag:s31] =	ssyncset.done $0x0  }
0x6d: {  	s9 =	simm.s32 @!p0 $0x2;
	[sflag:s31] =	ssyncadd.s32 $0xFFFFE000  }
0x6e: {  	_ =	swait.ge @!p0 [sflag:s9], $0x200  }
0x6f: {  	[sflag:s9] =	ssyncset.done @!p0 $0x0  }
0x70: {  	[sflag:s9] =	ssyncadd.s32 @!p0 $0xFFFFFE00  }
0x71: {  	s11 =	simm.s32 $0x0;
	_ =	swait.ge @!p0 [sflag:s9], $0x200  }
0x72: {  	s10 =	simm.s32 $0x2;
	s11 =	sand.u32 $0x200, s11;
	[sflag:s9] =	ssyncset.done @!p0 $0x0  }
0x73: {  	s12 =	simm.s32 $0x10000;
	s7 =	sand.u32 $0xF00, s7;
	[sflag:s9] =	ssyncadd.s32 @!p0 $0xFFFFFE00  }
0x74: {  	s21 =	sand.u32 $0x8000, s12;
	s7 =	sshrl.u32 s7, $0x2;
	_ =	swait.ge [sflag:s3], $0x2000  }
0x75: {  	s8 =	sshll.u32 s20, $0x6;
	s14 =	simm.s32 $0x8000;
	s15 =	rddreg [dreg:$0x4]  }
0x76: {  	s13 =	sor.u32 s8, s11;
	s8 =	sadd.s32 $0x8, s22;
	p0 =	sne.s32 s15, $0x18000  }
.Ltmp1:
0x77: {  	s11 =	sadd.s32 $0x8, s23;
	s14 =	sand.u32 $0x8000, s14;
	(pc) =	sbr.rel @!p0 .LBB2_5-.Ltmp1, $4  }
0x78: {  	s14 =	sshrl.u32 s14, $0x2;
	s9 =	sshrl.u32 s21, $0x2;
	[sflag:s3] =	ssyncset.done $0x0  }
0x79: {  	s13 =	sor.u32 $0x400, s13;
	s12 =	sor.u32 $0x800, s9;
	[sflag:s3] =	ssyncadd.s32 $0xFFFFE000  }
0x7a: {  	[tilespmem:s12], [sflag:$0x1] =	stream.indirect.gather [hbm4b:s4+s29], $0x80, s7, s29, $0xb8;
	[tilespmem:$0x18800] =	vst v63  }
0x7b: {  	s0 =	simm.s32 $0x18000;
	s9 =	simm.s32 $0x3;
	s7 =	simm.s32 $0x300  }
.LBB2_4:
0x7c: {  	s12 =	sadd.s32 $0xFFFFFFFF, s9;
	s14 =	sor.u32 $0x800, s14  }
0x7d: {  	[spmem:s1] =	stream.indirect.scatter.add.f32 [tilespmem:s14], [sflag:$0x3], $0x80, s13, s29, $0xb8;
	[tilespmem:$0x18800] =	vst v63  }
0x7e: {  	s13 =	sand.u32 $0x7, s12  }
0x7f: {  	p0 =	sne.s32 s13, $0x0  }
0x80: {  	p1 =	sge.u32 @!p0 s12, s18  }
0x81: {  	s12 =	sshrl.u32 s12, $0x3;
	p0 =	por p1, p0  }
0x82: {  	s14 =	sxor.u32 @!p0 $0xFFFFFFFF, s12  }
0x83: {  	s20 =	sshll.u32 s13, $0x6;
	s12 =	sshll.u32 s12, $0x9;
	s14 =	sshll.u32 @!p0 s14, $0x9  }
0x84: {  	s21 =	simm.s32 @!p0 $0x0;
	s12 =	sand.u32 $0x200, s12;
	s14 =	sand.u32 @!p0 $0x200, s14  }
0x85: {  	[tilespmem:s14], [sflag:$0x2] =	stream.linear.gather @!p0 [hbm4b:s11+s21], $0x200, $0x38;
	[tilespmem:$0x18800] =	vst v63  }
0x86: {  	s20 =	sor.u32 s20, s12;
	s12 =	sor.u32 @!p0 $0x400, s14  }
0x87: {  	[tilespmem:s12], [sflag:$0x2] =	stream.linear.gather @!p0 [hbm4b:s8+s21], $0x200, $0x38;
	[tilespmem:$0x18800] =	vst v63  }
0x88: {  	_ =	swait.ge [sflag:s31], $0x2000  }
0x89: {  	p0 =	sne.s32 s13, $0x7;
	[sflag:s31] =	ssyncset.done $0x0  }
0x8a: {  	s12 =	simm.s32 @!p0 $0x2;
	[sflag:s31] =	ssyncadd.s32 $0xFFFFE000  }
0x8b: {  	_ =	swait.ge @!p0 [sflag:s12], $0x200  }
0x8c: {  	[sflag:s12] =	ssyncset.done @!p0 $0x0  }
0x8d: {  	[sflag:s12] =	ssyncadd.s32 @!p0 $0xFFFFFE00  }
0x8e: {  	_ =	swait.ge @!p0 [sflag:s12], $0x200  }
0x8f: {  	s15 =	smov.u32 s0;
	s19 =	smov.u32 s7;
	[sflag:s12] =	ssyncset.done @!p0 $0x0  }
0x90: {  	s0 =	sadd.s32 $0x8000, s0;
	s19 =	sand.u32 $0xF00, s19;
	[sflag:s12] =	ssyncadd.s32 @!p0 $0xFFFFFE00  }
0x91: {  	s13 =	sadd.s32 $0xFFFF8000, s15;
	s21 =	sand.u32 $0x8000, s15;
	_ =	swait.ge [sflag:s3], $0x2000  }
0x92: {  	s15 =	sshrl.u32 s19, $0x2;
	s19 =	sshrl.u32 s21, $0x2;
	s21 =	rddreg [dreg:$0x4]  }
0x93: {  	p0 =	sne.s32 s21, s0  }
.Ltmp2:
0x94: {  	s10 =	smov.u32 s9;
	s7 =	sadd.s32 $0x100, s7;
	(pc) =	sbr.rel @p0 .LBB2_4-.Ltmp2, $4  }
0x95: {  	s9 =	sadd.s32 $0x1, s9;
	s11 =	sadd.s32 $0x8, s11;
	s13 =	sand.u32 $0x8000, s13  }
0x96: {  	s8 =	sadd.s32 $0x8, s8;
	s14 =	sshrl.u32 s13, $0x2;
	[sflag:s3] =	ssyncset.done $0x0  }
0x97: {  	s13 =	sor.u32 $0x400, s20;
	s12 =	sor.u32 $0x800, s19;
	[sflag:s3] =	ssyncadd.s32 $0xFFFFE000  }
0x98: {  	[tilespmem:s12], [sflag:$0x1] =	stream.indirect.gather [hbm4b:s4+s29], $0x80, s15, s29, $0xb8;
	[tilespmem:$0x18800] =	vst v63  }
.LBB2_5:
0x99: {  	s14 =	sor.u32 $0x800, s14;
	s21 =	sand.u32 $0x7, s10  }
0x9a: {  	[spmem:s1] =	stream.indirect.scatter.add.f32 [tilespmem:s14], [sflag:$0x3], $0x80, s13, s29, $0xb8;
	[tilespmem:$0x18800] =	vst v63  }
0x9b: {  	p0 =	sne.s32 s21, $0x0  }
0x9c: {  	p1 =	sge.u32 @!p0 s10, s18  }
0x9d: {  	s10 =	sshrl.u32 s10, $0x3;
	p0 =	por p1, p0  }
0x9e: {  	s14 =	sxor.u32 @!p0 $0xFFFFFFFF, s10  }
0x9f: {  	s14 =	sshll.u32 @!p0 s14, $0x9  }
0xa0: {  	s15 =	simm.s32 @!p0 $0x0;
	s14 =	sand.u32 @!p0 $0x200, s14  }
0xa1: {  	[tilespmem:s14], [sflag:$0x2] =	stream.linear.gather @!p0 [hbm4b:s11+s15], $0x200, $0x38;
	[tilespmem:$0x18800] =	vst v63  }
0xa2: {  	s11 =	sor.u32 @!p0 $0x400, s14  }
0xa3: {  	[tilespmem:s11], [sflag:$0x2] =	stream.linear.gather @!p0 [hbm4b:s8+s15], $0x200, $0x38;
	[tilespmem:$0x18800] =	vst v63  }
0xa4: {  	p0 =	sne.s32 s21, $0x7  }
0xa5: {  	_ =	swait.ge [sflag:s31], $0x2000;
	p1 =	sge.u32 @!p0 s9, s5  }
0xa6: {  	[sflag:s31] =	ssyncset.done $0x0;
	p0 =	por p1, p0  }
0xa7: {  	[sflag:s31] =	ssyncadd.s32 $0xFFFFE000;
	s8 =	simm.s32 @!p0 $0x2  }
0xa8: {  	_ =	swait.ge @!p0 [sflag:s8], $0x200  }
0xa9: {  	[sflag:s8] =	ssyncset.done @!p0 $0x0  }
0xaa: {  	[sflag:s8] =	ssyncadd.s32 @!p0 $0xFFFFFE00  }
0xab: {  	_ =	swait.ge @!p0 [sflag:s8], $0x200  }
0xac: {  	[sflag:s8] =	ssyncset.done @!p0 $0x0  }
0xad: {  	s14 =	sshll.u32 s10, $0x9;
	[sflag:s8] =	ssyncadd.s32 @!p0 $0xFFFFFE00;
	p0 =	sge.u32 s9, s5  }
0xae: {  	_ =	swait.ge [sflag:s3], $0x2000;
	s0 =	sand.u32 @!p0 $0x8000, s0;
	s7 =	sand.u32 @!p0 $0xF00, s7  }
0xaf: {  	s8 =	simm.s32 @!p0 $0x40;
	[sflag:s3] =	ssyncset.done $0x0;
	s0 =	sshrl.u32 @!p0 s0, $0x2  }
0xb0: {  	s7 =	sshrl.u32 @!p0 s7, $0x2;
	[sflag:s3] =	ssyncadd.s32 $0xFFFFE000;
	s0 =	sor.u32 @!p0 $0x800, s0  }
0xb1: {  	[tilespmem:s0], [sflag:$0x1] =	stream.indirect.gather @!p0 [hbm4b:s4+s8], $0x80, s7, s8, $0xb8;
	[tilespmem:$0x18800] =	vst v63  }
0xb2: {  	s15 =	sshll.u32 s21, $0x6;
	s0 =	sand.u32 $0x200, s14  }
0xb3: {  	s0 =	sor.u32 s15, s0  }
0xb4: {  	s0 =	sor.u32 $0x400, s0  }
0xb5: {  	[spmem:s1] =	stream.indirect.scatter.add.f32 [tilespmem:s12], [sflag:$0x3], $0x80, s0, s29, $0xb8;
	[tilespmem:$0x18800] =	vst v63  }
0xb6: {  	_ =	swait.ge [sflag:s3], $0x2000  }
0xb7: {  	s19 =	stileid.u32;
	[sflag:s3] =	ssyncset.done $0x0  }
0xb8: {  	s0 =	sshll.u32 s19, $0x6;
	[sflag:s3] =	ssyncadd.s32 $0xFFFFE000  }
0xb9: {  	s20 =	sshrl.u32 s6, $0x3;
	s0 =	sor.u32 $0x1C04, s0;
	[bflag:$0x0] =	sbarrier.arrive $0xFFFF  }
0xba: {  	[hbm:s24], [sflag:s0] =	dma.local [spmem:s20], $0x2800  }
0xbb: {  	_ =	swait.ge [sflag:s26], $0x2800  }
0xbc: {  	s30 =	sadd.s32 $0x1, s30;
	s21 =	rddreg [dreg:$0xe]  }
0xbd: {  	p0 =	sne.s32 s30, s21  }
.Ltmp3:
0xbe: {  	_ = 	snop;
	(pc) =	sbr.rel @p0 .LBB2_1-.Ltmp3, $3  }
0xbf: {  	_ =	sdelay $0x1  }
0xc0: {  	[sflag:s26] =	ssyncset.done $0x0  }
0xc1: {  	[sflag:s26] =	ssyncadd.s32 $0xFFFFD800  }
0xc2: {  	_ =	sfence.sel $0x180000  }
0xc3: {  	[bflag:$0x0] =	sbarrier.arrive $0xFFFF  }
0xc4: {  	_ =	strace $0x9000004A  }
0xc5: {  	s0 =	stileid.u32;
	[bflag:$0x2] =	sbarrier.arrive $0xFFFF  }
0xc6: {  	p0 =	sne.s32 s0, $0x0;
	s0 =	rddreg [dreg:$0x3]  }
0xc7: {  	s0 =	sadd.s32 @!p0 $0x100000, s0  }
0xc8: {  	[sflag:s0] =	ssyncadd.tile.s32 @!p0 $0x1;
	_ =	shalt  }
.Lfunc_end2:
_tile_overlayer_lowered:
.L_overlay_start_2:
0xc9: {  	(tag) =	ssettag $0x2  }
0xca: {  	s0 =	rddreg [dreg:$0x0];
	s2 =	stileid.u32  }
0xcb: {  	s1 =	rddreg [dreg:$0x1];
	p0 =	sne.s32 s2, $0x0  }
0xcc: {  	s3 =	rddreg [dreg:$0x2];
	[bflag:$0x3] =	sbarrier.arrive $0xFFFF;
	s2 =	simm.s32 @!p0 $0x1C04  }
0xcd: {  	[timem:s3], [sflag:s2] =	dma.local @!p0 [hbm:s0], s1  }
0xce: {  	s0 =	simm.s32 @!p0 $0x4  }
0xcf: {  	_ =	swait.ge @!p0 [sflag:s0], s1  }
0xd0: {  	s1 =	ssub.s32 @!p0 $0x0, s1;
	[sflag:s0] =	ssyncset.done @!p0 $0x0  }
0xd1: {  	[sflag:s0] =	ssyncadd.s32 @!p0 s1  }
0xd2: {  	[bflag:$0x3] =	sbarrier.arrive $0xFFFF  }
0xd3: {  	_ =	shalt  }

// kernel: kernel.14.cloned.1.call-start
scs
__scs_entry_jumppad:
0x0: {  	(pc) =	sbr.rel $0x88, $3  }
0x1: {  	(tag) =	ssettag $0x0;
	lr =	simm.s32 $0x1  }
0x2: {  	[smem:$0x3F9B] =	sst lr;
	_ =	strace $0xD0000000  }
0x3: {  	_ = 	snop  }
0x4: {  	_ = 	snop  }
0x5: {  	_ = 	snop  }
0x6: {  	_ = 	snop  }
0x7: {  	_ = 	snop  }
__scs_overlays_trampoline_lowered:
0x8: {  	[smem:$0x3FAA] =	sst s0  }
0x9: {  	[smem:$0x3FAB] =	sst s1  }
0xa: {  	[smem:$0x3FAC] =	sst s2  }
0xb: {  	[smem:$0x3FAD] =	sst s3  }
0xc: {  	[smem:$0x3FAE] =	sst s4  }
0xd: {  	[smem:$0x3FAF] =	sst s5  }
0xe: {  	[smem:$0x3FB0] =	sst s6  }
0xf: {  	[smem:$0x3FB1] =	sst s7  }
0x10: {  	[smem:$0x3FB2] =	sst s8  }
0x11: {  	[smem:$0x3FB3] =	sst s9;
	s0 =	simm.s32 @!p0 $0x0  }
0x12: {  	s1 =	sld [smem:$0x3F99];
	s0 =	simm.s32 @p0 $0x1  }
0x13: {  	[smem:$0x3FB4] =	sst s0;
	s0 =	simm.s32 @!p1 $0x0  }
0x14: {  	s2 =	sld [smem:$0x3F98];
	s0 =	simm.s32 @p1 $0x1  }
0x15: {  	[smem:$0x3FB5] =	sst s0;
	s0 =	simm.s32 @!p2 $0x0  }
0x16: {  	s3 =	sld [smem:$0x3FDB];
	s0 =	simm.s32 @p2 $0x1  }
0x17: {  	s4 =	simm.s32 $0x1BF5;
	[smem:$0x3FB7] =	sst s0  }
0x18: {  	s0 =	sld [smem:$0x3F9A];
	_ =	swait.ge [sflag:s4], $0x0  }
0x19: {  	s7 =	sld [smem:$0x3F9B]  }
0x1a: {  	s8 =	sadd.s32 $0xFFFFE003, lr  }
0x1b: {  	s9 =	sadd.s32 $0xFFFFFEF7, lr;
	s5 =	simm.s32 $0xFFFFFFFF;
	p2 =	slt.u32 s8, $0xFFFFF086  }
0x1c: {  	p1 =	slt.u32 s9, $0xF7A;
	s5 =	simm.s32 @!p2 $0x0  }
0x1d: {  	s5 =	simm.s32 @p1 $0x1;
	p0 =	seq.s32 s7, s2  }
0x1e: {  	s7 =	smul.u32 @!p0 $0xF7A, s2;
	p2 =	seq.s32 @!p0 s5, $0x0  }
0x1f: {  	s9 =	smul.u32 $0xF7A, s1;
	s8 =	simm.s32 @!p0 $0x1BF5;
	p2 =	por !p2, p0  }
0x20: {  	[sflag:s8] =	ssyncset.s32 @!p0 $0xFFFFF086;
	s6 =	sadd.s32 @!p0 s3, s7;
	s7 =	simm.s32 @!p0 $0x108  }
0x21: {  	s3 =	sadd.s32 s3, s9;
	s6 =	sadd.s32 @!p0 $0x88, s6;
	s7 =	simm.s32 @p2 $0x1082  }
0x22: {  	[simem:s7], [sflag:s8] =	dma.local @!p0 [hbm:s6], $0xF7A  }
0x23: {  	s9 =	sor.u32 $0xD0000000, s2;
	s6 =	simm.s32 $0x108;
	_ =	swait.ge @!p0 [sflag:s8], $0x0  }
0x24: {  	s3 =	sadd.s32 $0x88, s3;
	s6 =	simm.s32 @!p1 $0x1082;
	[sflag:s4] =	ssyncset.s32 $0xFFFFF086  }
0x25: {  	[simem:s6], [sflag:s4] =	dma.local [hbm:s3], $0xF7A  }
0x26: {  	[smem:$0x3F9B] =	sst s1;
	(tag) =	ssettag s2;
	_ =	strace s9  }
0x27: {  	s1 =	sld [smem:$0x3FAB]  }
0x28: {  	s2 =	sld [smem:$0x3FAC]  }
0x29: {  	s4 =	sld [smem:$0x3FAE]  }
0x2a: {  	p0 =	seq.s32 s5, $0x0;
	s5 =	sld [smem:$0x3FAF]  }
0x2b: {  	s6 =	sld [smem:$0x3FB0]  }
0x2c: {  	s7 =	sld [smem:$0x3FB1]  }
0x2d: {  	s3 =	simm.s32 $0x108;
	s8 =	sld [smem:$0x3FB2]  }
0x2e: {  	s3 =	simm.s32 @!p0 $0x1082;
	s9 =	sld [smem:$0x3FB3]  }
0x2f: {  	lr =	sadd.s32 s0, s3;
	s0 =	sld [smem:$0x3FAA]  }
0x30: {  	s3 =	sld [smem:$0x3FAD]  }
0x31: {  	[smem:$0x3FB6] =	sst s10  }
0x32: {  	s10 =	sld [smem:$0x3FB4];
	_ =	sdelay $0x3  }
0x33: {  	p0 =	seq.s32 s10, $0x1;
	s10 =	sld [smem:$0x3FB6];
	_ =	sdelay $0x3  }
0x34: {  	[smem:$0x3FB6] =	sst s10  }
0x35: {  	s10 =	sld [smem:$0x3FB5];
	_ =	sdelay $0x3  }
0x36: {  	p1 =	seq.s32 s10, $0x1;
	s10 =	sld [smem:$0x3FB6];
	_ =	sdelay $0x3  }
0x37: {  	[smem:$0x3FB6] =	sst s10  }
0x38: {  	s10 =	sld [smem:$0x3FB7]  }
0x39: {  	_ = 	snop;
	(pc) =	sbr.ind lr, $3  }
0x3a: {  	_ = 	snop  }
0x3b: {  	_ = 	snop  }
0x3c: {  	p2 =	seq.s32 s10, $0x1;
	s10 =	sld [smem:$0x3FB6]  }
0x3d: {  	_ =	shalt  }
0x3e: {  	_ =	shalt  }
0x3f: {  	_ =	shalt  }
0x40: {  	_ =	shalt  }
0x41: {  	_ =	shalt  }
0x42: {  	_ =	shalt  }
0x43: {  	_ =	shalt  }
0x44: {  	_ =	shalt  }
0x45: {  	_ =	shalt  }
0x46: {  	_ =	shalt  }
0x47: {  	_ =	shalt  }
0x48: {  	_ =	shalt  }
0x49: {  	_ =	shalt  }
0x4a: {  	_ =	shalt  }
0x4b: {  	_ =	shalt  }
0x4c: {  	_ =	shalt  }
0x4d: {  	_ =	shalt  }
0x4e: {  	_ =	shalt  }
0x4f: {  	_ =	shalt  }
0x50: {  	_ =	shalt  }
0x51: {  	_ =	shalt  }
0x52: {  	_ =	shalt  }
0x53: {  	_ =	shalt  }
0x54: {  	_ =	shalt  }
0x55: {  	_ =	shalt  }
0x56: {  	_ =	shalt  }
0x57: {  	_ =	shalt  }
0x58: {  	_ =	shalt  }
0x59: {  	_ =	shalt  }
0x5a: {  	_ =	shalt  }
0x5b: {  	_ =	shalt  }
0x5c: {  	_ =	shalt  }
0x5d: {  	_ =	shalt  }
0x5e: {  	_ =	shalt  }
0x5f: {  	_ =	shalt  }
0x60: {  	_ =	shalt  }
0x61: {  	_ =	shalt  }
0x62: {  	_ =	shalt  }
0x63: {  	_ =	shalt  }
0x64: {  	_ =	shalt  }
0x65: {  	_ =	shalt  }
0x66: {  	_ =	shalt  }
0x67: {  	_ =	shalt  }
0x68: {  	_ =	shalt  }
0x69: {  	_ =	shalt  }
0x6a: {  	_ =	shalt  }
0x6b: {  	_ =	shalt  }
0x6c: {  	_ =	shalt  }
0x6d: {  	_ =	shalt  }
0x6e: {  	_ =	shalt  }
0x6f: {  	_ =	shalt  }
0x70: {  	_ =	shalt  }
0x71: {  	_ =	shalt  }
0x72: {  	_ =	shalt  }
0x73: {  	_ =	shalt  }
0x74: {  	_ =	shalt  }
0x75: {  	_ =	shalt  }
0x76: {  	_ =	shalt  }
0x77: {  	_ =	shalt  }
0x78: {  	_ =	shalt  }
0x79: {  	_ =	shalt  }
0x7a: {  	_ =	shalt  }
0x7b: {  	_ =	shalt  }
0x7c: {  	_ =	shalt  }
0x7d: {  	_ =	shalt  }
0x7e: {  	_ =	shalt  }
0x7f: {  	_ =	shalt  }
0x80: {  	_ =	shalt  }
0x81: {  	_ =	shalt  }
0x82: {  	_ =	shalt  }
0x83: {  	_ =	shalt  }
0x84: {  	_ =	shalt  }
0x85: {  	_ =	shalt  }
0x86: {  	_ =	shalt  }
0x87: {  	_ =	shalt  }
.Lfunc_end0:
.L_simem_size_0:
called_computation.2_lowered:
.L_overlay_start_0:
0x88: {  	s2 =	sld [smem:$0x3FD9]  }
0x89: {  	s3 =	sld [smem:$0x3FFE];
	_ =	sdelay $0x1  }
0x8a: {  	s1 =	srdreg.scid  }
0x8b: {  	s0 =	sand.u32 $0x1, s1  }
0x8c: {  	s17 =	sshll.u32 s0, $0xA;
	s2 =	sadd.s32 s3, s2  }
0x8d: {  	s2 =	sadd.s32 s2, s17  }
0x8e: {  	[smem:$0x3FC2] =	sst s2  }
0x8f: {  	_ = 	snop  }
0x90: {  	s2 =	sld [smem:$0x3FD0];
	(tm) =	ssettm $0x1  }
0x91: {  	s18 =	sld [smem:$0x3FFB];
	_ =	sdelay $0x3  }
0x92: {  	_ =	strace s18  }
0x93: {  	s3 =	sld [smem:$0x3FFC];
	_ =	sdelay $0x3  }
0x94: {  	_ =	strace s3  }
0x95: {  	s3 =	sld [smem:$0x3FFD];
	_ =	sdelay $0x3  }
0x96: {  	_ =	strace s3  }
0x97: {  	_ =	strace $0x8FFFFFFF  }
0x98: {  	s19 =	sld [smem:$0x3FDB];
	_ =	sdelay $0x1  }
0x99: {  	s4 =	simm.s32 $_scs_section_size  }
0x9a: {  	s5 =	simm.s32 $_size__tile_overlayer_lowered;
	s6 =	simm.s32 $_tile_overlayer_lowered  }
0x9b: {  	s22 =	simm.s32 $0x1BFF;
	s21 =	sshll.u32 s6, $0x1;
	s3 =	sadd.s32 s4, s19  }
0x9c: {  	s7 =	simm.s32 $0x0;
	s20 =	sshll.u32 s5, $0x1;
	s5 =	sadd.s32 s21, s3  }
0x9d: {  	[timem:s7], [sflag:s22] =	dma.local [hbm:s5], s20  }
0x9e: {  	_ =	swait.ge [sflag:s22], s20  }
0x9f: {  	s4 =	ssub.s32 $0x0, s20;
	[sflag:s22] =	ssyncset.done $0x0  }
0xa0: {  	[sflag:s22] =	ssyncadd.s32 s4;
	_ =	sdelay $0x1  }
0xa1: {  	s23 =	simm.s32 $0x1B8B  }
0xa2: {  	_ =	swait.ge [sflag:s23], $0x1  }
0xa3: {  	[sflag:s23] =	ssyncset.done $0x0  }
0xa4: {  	s25 =	simm.s32 $0x1B8E;
	s24 =	sld [smem:$0x3FFE];
	[sflag:s23] =	ssyncadd.s32 $0xFFFFFFFF  }
0xa5: {  	s26 =	simm.s32 $execute0_lowered;
	[smem:$0x3FD2] =	sst s25  }
0xa6: {  	s5 =	sshll.u32 s26, $0x1;
	_ =	strace $0x8000004C;
	[dreg:$0x1] =	wrdreg $0xFFFFFFFF  }
0xa7: {  	s28 =	simm.s32 $_size_execute0_lowered;
	s3 =	sadd.s32 s3, s5;
	[dreg:$0x0] =	wrdreg $0x0  }
0xa8: {  	s5 =	sshll.u32 s28, $0x1;
	[dreg:$0x2] =	wrdreg s3  }
0xa9: {  	[dreg:$0x3] =	wrdreg s5  }
0xaa: {  	[dreg:$0x4] =	wrdreg $0xC0  }
0xab: {  	_ =	task [dreg:s7], $0x5FFFF  }
0xac: {  	[dreg:$0x1] =	wrdreg $0xFFFFFFFF  }
0xad: {  	[dreg:$0x0] =	wrdreg $0x60  }
0xae: {  	[dreg:$0x2] =	wrdreg s24  }
0xaf: {  	[dreg:$0x3] =	wrdreg s2  }
0xb0: {  	[dreg:$0x4] =	wrdreg $0x40000  }
0xb1: {  	[dreg:$0x5] =	wrdreg $0x9  }
0xb2: {  	_ =	task.clear_ibuf [dreg:s7], $0x6FFFF;
	_ =	strace $0x9000004C  }
0xb3: {  	s29 =	simm.s32 $0x9;
	_ =	strace $0x8000004E  }
0xb4: {  	_ =	swait.ge [sflag:s29], $0x1  }
0xb5: {  	[sflag:s29] =	ssyncadd.s32 $0xFFFFFFFF  }
0xb6: {  	_ =	strace $0x9000004E  }
0xb7: {  	_ =	sfence  }
0xb8: {  	s30 =	sld [smem:$0x0];
	_ =	sdelay $0x2  }
0xb9: {  	s31 =	sshll.u32 s1, $0xD;
	s1 =	sshrl.u32 s1, $0x2  }
0xba: {  	s3 =	sand.u32 $0x4000, s31;
	s1 =	sadd.s32 s1, s30  }
0xbb: {  	s0 =	sor.u32 s3, s0;
	s1 =	sshll.u32 s1, $0x11  }
0xbc: {  	s0 =	sor.u32 s1, s0  }
0xbd: {  	s0 =	sadd.s32 $0x8F2B, s0  }
0xbe: {  	[sflag:s0] =	ssyncadd.remote.s32 $0x1  }
0xbf: {  	_ =	sfence.sel $0xFFFF  }
0xc0: {  	[dreg:$0x0] =	wrdreg $0xFFFFFFFF;
	(pc) =	sbr.abs _section_cstart, $3  }
0xc1: {  	[dreg:$0x1] =	wrdreg $0xFFFFFFFF  }
0xc2: {  	_ =	task.clear_ibuf [dreg:s7], $0x2FFFF;
	_ =	strace $0x9FFFFFFF  }
0xc3: {  	(tm) =	ssettm $0x7FFFFFFF  }
tec
execute0_lowered:
.L_overlay_start_1:
0x0: {  	(tag) =	ssettag $0x1  }
0x1: {  	s0 =	rddreg [dreg:$0x0]  }
0x2: {  	s1 =	rddreg [dreg:$0x1]  }
0x3: {  	s2 =	rddreg [dreg:$0x2];
	s3 =	simm.s32 $0x0  }
0x4: {  	s4 =	srdreg.scid;
	s12 =	stileid.u32;
	s28 =	simm.s32 $0x3  }
0x5: {  	s29 =	simm.s32 $0x0;
	[smem:$0x7FF] =	sst s3;
	s5 =	sadd.s32 $0x3EE00, s0  }
0x6: {  	s6 =	sadd.s32 $0xCE00, s0;
	s4 =	sand.u32 $0x1, s4;
	s11 =	smul.u32 $0x1E000, s12  }
0x7: {  	s20 =	sshll.u32 s12, $0x5;
	s10 =	sshll.u32 s12, $0x7;
	s21 =	smul.u32 $0x7800, s12  }
0x8: {  	_ =	strace $0x8000004D;
	s7 =	smul.u32 $0xF000, s4;
	s8 =	ssub.s32 $0x2, s4  }
0x9: {  	p0 =	seq.s32 s4, $0x0;
	s4 =	sor.u32 $0x800, s20;
	s20 =	simm.s32 $0x1000  }
0xa: {  	s9 =	sshrl.u32 s8, $0x1;
	s4 =	smov.u32 @p0 s10;
	s22 =	sshrl.u32 s11, $0x2  }
0xb: {  	s10 =	sshrl.u32 s21, $0x3;
	s0 =	sadd.s32 s7, s0;
	s16 =	ssub.s32 s8, s9  }
0xc: {  	s7 =	simm.s32 $0x80;
	s8 =	simm.s32 $0x80;
	s13 =	sadd.s32 s22, s2  }
0xd: {  	s9 =	sadd.s32 s21, s2;
	s17 =	sshll.u32 s4, $0x4;
	s4 =	sshll.u32 s4, $0x7  }
0xe: {  	s21 =	simm.s32 $0x4;
	s22 =	simm.s32 $0x800;
	s23 =	sadd.s32 $0x1800, s13  }
0xf: {  	s7 =	simm.s32 @!p0 $0x20;
	s24 =	sadd.s32 $0x3000, s13;
	[dreg:$0x5] =	wrdreg s23  }
0x10: {  	s25 =	sadd.s32 $0x4800, s13;
	s26 =	sadd.s32 $0x6000, s13;
	[dreg:$0x6] =	wrdreg s24  }
0x11: {  	s30 =	sadd.s32 s6, s17;
	s15 =	sadd.s32 s1, s17;
	[dreg:$0x7] =	wrdreg s25  }
0x12: {  	s0 =	sadd.s32 $0x4DE00, s0;
	s16 =	smax.u32 s16, $0x1;
	[dreg:$0x8] =	wrdreg s26  }
0x13: {  	s31 =	sor.u32 $0x80, s17;
	s4 =	sor.u32 $0x480, s4;
	[dreg:$0x9] =	wrdreg s30  }
0x14: {  	s18 =	sadd.s32 $0xFFFFFFF8, s7;
	s17 =	sadd.s32 s6, s31;
	s24 =	sadd.s32 s10, s0  }
0x15: {  	v0 =	vimm.f32 $0.0e+00;
	s26 =	simm.s32 $0x1;
	[dreg:$0x4] =	wrdreg s18;
	s18 =	sadd.s32 s1, s31  }
.LBB2_1:
0x16: {  	s0 =	simm.s32 $0xC0;
	s19 =	simm.s32 $0x0  }
.LBB2_2:
0x17: {  	p0 =	sne.s32 s0, $0x5F40;
	[tilespmem:s19+$0x1020] =	vst v0;
	s10 =	smov.u32 s0;
	s0 =	sadd.s32 $0xC0, s0  }
.Ltmp0:
0x18: {  	[tilespmem:s19+$0x1000] =	vst v0;
	(pc) =	sbr.rel @p0 .LBB2_2-.Ltmp0, $2  }
0x19: {  	[tilespmem:s19+$0x1010] =	vst v0;
	_ =	sdelay $0x2  }
0x1a: {  	s19 =	sshra.s32 s10, $0x2  }
0x1b: {  	[tilespmem:s19+$0x1020] =	vst v0  }
0x1c: {  	[tilespmem:s19+$0x1000] =	vst v0  }
0x1d: {  	[tilespmem:s19+$0x1010] =	vst v0  }
0x1e: {  	[spmem:s9] =	stream.linear.scatter [tilespmem:s20], [sflag:$0x4], $0x1800, $0x38;
	[tilespmem:$0xB800] =	vst v63  }
0x1f: {  	_ =	swait.ge [sflag:s21], $0x1800  }
0x20: {  	[sflag:s21] =	ssyncset.done $0x0  }
0x21: {  	s0 =	rddreg [dreg:$0x5];
	[sflag:s21] =	ssyncadd.s32 $0xFFFFE800  }
0x22: {  	[spmem:s0] =	stream.linear.scatter [tilespmem:s20], [sflag:$0x4], $0x1800, $0x38;
	[tilespmem:$0xB800] =	vst v63  }
0x23: {  	_ =	swait.ge [sflag:s21], $0x1800  }
0x24: {  	[sflag:s21] =	ssyncset.done $0x0  }
0x25: {  	s23 =	rddreg [dreg:$0x6];
	[sflag:s21] =	ssyncadd.s32 $0xFFFFE800  }
0x26: {  	[spmem:s23] =	stream.linear.scatter [tilespmem:s20], [sflag:$0x4], $0x1800, $0x38;
	[tilespmem:$0xB800] =	vst v63  }
0x27: {  	_ =	swait.ge [sflag:s21], $0x1800  }
0x28: {  	[sflag:s21] =	ssyncset.done $0x0  }
0x29: {  	s25 =	rddreg [dreg:$0x7];
	[sflag:s21] =	ssyncadd.s32 $0xFFFFE800  }
0x2a: {  	[spmem:s25] =	stream.linear.scatter [tilespmem:s20], [sflag:$0x4], $0x1800, $0x38;
	[tilespmem:$0xB800] =	vst v63  }
0x2b: {  	_ =	swait.ge [sflag:s21], $0x1800  }
0x2c: {  	[sflag:s21] =	ssyncset.done $0x0  }
0x2d: {  	s10 =	rddreg [dreg:$0x8];
	[sflag:s21] =	ssyncadd.s32 $0xFFFFE800  }
0x2e: {  	[spmem:s10] =	stream.linear.scatter [tilespmem:s20], [sflag:$0x4], $0x1800, $0x38;
	[tilespmem:$0xB800] =	vst v63  }
0x2f: {  	_ =	swait.ge [sflag:s21], $0x1800  }
0x30: {  	[sflag:s21] =	ssyncset.done $0x0  }
0x31: {  	[sflag:s21] =	ssyncadd.s32 $0xFFFFE800  }
0x32: {  	[bflag:$0x0] =	sbarrier.arrive $0xFFFF  }
0x33: {  	s11 =	rddreg [dreg:$0x9]  }
0x34: {  	[tilespmem:s3], [sflag:$0x4] =	stream.linear.gather [hbm4b:s11+s3], $0x400, $0x38;
	[tilespmem:$0xB800] =	vst v63  }
0x35: {  	_ =	swait.ge [sflag:s21], $0x400  }
0x36: {  	[sflag:s21] =	ssyncset.done $0x0  }
0x37: {  	[sflag:s21] =	ssyncadd.s32 $0xFFFFFC00  }
0x38: {  	[tilespmem:s22], [sflag:$0x4] =	stream.linear.gather [hbm4b:s15+s3], $0x400, $0x38;
	[tilespmem:$0xB800] =	vst v63  }
0x39: {  	_ =	swait.ge [sflag:s21], $0x400  }
0x3a: {  	[sflag:s21] =	ssyncset.done $0x0  }
0x3b: {  	[sflag:s21] =	ssyncadd.s32 $0xFFFFFC00  }
0x3c: {  	[tilespmem:s20], [sflag:$0x1] =	stream.indirect.gather [hbm4b:s5+s8], $0x30, s3, s8, $0xb8;
	[tilespmem:$0xB800] =	vst v63  }
0x3d: {  	s30 =	simm.s32 $0x400  }
0x3e: {  	[tilespmem:s30], [sflag:$0x2] =	stream.linear.gather [hbm4b:s17+s3], $0x400, $0x38;
	[tilespmem:$0xB800] =	vst v63  }
0x3f: {  	s12 =	simm.s32 $0xC00;
	s10 =	simm.s32 $0x1  }
0x40: {  	[tilespmem:s12], [sflag:$0x2] =	stream.linear.gather [hbm4b:s18+s3], $0x400, $0x38;
	[tilespmem:$0xB800] =	vst v63  }
0x41: {  	s14 =	sand.u32 $0x7, s10;
	_ =	swait.ge [sflag:s10], $0x1800  }
0x42: {  	p0 =	sne.s32 s14, $0x0;
	[sflag:s10] =	ssyncset.done $0x0;
	s0 =	rddreg [dreg:$0x4]  }
0x43: {  	s13 =	simm.s32 $0x2800;
	[sflag:s10] =	ssyncadd.s32 $0xFFFFE800;
	p1 =	sle.u32 @!p0 s0, $0x1  }
0x44: {  	[tilespmem:s13], [sflag:$0x1] =	stream.indirect.gather [hbm4b:s5+s8], $0x30, s8, s8, $0xb8;
	[tilespmem:$0xB800] =	vst v63  }
0x45: {  	s0 =	simm.s32 $0x0;
	p0 =	por p1, p0  }
0x46: {  	s0 =	sxor.u32 @!p0 $0xFFFFFFFF, s0  }
0x47: {  	[spmem:s2] =	stream.indirect.scatter.add.f32 [tilespmem:s20], [sflag:$0x3], $0x30, s22, s8, $0xb8;
	[tilespmem:$0xB800] =	vst v63  }
0x48: {  	p2 =	sne.s32 s7, $0x2;
	s23 =	sshrl.u32 @!p0 s4, $0x3;
	s0 =	sshll.u32 @!p0 s0, $0xA  }
0x49: {  	s25 =	simm.s32 @!p0 $0x0;
	s31 =	sadd.s32 @!p0 s6, s23;
	s0 =	sand.u32 @!p0 $0x400, s0  }
0x4a: {  	[tilespmem:s0], [sflag:$0x2] =	stream.linear.gather @!p0 [hbm4b:s31+s25], $0x400, $0x38;
	[tilespmem:$0xB800] =	vst v63  }
0x4b: {  	p1 =	sne.s32 s14, $0x7;
	s23 =	sadd.s32 @!p0 s1, s23;
	s0 =	sor.u32 @!p0 $0x800, s0  }
0x4c: {  	[tilespmem:s0], [sflag:$0x2] =	stream.linear.gather @!p0 [hbm4b:s23+s25], $0x400, $0x38;
	[tilespmem:$0xB800] =	vst v63  }
0x4d: {  	s19 =	sshll.u32 s14, $0x7;
	p0 =	sle.u32 @!p1 s7, $0x2;
	_ =	swait.ge [sflag:s26], $0x1800  }
0x4e: {  	s10 =	sand.u32 $0x1, s10;
	p1 =	por p0, p1;
	[sflag:s26] =	ssyncset.done $0x0  }
0x4f: {  	s25 =	simm.s32 $0x0;
	s11 =	simm.s32 @!p1 $0x2;
	[sflag:s26] =	ssyncadd.s32 $0xFFFFE800  }
0x50: {  	s31 =	simm.s32 $0x2;
	s0 =	sand.u32 $0x400, s25;
	_ =	swait.ge @!p1 [sflag:s11], $0x400  }
0x51: {  	p0 =	sle.u32 s7, $0x2;
	s0 =	sor.u32 s19, s0;
	[sflag:s11] =	ssyncset.done @!p1 $0x0  }
0x52: {  	s19 =	sand.u32 @!p0 $0x1, s31;
	s23 =	simm.s32 @!p0 $0x80;
	[sflag:s11] =	ssyncadd.s32 @!p1 $0xFFFFFC00  }
.Ltmp1:
0x53: {  	s25 =	simm.s32 @!p0 $0x2800;
	_ =	swait.ge @!p1 [sflag:s11], $0x400;
	(pc) =	sbr.rel @!p2 .LBB2_5-.Ltmp1, $4  }
0x54: {  	s0 =	sor.u32 $0x800, s0;
	p3 =	seq.s32 @!p0 s19, $0x1;
	[sflag:s11] =	ssyncset.done @!p1 $0x0  }
0x55: {  	s19 =	smov.u32 s4;
	p3 =	por !p3, p0;
	[sflag:s11] =	ssyncadd.s32 @!p1 $0xFFFFFC00  }
0x56: {  	s25 =	simm.s32 @p3 $0x1000;
	s11 =	sand.u32 @!p0 $0x1E00, s30;
	_ =	swait.ge [sflag:s28], $0x1800  }
0x57: {  	p1 =	seq.s32 s10, $0x1;
	s10 =	sshrl.u32 @!p0 s11, $0x2;
	[sflag:s28] =	ssyncset.done $0x0  }
.LBB2_4:
0x58: {  	s11 =	sand.u32 $0x7, s31;
	[sflag:s28] =	ssyncadd.s32 $0xFFFFE800  }
0x59: {  	[tilespmem:s25], [sflag:$0x1] =	stream.indirect.gather @!p0 [hbm4b:s5+s23], $0x30, s10, s23, $0xb8;
	[tilespmem:$0xB800] =	vst v63  }
0x5a: {  	s12 =	rddreg [dreg:$0x4];
	s13 =	smov.u32 s31;
	p3 =	sne.s32 s11, $0x0  }
0x5b: {  	s31 =	sadd.s32 $0x1, s31;
	s19 =	sadd.s32 $0x80, s19;
	p4 =	sge.u32 @!p3 s13, s12  }
0x5c: {  	s10 =	sshrl.u32 s13, $0x3;
	s12 =	simm.s32 $0x2800;
	p3 =	por p4, p3  }
0x5d: {  	p0 =	sne.s32 s11, $0x7;
	s12 =	simm.s32 @!p1 $0x1000;
	s23 =	sxor.u32 @!p3 $0xFFFFFFFF, s10  }
0x5e: {  	[spmem:s2] =	stream.indirect.scatter.add.f32 [tilespmem:s12], [sflag:$0x3], $0x30, s0, s8, $0xb8;
	[tilespmem:$0xB800] =	vst v63  }
0x5f: {  	s11 =	sshll.u32 s11, $0x7;
	s25 =	sshrl.u32 @!p3 s19, $0x3;
	s23 =	sshll.u32 @!p3 s23, $0xA  }
0x60: {  	s14 =	simm.s32 @!p3 $0x0;
	s12 =	sadd.s32 @!p3 s6, s25;
	s0 =	sand.u32 @!p3 $0x400, s23  }
0x61: {  	[tilespmem:s0], [sflag:$0x2] =	stream.linear.gather @!p3 [hbm4b:s12+s14], $0x400, $0x38;
	[tilespmem:$0xB800] =	vst v63  }
0x62: {  	s10 =	sshll.u32 s10, $0xA;
	s25 =	sadd.s32 @!p3 s1, s25;
	s23 =	sor.u32 @!p3 $0x800, s0  }
0x63: {  	[tilespmem:s23], [sflag:$0x2] =	stream.linear.gather @!p3 [hbm4b:s25+s14], $0x400, $0x38;
	[tilespmem:$0xB800] =	vst v63  }
0x64: {  	p2 =	sge.u32 @!p0 s31, s7;
	s10 =	sand.u32 $0x400, s10;
	_ =	swait.ge [sflag:s26], $0x1800  }
0x65: {  	p1 =	por p2, p0;
	s10 =	sor.u32 s11, s10;
	[sflag:s26] =	ssyncset.done $0x0  }
0x66: {  	s0 =	sor.u32 $0x800, s10;
	s10 =	simm.s32 @!p1 $0x2;
	[sflag:s26] =	ssyncadd.s32 $0xFFFFE800  }
0x67: {  	_ =	swait.ge @!p1 [sflag:s10], $0x400  }
0x68: {  	s30 =	sadd.s32 $0x200, s30;
	p0 =	sge.u32 s31, s7;
	[sflag:s10] =	ssyncset.done @!p1 $0x0  }
0x69: {  	p2 =	sne.s32 s7, s31;
	s12 =	sand.u32 @!p0 $0x1, s31;
	[sflag:s10] =	ssyncadd.s32 @!p1 $0xFFFFFC00  }
.Ltmp2:
0x6a: {  	s14 =	sand.u32 $0x1, s13;
	_ =	swait.ge @!p1 [sflag:s10], $0x400;
	(pc) =	sbr.rel @p2 .LBB2_4-.Ltmp2, $4  }
0x6b: {  	s23 =	simm.s32 @!p0 $0x80;
	p3 =	seq.s32 @!p0 s12, $0x1;
	[sflag:s10] =	ssyncset.done @!p1 $0x0  }
0x6c: {  	s25 =	simm.s32 @!p0 $0x2800;
	p3 =	por !p3, p0;
	[sflag:s10] =	ssyncadd.s32 @!p1 $0xFFFFFC00  }
0x6d: {  	s25 =	simm.s32 @p3 $0x1000;
	s10 =	sand.u32 @!p0 $0x1E00, s30;
	_ =	swait.ge [sflag:s28], $0x1800  }
0x6e: {  	p1 =	seq.s32 s14, $0x1;
	s10 =	sshrl.u32 @!p0 s10, $0x2;
	[sflag:s28] =	ssyncset.done $0x0  }
.LBB2_5:
0x6f: {  	[sflag:s28] =	ssyncadd.s32 $0xFFFFE800  }
0x70: {  	[tilespmem:s25], [sflag:$0x1] =	stream.indirect.gather @!p0 [hbm4b:s5+s23], $0x30, s10, s23, $0xb8;
	[tilespmem:$0xB800] =	vst v63  }
0x71: {  	s10 =	simm.s32 $0x2800  }
0x72: {  	s10 =	simm.s32 @!p1 $0x1000  }
0x73: {  	[spmem:s2] =	stream.indirect.scatter.add.f32 [tilespmem:s10], [sflag:$0x3], $0x30, s0, s8, $0xb8;
	[tilespmem:$0xB800] =	vst v63  }
0x74: {  	s30 =	stileid.u32;
	_ =	swait.ge [sflag:s28], $0x1800  }
0x75: {  	s31 =	sshrl.u32 s9, $0x3;
	s29 =	sadd.s32 $0x1, s29;
	[sflag:s28] =	ssyncset.done $0x0  }
0x76: {  	p0 =	sne.s32 s29, s16;
	s0 =	sshll.u32 s30, $0x6;
	[sflag:s28] =	ssyncadd.s32 $0xFFFFE800  }
.Ltmp3:
0x77: {  	s0 =	sor.u32 $0x1C04, s0;
	[bflag:$0x0] =	sbarrier.arrive $0xFFFF;
	(pc) =	sbr.rel @p0 .LBB2_1-.Ltmp3, $4  }
0x78: {  	[hbm:s24], [sflag:s0] =	dma.local [spmem:s31], $0xF00  }
0x79: {  	_ =	swait.ge [sflag:s21], $0xF00  }
0x7a: {  	[sflag:s21] =	ssyncset.done $0x0  }
0x7b: {  	[sflag:s21] =	ssyncadd.s32 $0xFFFFF100  }
0x7c: {  	_ =	sfence.sel $0x180000  }
0x7d: {  	[bflag:$0x0] =	sbarrier.arrive $0xFFFF  }
0x7e: {  	_ =	strace $0x9000004D  }
0x7f: {  	s0 =	stileid.u32;
	[bflag:$0x2] =	sbarrier.arrive $0xFFFF  }
0x80: {  	p0 =	sne.s32 s0, $0x0;
	s0 =	rddreg [dreg:$0x3]  }
0x81: {  	s0 =	sadd.s32 @!p0 $0x100000, s0  }
0x82: {  	[sflag:s0] =	ssyncadd.tile.s32 @!p0 $0x1;
	_ =	shalt  }
.Lfunc_end2:
_tile_overlayer_lowered:
.L_overlay_start_2:
0x83: {  	(tag) =	ssettag $0x2  }
0x84: {  	s0 =	rddreg [dreg:$0x0];
	s2 =	stileid.u32  }
0x85: {  	s1 =	rddreg [dreg:$0x1];
	p0 =	sne.s32 s2, $0x0  }
0x86: {  	s3 =	rddreg [dreg:$0x2];
	[bflag:$0x3] =	sbarrier.arrive $0xFFFF;
	s2 =	simm.s32 @!p0 $0x1C04  }
0x87: {  	[timem:s3], [sflag:s2] =	dma.local @!p0 [hbm:s0], s1  }
0x88: {  	s0 =	simm.s32 @!p0 $0x4  }
0x89: {  	_ =	swait.ge @!p0 [sflag:s0], s1  }
0x8a: {  	s1 =	ssub.s32 @!p0 $0x0, s1;
	[sflag:s0] =	ssyncset.done @!p0 $0x0  }
0x8b: {  	[sflag:s0] =	ssyncadd.s32 @!p0 s1  }
0x8c: {  	[bflag:$0x3] =	sbarrier.arrive $0xFFFF  }
0x8d: {  	_ =	shalt  }

// kernel: kernel.8.cloned.1.call-start
scs
__scs_entry_jumppad:
0x0: {  	(pc) =	sbr.rel $0x88, $3  }
0x1: {  	(tag) =	ssettag $0x0;
	lr =	simm.s32 $0x1  }
0x2: {  	[smem:$0x3F9B] =	sst lr;
	_ =	strace $0xD0000000  }
0x3: {  	_ = 	snop  }
0x4: {  	_ = 	snop  }
0x5: {  	_ = 	snop  }
0x6: {  	_ = 	snop  }
0x7: {  	_ = 	snop  }
__scs_overlays_trampoline_lowered:
0x8: {  	[smem:$0x3FAA] =	sst s0  }
0x9: {  	[smem:$0x3FAB] =	sst s1  }
0xa: {  	[smem:$0x3FAC] =	sst s2  }
0xb: {  	[smem:$0x3FAD] =	sst s3  }
0xc: {  	[smem:$0x3FAE] =	sst s4  }
0xd: {  	[smem:$0x3FAF] =	sst s5  }
0xe: {  	[smem:$0x3FB0] =	sst s6  }
0xf: {  	[smem:$0x3FB1] =	sst s7  }
0x10: {  	[smem:$0x3FB2] =	sst s8  }
0x11: {  	[smem:$0x3FB3] =	sst s9;
	s0 =	simm.s32 @!p0 $0x0  }
0x12: {  	s1 =	sld [smem:$0x3F99];
	s0 =	simm.s32 @p0 $0x1  }
0x13: {  	[smem:$0x3FB4] =	sst s0;
	s0 =	simm.s32 @!p1 $0x0  }
0x14: {  	s2 =	sld [smem:$0x3F98];
	s0 =	simm.s32 @p1 $0x1  }
0x15: {  	[smem:$0x3FB5] =	sst s0;
	s0 =	simm.s32 @!p2 $0x0  }
0x16: {  	s3 =	sld [smem:$0x3FDB];
	s0 =	simm.s32 @p2 $0x1  }
0x17: {  	s4 =	simm.s32 $0x1BF5;
	[smem:$0x3FB7] =	sst s0  }
0x18: {  	s0 =	sld [smem:$0x3F9A];
	_ =	swait.ge [sflag:s4], $0x0  }
0x19: {  	s7 =	sld [smem:$0x3F9B]  }
0x1a: {  	s8 =	sadd.s32 $0xFFFFE003, lr  }
0x1b: {  	s9 =	sadd.s32 $0xFFFFFEF7, lr;
	s5 =	simm.s32 $0xFFFFFFFF;
	p2 =	slt.u32 s8, $0xFFFFF086  }
0x1c: {  	p1 =	slt.u32 s9, $0xF7A;
	s5 =	simm.s32 @!p2 $0x0  }
0x1d: {  	s5 =	simm.s32 @p1 $0x1;
	p0 =	seq.s32 s7, s2  }
0x1e: {  	s7 =	smul.u32 @!p0 $0xF7A, s2;
	p2 =	seq.s32 @!p0 s5, $0x0  }
0x1f: {  	s9 =	smul.u32 $0xF7A, s1;
	s8 =	simm.s32 @!p0 $0x1BF5;
	p2 =	por !p2, p0  }
0x20: {  	[sflag:s8] =	ssyncset.s32 @!p0 $0xFFFFF086;
	s6 =	sadd.s32 @!p0 s3, s7;
	s7 =	simm.s32 @!p0 $0x108  }
0x21: {  	s3 =	sadd.s32 s3, s9;
	s6 =	sadd.s32 @!p0 $0x88, s6;
	s7 =	simm.s32 @p2 $0x1082  }
0x22: {  	[simem:s7], [sflag:s8] =	dma.local @!p0 [hbm:s6], $0xF7A  }
0x23: {  	s9 =	sor.u32 $0xD0000000, s2;
	s6 =	simm.s32 $0x108;
	_ =	swait.ge @!p0 [sflag:s8], $0x0  }
0x24: {  	s3 =	sadd.s32 $0x88, s3;
	s6 =	simm.s32 @!p1 $0x1082;
	[sflag:s4] =	ssyncset.s32 $0xFFFFF086  }
0x25: {  	[simem:s6], [sflag:s4] =	dma.local [hbm:s3], $0xF7A  }
0x26: {  	[smem:$0x3F9B] =	sst s1;
	(tag) =	ssettag s2;
	_ =	strace s9  }
0x27: {  	s1 =	sld [smem:$0x3FAB]  }
0x28: {  	s2 =	sld [smem:$0x3FAC]  }
0x29: {  	s4 =	sld [smem:$0x3FAE]  }
0x2a: {  	p0 =	seq.s32 s5, $0x0;
	s5 =	sld [smem:$0x3FAF]  }
0x2b: {  	s6 =	sld [smem:$0x3FB0]  }
0x2c: {  	s7 =	sld [smem:$0x3FB1]  }
0x2d: {  	s3 =	simm.s32 $0x108;
	s8 =	sld [smem:$0x3FB2]  }
0x2e: {  	s3 =	simm.s32 @!p0 $0x1082;
	s9 =	sld [smem:$0x3FB3]  }
0x2f: {  	lr =	sadd.s32 s0, s3;
	s0 =	sld [smem:$0x3FAA]  }
0x30: {  	s3 =	sld [smem:$0x3FAD]  }
0x31: {  	[smem:$0x3FB6] =	sst s10  }
0x32: {  	s10 =	sld [smem:$0x3FB4];
	_ =	sdelay $0x3  }
0x33: {  	p0 =	seq.s32 s10, $0x1;
	s10 =	sld [smem:$0x3FB6];
	_ =	sdelay $0x3  }
0x34: {  	[smem:$0x3FB6] =	sst s10  }
0x35: {  	s10 =	sld [smem:$0x3FB5];
	_ =	sdelay $0x3  }
0x36: {  	p1 =	seq.s32 s10, $0x1;
	s10 =	sld [smem:$0x3FB6];
	_ =	sdelay $0x3  }
0x37: {  	[smem:$0x3FB6] =	sst s10  }
0x38: {  	s10 =	sld [smem:$0x3FB7]  }
0x39: {  	_ = 	snop;
	(pc) =	sbr.ind lr, $3  }
0x3a: {  	_ = 	snop  }
0x3b: {  	_ = 	snop  }
0x3c: {  	p2 =	seq.s32 s10, $0x1;
	s10 =	sld [smem:$0x3FB6]  }
0x3d: {  	_ =	shalt  }
0x3e: {  	_ =	shalt  }
0x3f: {  	_ =	shalt  }
0x40: {  	_ =	shalt  }
0x41: {  	_ =	shalt  }
0x42: {  	_ =	shalt  }
0x43: {  	_ =	shalt  }
0x44: {  	_ =	shalt  }
0x45: {  	_ =	shalt  }
0x46: {  	_ =	shalt  }
0x47: {  	_ =	shalt  }
0x48: {  	_ =	shalt  }
0x49: {  	_ =	shalt  }
0x4a: {  	_ =	shalt  }
0x4b: {  	_ =	shalt  }
0x4c: {  	_ =	shalt  }
0x4d: {  	_ =	shalt  }
0x4e: {  	_ =	shalt  }
0x4f: {  	_ =	shalt  }
0x50: {  	_ =	shalt  }
0x51: {  	_ =	shalt  }
0x52: {  	_ =	shalt  }
0x53: {  	_ =	shalt  }
0x54: {  	_ =	shalt  }
0x55: {  	_ =	shalt  }
0x56: {  	_ =	shalt  }
0x57: {  	_ =	shalt  }
0x58: {  	_ =	shalt  }
0x59: {  	_ =	shalt  }
0x5a: {  	_ =	shalt  }
0x5b: {  	_ =	shalt  }
0x5c: {  	_ =	shalt  }
0x5d: {  	_ =	shalt  }
0x5e: {  	_ =	shalt  }
0x5f: {  	_ =	shalt  }
0x60: {  	_ =	shalt  }
0x61: {  	_ =	shalt  }
0x62: {  	_ =	shalt  }
0x63: {  	_ =	shalt  }
0x64: {  	_ =	shalt  }
0x65: {  	_ =	shalt  }
0x66: {  	_ =	shalt  }
0x67: {  	_ =	shalt  }
0x68: {  	_ =	shalt  }
0x69: {  	_ =	shalt  }
0x6a: {  	_ =	shalt  }
0x6b: {  	_ =	shalt  }
0x6c: {  	_ =	shalt  }
0x6d: {  	_ =	shalt  }
0x6e: {  	_ =	shalt  }
0x6f: {  	_ =	shalt  }
0x70: {  	_ =	shalt  }
0x71: {  	_ =	shalt  }
0x72: {  	_ =	shalt  }
0x73: {  	_ =	shalt  }
0x74: {  	_ =	shalt  }
0x75: {  	_ =	shalt  }
0x76: {  	_ =	shalt  }
0x77: {  	_ =	shalt  }
0x78: {  	_ =	shalt  }
0x79: {  	_ =	shalt  }
0x7a: {  	_ =	shalt  }
0x7b: {  	_ =	shalt  }
0x7c: {  	_ =	shalt  }
0x7d: {  	_ =	shalt  }
0x7e: {  	_ =	shalt  }
0x7f: {  	_ =	shalt  }
0x80: {  	_ =	shalt  }
0x81: {  	_ =	shalt  }
0x82: {  	_ =	shalt  }
0x83: {  	_ =	shalt  }
0x84: {  	_ =	shalt  }
0x85: {  	_ =	shalt  }
0x86: {  	_ =	shalt  }
0x87: {  	_ =	shalt  }
.Lfunc_end0:
.L_simem_size_0:
called_computation_lowered:
.L_overlay_start_0:
0x88: {  	s2 =	sld [smem:$0x3FD9]  }
0x89: {  	s3 =	sld [smem:$0x3FFE];
	_ =	sdelay $0x1  }
0x8a: {  	s1 =	srdreg.scid  }
0x8b: {  	s0 =	sand.u32 $0x1, s1  }
0x8c: {  	s17 =	sshll.u32 s0, $0xA;
	s2 =	sadd.s32 s3, s2  }
0x8d: {  	s2 =	sadd.s32 s2, s17  }
0x8e: {  	[smem:$0x3FC2] =	sst s2  }
0x8f: {  	_ = 	snop  }
0x90: {  	s2 =	sld [smem:$0x3FD0];
	(tm) =	ssettm $0x1  }
0x91: {  	s18 =	sld [smem:$0x3FFB];
	_ =	sdelay $0x3  }
0x92: {  	_ =	strace s18  }
0x93: {  	s3 =	sld [smem:$0x3FFC];
	_ =	sdelay $0x3  }
0x94: {  	_ =	strace s3  }
0x95: {  	s3 =	sld [smem:$0x3FFD];
	_ =	sdelay $0x3  }
0x96: {  	_ =	strace s3  }
0x97: {  	_ =	strace $0x8FFFFFFF  }
0x98: {  	s19 =	sld [smem:$0x3FDB];
	_ =	sdelay $0x1  }
0x99: {  	s4 =	simm.s32 $_scs_section_size  }
0x9a: {  	s5 =	simm.s32 $_size__tile_overlayer_lowered;
	s6 =	simm.s32 $_tile_overlayer_lowered  }
0x9b: {  	s22 =	simm.s32 $0x1BFF;
	s21 =	sshll.u32 s6, $0x1;
	s3 =	sadd.s32 s4, s19  }
0x9c: {  	s7 =	simm.s32 $0x0;
	s20 =	sshll.u32 s5, $0x1;
	s5 =	sadd.s32 s21, s3  }
0x9d: {  	[timem:s7], [sflag:s22] =	dma.local [hbm:s5], s20  }
0x9e: {  	_ =	swait.ge [sflag:s22], s20  }
0x9f: {  	s4 =	ssub.s32 $0x0, s20;
	[sflag:s22] =	ssyncset.done $0x0  }
0xa0: {  	[sflag:s22] =	ssyncadd.s32 s4;
	_ =	sdelay $0x1  }
0xa1: {  	s23 =	simm.s32 $0x1B8B  }
0xa2: {  	_ =	swait.ge [sflag:s23], $0x1  }
0xa3: {  	[sflag:s23] =	ssyncset.done $0x0  }
0xa4: {  	s25 =	simm.s32 $0x1B8E;
	s24 =	sld [smem:$0x3FFE];
	[sflag:s23] =	ssyncadd.s32 $0xFFFFFFFF  }
0xa5: {  	s26 =	simm.s32 $execute0_lowered;
	[smem:$0x3FD2] =	sst s25  }
0xa6: {  	s5 =	sshll.u32 s26, $0x1;
	_ =	strace $0x80000046;
	[dreg:$0x1] =	wrdreg $0xFFFFFFFF  }
0xa7: {  	s28 =	simm.s32 $_size_execute0_lowered;
	s3 =	sadd.s32 s3, s5;
	[dreg:$0x0] =	wrdreg $0x0  }
0xa8: {  	s5 =	sshll.u32 s28, $0x1;
	[dreg:$0x2] =	wrdreg s3  }
0xa9: {  	[dreg:$0x3] =	wrdreg s5  }
0xaa: {  	[dreg:$0x4] =	wrdreg $0xC0  }
0xab: {  	_ =	task [dreg:s7], $0x5FFFF  }
0xac: {  	[dreg:$0x1] =	wrdreg $0xFFFFFFFF  }
0xad: {  	[dreg:$0x0] =	wrdreg $0x60  }
0xae: {  	[dreg:$0x2] =	wrdreg s2  }
0xaf: {  	[dreg:$0x3] =	wrdreg s24  }
0xb0: {  	[dreg:$0x4] =	wrdreg $0x30000  }
0xb1: {  	[dreg:$0x5] =	wrdreg $0x9  }
0xb2: {  	_ =	task.clear_ibuf [dreg:s7], $0x6FFFF;
	_ =	strace $0x90000046  }
0xb3: {  	s29 =	simm.s32 $0x9;
	_ =	strace $0x80000048  }
0xb4: {  	_ =	swait.ge [sflag:s29], $0x1  }
0xb5: {  	[sflag:s29] =	ssyncadd.s32 $0xFFFFFFFF  }
0xb6: {  	_ =	strace $0x90000048  }
0xb7: {  	_ =	sfence  }
0xb8: {  	s30 =	sld [smem:$0x0];
	_ =	sdelay $0x2  }
0xb9: {  	s31 =	sshll.u32 s1, $0xD;
	s1 =	sshrl.u32 s1, $0x2  }
0xba: {  	s3 =	sand.u32 $0x4000, s31;
	s1 =	sadd.s32 s1, s30  }
0xbb: {  	s0 =	sor.u32 s3, s0;
	s1 =	sshll.u32 s1, $0x11  }
0xbc: {  	s0 =	sor.u32 s1, s0  }
0xbd: {  	s0 =	sadd.s32 $0x8F2B, s0  }
0xbe: {  	[sflag:s0] =	ssyncadd.remote.s32 $0x1  }
0xbf: {  	_ =	sfence.sel $0xFFFF  }
0xc0: {  	[dreg:$0x0] =	wrdreg $0xFFFFFFFF;
	(pc) =	sbr.abs _section_cstart, $3  }
0xc1: {  	[dreg:$0x1] =	wrdreg $0xFFFFFFFF  }
0xc2: {  	_ =	task.clear_ibuf [dreg:s7], $0x2FFFF;
	_ =	strace $0x9FFFFFFF  }
0xc3: {  	(tm) =	ssettm $0x7FFFFFFF  }
tec
execute0_lowered:
.L_overlay_start_1:
0x0: {  	(tag) =	ssettag $0x1  }
0x1: {  	s6 =	rddreg [dreg:$0x0]  }
0x2: {  	s7 =	rddreg [dreg:$0x1]  }
0x3: {  	s1 =	rddreg [dreg:$0x2];
	s2 =	srdreg.scid  }
0x4: {  	s0 =	rddreg [dreg:$0x3];
	s3 =	simm.s32 $0x0;
	s5 =	sand.u32 $0x1, s2  }
0x5: {  	[smem:$0x7FF] =	sst s3;
	s2 =	stileid.u32;
	s4 =	sshll.u32 s5, $0x4  }
0x6: {  	_ =	strace $0x80000047;
	s8 =	smul.u32 $0x5000, s5;
	s10 =	ssub.s32 $0x2, s5  }
0x7: {  	s5 =	sadd.s32 $0x2600, s7;
	s12 =	smul.u32 $0x2800, s2;
	s31 =	sshll.u32 s2, $0x6  }
0x8: {  	s9 =	sor.u32 s2, s4;
	s4 =	sadd.s32 $0x2800, s7;
	s11 =	sshrl.u32 s10, $0x1  }
0x9: {  	s9 =	smul.u32 $0x500, s9;
	s7 =	sadd.s32 s8, s7;
	s29 =	ssub.s32 s10, s11  }
0xa: {  	s30 =	sadd.s32 s12, s1;
	s14 =	sshrl.u32 s12, $0x3;
	s8 =	simm.s32 $0x2800  }
0xb: {  	s10 =	sor.u32 $0x1C01, s31;
	s12 =	simm.s32 $0x80;
	s13 =	sadd.s32 $0x2E00, s7  }
0xc: {  	s7 =	smax.u32 s29, $0x1;
	s11 =	sshrl.u32 s30, $0x3;
	s6 =	sadd.s32 s6, s9  }
0xd: {  	s9 =	simm.s32 $0x1;
	s13 =	sadd.s32 s14, s13;
	s14 =	simm.s32 $0x0  }
.LBB2_1:
0xe: {  	[tilespmem:s8], [sflag:$0x1] =	stream.linear.gather [hbm4b:s5+s3], $0x800, $0x38;
	[tilespmem:$0x5800] =	vst v63  }
0xf: {  	_ =	swait.ge [sflag:s9], $0x800  }
0x10: {  	[sflag:s9] =	ssyncset.done $0x0  }
0x11: {  	[sflag:s9] =	ssyncadd.s32 $0xFFFFF800  }
0x12: {  	[tilespmem:s3], [sflag:$0x1] =	stream.linear.gather [hbm4b:s6+s3], $0x2800, $0x38;
	[tilespmem:$0x5800] =	vst v63  }
0x13: {  	_ =	swait.ge [sflag:s9], $0x2800  }
0x14: {  	[sflag:s9] =	ssyncset.done $0x0  }
0x15: {  	[sflag:s9] =	ssyncadd.s32 $0xFFFFD800  }
0x16: {  	[spmem:s11], [sflag:s10] =	dma.local [hbm:s4], $0x500  }
0x17: {  	_ =	swait.ge [sflag:s9], $0x500  }
0x18: {  	[sflag:s9] =	ssyncset.done $0x0  }
0x19: {  	[sflag:s9] =	ssyncadd.s32 $0xFFFFFB00  }
0x1a: {  	s15 =	simm.s32 $0x0;
	[bflag:$0x0] =	sbarrier.arrive $0xFFFF  }
0x1b: {  	[spmem:s1] =	stream.indirect.scatter.add.f32 [tilespmem:s8], [sflag:$0x1], $0x10, s15, s12, $0xb8;
	[tilespmem:$0x5800] =	vst v63  }
0x1c: {  	_ =	swait.ge [sflag:s9], $0x800  }
0x1d: {  	s15 =	simm.s32 $0x200;
	[sflag:s9] =	ssyncset.done $0x0  }
.LBB2_2:
0x1e: {  	s16 =	sshra.s32 s15, $0x2;
	[sflag:s9] =	ssyncadd.s32 $0xFFFFF800;
	p0 =	sne.s32 s15, $0x9E00  }
0x1f: {  	[spmem:s1] =	stream.indirect.scatter.add.f32 [tilespmem:s8], [sflag:$0x1], $0x10, s16, s12, $0xb8;
	[tilespmem:$0x5800] =	vst v63  }
.Ltmp0:
0x20: {  	_ = 	snop;
	(pc) =	sbr.rel @p0 .LBB2_2-.Ltmp0, $4  }
0x21: {  	_ = 	snop  }
0x22: {  	s15 =	sadd.s32 $0x200, s15  }
0x23: {  	_ =	swait.ge [sflag:s9], $0x800  }
0x24: {  	[sflag:s9] =	ssyncset.done $0x0  }
0x25: {  	s14 =	sadd.s32 $0x1, s14  }
0x26: {  	[sflag:s9] =	ssyncadd.s32 $0xFFFFF800;
	p0 =	sne.s32 s14, s7  }
.Ltmp1:
0x27: {  	[bflag:$0x0] =	sbarrier.arrive $0xFFFF;
	(pc) =	sbr.rel @p0 .LBB2_1-.Ltmp1, $4  }
0x28: {  	[hbm:s13], [sflag:s10] =	dma.local [spmem:s11], $0x500  }
0x29: {  	_ =	swait.ge [sflag:s9], $0x500  }
0x2a: {  	[sflag:s9] =	ssyncset.done $0x0  }
0x2b: {  	[sflag:s9] =	ssyncadd.s32 $0xFFFFFB00  }
0x2c: {  	_ =	sfence.sel $0x180000  }
0x2d: {  	[bflag:$0x0] =	sbarrier.arrive $0xFFFF  }
0x2e: {  	p0 =	sne.s32 s2, $0x0;
	_ =	strace $0x90000047  }
0x2f: {  	s0 =	sadd.s32 @!p0 $0x100000, s0;
	[bflag:$0x2] =	sbarrier.arrive $0xFFFF  }
0x30: {  	[sflag:s0] =	ssyncadd.tile.s32 @!p0 $0x1;
	_ =	shalt  }
.Lfunc_end2:
_tile_overlayer_lowered:
.L_overlay_start_2:
0x31: {  	(tag) =	ssettag $0x2  }
0x32: {  	s0 =	rddreg [dreg:$0x0];
	s2 =	stileid.u32  }
0x33: {  	s1 =	rddreg [dreg:$0x1];
	p0 =	sne.s32 s2, $0x0  }
0x34: {  	s3 =	rddreg [dreg:$0x2];
	[bflag:$0x3] =	sbarrier.arrive $0xFFFF;
	s2 =	simm.s32 @!p0 $0x1C01  }
0x35: {  	[timem:s3], [sflag:s2] =	dma.local @!p0 [hbm:s0], s1  }
0x36: {  	s0 =	simm.s32 @!p0 $0x1  }
0x37: {  	_ =	swait.ge @!p0 [sflag:s0], s1  }
0x38: {  	s1 =	ssub.s32 @!p0 $0x0, s1;
	[sflag:s0] =	ssyncset.done @!p0 $0x0  }
0x39: {  	[sflag:s0] =	ssyncadd.s32 @!p0 s1  }
0x3a: {  	[bflag:$0x3] =	sbarrier.arrive $0xFFFF  }
0x3b: {  	_ =	shalt  }

</sc_bundles>
